<compile_context>
chip_gen: v7x
topology: tpu7x:2x2x1
jax: 0.10.2.dev20260603
libtpu: 0.0.44.dev20260713+nightly
codegen_flags: <defaults>
</compile_context>

<pallas_src>
import functools

import jax
import jax.numpy as jnp
from jax import lax
from jax.experimental import pallas as pl
from jax.experimental.pallas import tpu as pltpu
from jax.experimental.pallas import tpu_sc as plsc

B = 4096
CTX = 20
E = 64

NC = 2
NS = 16
NW = NC * NS
BPW = B // NW
NCHUNK = 4
CPB = BPW // NCHUNK
ROWS_PER_CHUNK = CPB * CTX


def _sc_gather_body(table_hbm, ictx_hbm, o_hbm, in_sum_hbm, out_emb_hbm,
                    idx_v, oidx_v, rows_v, acc_v, orow_v, sem, sem2, osem):
  wid = lax.axis_index("s") * NC + lax.axis_index("c")
  base = wid * BPW

  pltpu.sync_copy(ictx_hbm.at[wid], idx_v)
  pltpu.sync_copy(o_hbm.at[pl.ds(base, BPW)], oidx_v)

  ocopy = pltpu.async_copy(table_hbm.at[oidx_v], orow_v, osem)

  sems = (sem, sem2)
  cp = pltpu.async_copy(table_hbm.at[idx_v.at[0]], rows_v.at[0], sems[0])
  for c in range(NCHUNK):
    buf = c % 2
    cp.wait()
    if c + 1 < NCHUNK:
      cp = pltpu.async_copy(
          table_hbm.at[idx_v.at[c + 1]], rows_v.at[1 - buf], sems[1 - buf])

    @pl.loop(0, CPB)
    def _sum_rows(b):
      row0 = b * CTX
      for k in range(E // 16):
        cols = pl.ds(k * 16, 16)
        acc = rows_v[buf, row0, cols]
        for t in range(1, CTX):
          acc = acc + rows_v[buf, row0 + t, cols]
        acc_v[c * CPB + b, cols] = acc

  pltpu.sync_copy(acc_v, in_sum_hbm.at[pl.ds(base, BPW)])
  ocopy.wait()
  pltpu.sync_copy(orow_v, out_emb_hbm.at[pl.ds(base, BPW)])


def _sc_gather(table, ictx, o):
  mesh = plsc.VectorSubcoreMesh(core_axis_name="c", subcore_axis_name="s")
  f = pl.kernel(
      _sc_gather_body,
      out_type=(
          jax.ShapeDtypeStruct((B, E), jnp.float32),
          jax.ShapeDtypeStruct((B, E), jnp.float32),
      ),
      mesh=mesh,
      compiler_params=pltpu.CompilerParams(use_tc_tiling_on_sc=False),
      scratch_types=[
          pltpu.VMEM((NCHUNK, ROWS_PER_CHUNK), jnp.int32),
          pltpu.VMEM((BPW,), jnp.int32),
          pltpu.VMEM((2, ROWS_PER_CHUNK, E), jnp.float32),
          pltpu.VMEM((BPW, E), jnp.float32),
          pltpu.VMEM((BPW, E), jnp.float32),
          pltpu.SemaphoreType.DMA,
          pltpu.SemaphoreType.DMA,
          pltpu.SemaphoreType.DMA,
      ],
  )
  return f(table, ictx, o)


def _tc_score_body(a_ref, b_ref, o_ref):
  a = a_ref[...] * (1.0 / CTX)
  s = lax.dot_general(
      a, b_ref[...], (((1,), (1,)), ((), ())),
      preferred_element_type=jnp.float32,
      precision=lax.Precision.DEFAULT,
  )
  o_ref[...] = jnp.minimum(s, 0.0) - jnp.log1p(jnp.exp(-jnp.abs(s)))


def _tc_score(in_sum, out_emb):
  BM = 512
  grid = (B // BM,)
  return pl.pallas_call(
      _tc_score_body,
      grid=grid,
      in_specs=[
          pl.BlockSpec((BM, E), lambda m: (m, 0)),
          pl.BlockSpec((B, E), lambda m: (0, 0)),
      ],
      out_specs=pl.BlockSpec((BM, B), lambda m: (m, 0)),
      out_shape=jax.ShapeDtypeStruct((B, B), jnp.float32),
  )(in_sum, out_emb)


@jax.jit
def kernel(i, o, table):
  ictx = i.reshape(NW, NCHUNK, ROWS_PER_CHUNK)
  in_sum, out_emb = _sc_gather(table, ictx, o)
  return _tc_score(in_sum, out_emb)

# --- scband reference (transcript-rebuilt; emitter-appended) ---
"""Pipeline reference for scband-cbow-word2vec-20744692040350 (READ-ONLY COPY).

The authoritative reference and input builder live on the scoring server;
editing this copy changes nothing except your own understanding.
"""

import jax, jax.numpy as jnp
import numpy as np

VOCAB = 1000000
EMBED = 64
PAD_VAL = 0
B = 4096
CTX = 20

def setup_inputs(seed: int = 0) -> dict:
    key = jax.random.key(seed)
    k1, k2, k3 = jax.random.split(key, 3)
    i = jax.random.randint(k1, (B, CTX), 0, VOCAB, dtype=jnp.int64 if jax.config.jax_enable_x64 else jnp.int32).astype(jnp.int32)
    o = jax.random.randint(k2, (B,), 0, VOCAB).astype(jnp.int32)
    # nn.Embedding weight initialized uniform_(-1, 1); padding row is overwritten by uniform_ in the torch code
    table = jax.random.uniform(k3, (VOCAB, EMBED), dtype=jnp.float32, minval=-1.0, maxval=1.0)
    return {"i": i, "o": o, "table": table}

def reference(i, o, table):
    # in_embeds = self.in_embeddings(i).mean(dim=1)
    in_embeds = jnp.take(table, i, axis=0).mean(axis=1)  # [B, E]
    # out_embeds = self.in_embeddings(o)
    out_embeds = jnp.take(table, o, axis=0)  # [B, E]
    # score = torch.mm(in_embeds, torch.t(out_embeds))
    score = in_embeds @ out_embeds.T  # [B, B]
    # probs = F.logsigmoid(score)
    probs = jax.nn.log_sigmoid(score)
    return probs

if __name__ == "__main__":
    import jax
    _d = setup_inputs()
    print(jax.jit(kernel)(*tuple(_d.values())))

</pallas_src>

<mosaic_0001>
#map = affine_map<(d0, d1) -> (0, 0)>
#map1 = affine_map<(d0, d1) -> (0, 0, 0)>
#map2 = affine_map<(d0, d1) -> (0)>
module attributes {stable_mosaic.version = 14 : i64} {
  func.func @_sc_gather_body(%arg0: i32, %arg1: i32, %arg2: memref<1000000x64xf32, #tpu.memory_space<hbm>>, %arg3: memref<32x4x640xi32, #tpu.memory_space<hbm>>, %arg4: memref<4096xi32, #tpu.memory_space<hbm>>, %arg5: memref<4096x64xf32, #tpu.memory_space<hbm>>, %arg6: memref<4096x64xf32, #tpu.memory_space<hbm>>, %arg7: memref<4x640xi32, #tpu.memory_space<vmem>>, %arg8: memref<128xi32, #tpu.memory_space<vmem>>, %arg9: memref<2x640x64xf32, #tpu.memory_space<vmem>>, %arg10: memref<128x64xf32, #tpu.memory_space<vmem>>, %arg11: memref<128x64xf32, #tpu.memory_space<vmem>>, %arg12: memref<!tpu.dma_semaphore, #tpu.memory_space<semaphore_mem>>, %arg13: memref<!tpu.dma_semaphore, #tpu.memory_space<semaphore_mem>>, %arg14: memref<!tpu.dma_semaphore, #tpu.memory_space<semaphore_mem>>) attributes {dimension_semantics = [#tpu.dimension_semantics<core_parallel>, #tpu.dimension_semantics<subcore_parallel>], iteration_bounds = array<i64: 2, 16>, scalar_prefetch = 0 : i64, scratch_operands = 8 : i64, tpu.core_type = #tpu.core_type<sc_vector_subcore>, window_params = [{transform_indices = #map}, {transform_indices = #map1}, {transform_indices = #map2}, {transform_indices = #map}, {transform_indices = #map}]} {
    %mul3A = arith.constant 2 : i32
    %mul3A_0 = arith.muli %arg1, %mul3A : i32
    %add3A = arith.addi %mul3A_0, %arg0 : i32
    %mul3A_1 = arith.constant 128 : i32
    %mul3A_2 = arith.muli %add3A, %mul3A_1 : i32
    "tpu.region"() ({
      %run_scoped3A = tpu.sem_alloc : memref<!tpu.dma_semaphore, #tpu.memory_space<semaphore_mem>>
      %dma_start3A_122 = arith.constant 0 : i32
      %dma_start3A_123 = arith.constant 0 : i32
      %dma_start3A_124 = tpu.memref_slice %arg3[%add3A, %dma_start3A_122, %dma_start3A_123] : memref<32x4x640xi32, #tpu.memory_space<hbm>> -> memref<1x4x640xi32, #tpu.memory_space<hbm>>
      %dma_start3A_125 = tpu.memref_squeeze %dma_start3A_124 : memref<1x4x640xi32, #tpu.memory_space<hbm>> -> memref<4x640xi32, #tpu.memory_space<hbm>>
      %dma_start3A_126 = arith.constant 0 : i32
      %dma_start3A_127 = arith.constant 0 : i32
      %dma_start3A_128 = tpu.memref_slice %arg3[%add3A, %dma_start3A_126, %dma_start3A_127] : memref<32x4x640xi32, #tpu.memory_space<hbm>> -> memref<1x4x640xi32, #tpu.memory_space<hbm>>
      %dma_start3A_129 = tpu.memref_squeeze %dma_start3A_128 : memref<1x4x640xi32, #tpu.memory_space<hbm>> -> memref<4x640xi32, #tpu.memory_space<hbm>>
      tpu.enqueue_dma source(%dma_start3A_129 : memref<4x640xi32, #tpu.memory_space<hbm>>) target(%arg7 : memref<4x640xi32, #tpu.memory_space<vmem>>) target_semaphore(%run_scoped3A : memref<!tpu.dma_semaphore, #tpu.memory_space<semaphore_mem>>)
      %dma_wait3A_130 = arith.constant 0 : i32
      %dma_wait3A_131 = arith.constant 0 : i32
      %dma_wait3A_132 = tpu.memref_slice %arg3[%add3A, %dma_wait3A_130, %dma_wait3A_131] : memref<32x4x640xi32, #tpu.memory_space<hbm>> -> memref<1x4x640xi32, #tpu.memory_space<hbm>>
      %dma_wait3A_133 = tpu.memref_squeeze %dma_wait3A_132 : memref<1x4x640xi32, #tpu.memory_space<hbm>> -> memref<4x640xi32, #tpu.memory_space<hbm>>
      %dma_wait3A_134 = arith.constant 0 : i32
      %dma_wait3A_135 = arith.constant 0 : i32
      %dma_wait3A_136 = tpu.memref_slice %arg3[%add3A, %dma_wait3A_134, %dma_wait3A_135] : memref<32x4x640xi32, #tpu.memory_space<hbm>> -> memref<1x4x640xi32, #tpu.memory_space<hbm>>
      %dma_wait3A_137 = tpu.memref_squeeze %dma_wait3A_136 : memref<1x4x640xi32, #tpu.memory_space<hbm>> -> memref<4x640xi32, #tpu.memory_space<hbm>>
      tpu.wait_dma2 semaphore(%run_scoped3A : memref<!tpu.dma_semaphore, #tpu.memory_space<semaphore_mem>>) src(%dma_wait3A_137 : memref<4x640xi32, #tpu.memory_space<hbm>>) dst(%arg7 : memref<4x640xi32, #tpu.memory_space<vmem>>)
      tpu.yield
    }) : () -> ()
    "tpu.region"() ({
      %run_scoped3A = tpu.sem_alloc : memref<!tpu.dma_semaphore, #tpu.memory_space<semaphore_mem>>
      %dma_start3A_122 = tpu.memref_slice %arg4[%mul3A_2] : memref<4096xi32, #tpu.memory_space<hbm>> -> memref<128xi32, #tpu.memory_space<hbm>>
      %dma_start3A_123 = tpu.memref_slice %arg4[%mul3A_2] : memref<4096xi32, #tpu.memory_space<hbm>> -> memref<128xi32, #tpu.memory_space<hbm>>
      tpu.enqueue_dma source(%dma_start3A_123 : memref<128xi32, #tpu.memory_space<hbm>>) target(%arg8 : memref<128xi32, #tpu.memory_space<vmem>>) target_semaphore(%run_scoped3A : memref<!tpu.dma_semaphore, #tpu.memory_space<semaphore_mem>>)
      %dma_wait3A_124 = tpu.memref_slice %arg4[%mul3A_2] : memref<4096xi32, #tpu.memory_space<hbm>> -> memref<128xi32, #tpu.memory_space<hbm>>
      %dma_wait3A_125 = tpu.memref_slice %arg4[%mul3A_2] : memref<4096xi32, #tpu.memory_space<hbm>> -> memref<128xi32, #tpu.memory_space<hbm>>
      tpu.wait_dma2 semaphore(%run_scoped3A : memref<!tpu.dma_semaphore, #tpu.memory_space<semaphore_mem>>) src(%dma_wait3A_125 : memref<128xi32, #tpu.memory_space<hbm>>) dst(%arg8 : memref<128xi32, #tpu.memory_space<vmem>>)
      tpu.yield
    }) : () -> ()
    %dma_start3A = arith.constant 0 : i32
    %dma_start3A_3 = arith.constant 0 : i32
    %dma_start3A_4 = tpu.memref_slice %arg2[%dma_start3A, %dma_start3A_3] : memref<1000000x64xf32, #tpu.memory_space<hbm>> -> memref<1000000x64xf32, #tpu.memory_space<hbm>>
    tpu.enqueue_indirect_dma source(%dma_start3A_4 : memref<1000000x64xf32, #tpu.memory_space<hbm>>) target(%arg11 : memref<128x64xf32, #tpu.memory_space<vmem>>) offsets(%arg8 : memref<128xi32, #tpu.memory_space<vmem>>) semaphore(%arg14 : memref<!tpu.dma_semaphore, #tpu.memory_space<semaphore_mem>>)
    %dma_start3A_5 = arith.constant 0 : i32
    %dma_start3A_6 = arith.constant 0 : i32
    %dma_start3A_7 = arith.constant 0 : i32
    %dma_start3A_8 = arith.constant 0 : i32
    %dma_start3A_9 = tpu.memref_slice %arg9[%dma_start3A_6, %dma_start3A_7, %dma_start3A_8] : memref<2x640x64xf32, #tpu.memory_space<vmem>> -> memref<1x640x64xf32, #tpu.memory_space<vmem>>
    %dma_start3A_10 = tpu.memref_squeeze %dma_start3A_9 : memref<1x640x64xf32, #tpu.memory_space<vmem>> -> memref<640x64xf32, #tpu.memory_space<vmem>>
    %dma_start3A_11 = arith.constant 0 : i32
    %dma_start3A_12 = tpu.memref_slice %arg7[%dma_start3A_5, %dma_start3A_11] : memref<4x640xi32, #tpu.memory_space<vmem>> -> memref<1x640xi32, #tpu.memory_space<vmem>>
    %dma_start3A_13 = tpu.memref_squeeze %dma_start3A_12 : memref<1x640xi32, #tpu.memory_space<vmem>> -> memref<640xi32, #tpu.memory_space<vmem>>
    %dma_start3A_14 = arith.constant 0 : i32
    %dma_start3A_15 = arith.constant 0 : i32
    %dma_start3A_16 = tpu.memref_slice %arg2[%dma_start3A_14, %dma_start3A_15] : memref<1000000x64xf32, #tpu.memory_space<hbm>> -> memref<1000000x64xf32, #tpu.memory_space<hbm>>
    tpu.enqueue_indirect_dma source(%dma_start3A_16 : memref<1000000x64xf32, #tpu.memory_space<hbm>>) target(%dma_start3A_10 : memref<640x64xf32, #tpu.memory_space<vmem>>) offsets(%dma_start3A_13 : memref<640xi32, #tpu.memory_space<vmem>>) semaphore(%arg12 : memref<!tpu.dma_semaphore, #tpu.memory_space<semaphore_mem>>)
    %dma_wait3A = arith.constant 0 : i32
    %dma_wait3A_17 = arith.constant 0 : i32
    %dma_wait3A_18 = arith.constant 0 : i32
    %dma_wait3A_19 = arith.constant 0 : i32
    %dma_wait3A_20 = tpu.memref_slice %arg9[%dma_wait3A_17, %dma_wait3A_18, %dma_wait3A_19] : memref<2x640x64xf32, #tpu.memory_space<vmem>> -> memref<1x640x64xf32, #tpu.memory_space<vmem>>
    %dma_wait3A_21 = tpu.memref_squeeze %dma_wait3A_20 : memref<1x640x64xf32, #tpu.memory_space<vmem>> -> memref<640x64xf32, #tpu.memory_space<vmem>>
    %dma_wait3A_22 = arith.constant 0 : i32
    %dma_wait3A_23 = tpu.memref_slice %arg7[%dma_wait3A, %dma_wait3A_22] : memref<4x640xi32, #tpu.memory_space<vmem>> -> memref<1x640xi32, #tpu.memory_space<vmem>>
    %dma_wait3A_24 = tpu.memref_squeeze %dma_wait3A_23 : memref<1x640xi32, #tpu.memory_space<vmem>> -> memref<640xi32, #tpu.memory_space<vmem>>
    %dma_wait3A_25 = arith.constant 0 : i32
    %dma_wait3A_26 = arith.constant 0 : i32
    %dma_wait3A_27 = tpu.memref_slice %arg2[%dma_wait3A_25, %dma_wait3A_26] : memref<1000000x64xf32, #tpu.memory_space<hbm>> -> memref<1000000x64xf32, #tpu.memory_space<hbm>>
    tpu.wait_indirect_dma semaphore(%arg12 : memref<!tpu.dma_semaphore, #tpu.memory_space<semaphore_mem>>) src(%dma_wait3A_27 : memref<1000000x64xf32, #tpu.memory_space<hbm>>) dst(%dma_wait3A_21 : memref<640x64xf32, #tpu.memory_space<vmem>>)
    %dma_start3A_28 = arith.constant 1 : i32
    %dma_start3A_29 = arith.constant 1 : i32
    %dma_start3A_30 = arith.constant 0 : i32
    %dma_start3A_31 = arith.constant 0 : i32
    %dma_start3A_32 = tpu.memref_slice %arg9[%dma_start3A_29, %dma_start3A_30, %dma_start3A_31] : memref<2x640x64xf32, #tpu.memory_space<vmem>> -> memref<1x640x64xf32, #tpu.memory_space<vmem>>
    %dma_start3A_33 = tpu.memref_squeeze %dma_start3A_32 : memref<1x640x64xf32, #tpu.memory_space<vmem>> -> memref<640x64xf32, #tpu.memory_space<vmem>>
    %dma_start3A_34 = arith.constant 0 : i32
    %dma_start3A_35 = tpu.memref_slice %arg7[%dma_start3A_28, %dma_start3A_34] : memref<4x640xi32, #tpu.memory_space<vmem>> -> memref<1x640xi32, #tpu.memory_space<vmem>>
    %dma_start3A_36 = tpu.memref_squeeze %dma_start3A_35 : memref<1x640xi32, #tpu.memory_space<vmem>> -> memref<640xi32, #tpu.memory_space<vmem>>
    %dma_start3A_37 = arith.constant 0 : i32
    %dma_start3A_38 = arith.constant 0 : i32
    %dma_start3A_39 = tpu.memref_slice %arg2[%dma_start3A_37, %dma_start3A_38] : memref<1000000x64xf32, #tpu.memory_space<hbm>> -> memref<1000000x64xf32, #tpu.memory_space<hbm>>
    tpu.enqueue_indirect_dma source(%dma_start3A_39 : memref<1000000x64xf32, #tpu.memory_space<hbm>>) target(%dma_start3A_33 : memref<640x64xf32, #tpu.memory_space<vmem>>) offsets(%dma_start3A_36 : memref<640xi32, #tpu.memory_space<vmem>>) semaphore(%arg13 : memref<!tpu.dma_semaphore, #tpu.memory_space<semaphore_mem>>)
    %scan3A = arith.constant 0 : i32
    %scan3A_40 = arith.constant 32 : i32
    %scan3A_41 = arith.addi %scan3A, %scan3A_40 : i32
    %scan3A_42 = arith.constant 1 : i32
    scf.for %scan3A_122 = %scan3A to %scan3A_41 step %scan3A_42  : i32 {
      %mul3A_123 = arith.constant 1 : i32
      %mul3A_124 = arith.muli %scan3A_122, %mul3A_123 : i32
      %add3A_125 = arith.constant 0 : i32
      %add3A_126 = arith.addi %add3A_125, %mul3A_124 : i32
      %mul3A_127 = arith.constant 20 : i32
      %mul3A_128 = arith.muli %add3A_126, %mul3A_127 : i32
      %get3A = arith.constant 0 : i32
      %get3A_129 = arith.index_cast %get3A : i32 to index
      %get3A_130 = arith.index_cast %mul3A_128 : i32 to index
      %get3A_131 = arith.constant 0 : index
      %get3A_132 = tpu.vector_load %arg9[%get3A_129, %get3A_130, %get3A_131] {strides = array<i32>} : memref<2x640x64xf32, #tpu.memory_space<vmem>>, vector<1x1x16xf32>,
      %get3A_133 = vector.shape_cast %get3A_132 : vector<1x1x16xf32> to vector<16xf32>
      %add3A_134 = arith.constant 1 : i32
      %add3A_135 = arith.addi %mul3A_128, %add3A_134 : i32
      %get3A_136 = arith.constant 0 : i32
      %get3A_137 = arith.index_cast %get3A_136 : i32 to index
      %get3A_138 = arith.index_cast %add3A_135 : i32 to index
      %get3A_139 = arith.constant 0 : index
      %get3A_140 = tpu.vector_load %arg9[%get3A_137, %get3A_138, %get3A_139] {strides = array<i32>} : memref<2x640x64xf32, #tpu.memory_space<vmem>>, vector<1x1x16xf32>,
      %get3A_141 = vector.shape_cast %get3A_140 : vector<1x1x16xf32> to vector<16xf32>
      %add3A_142 = arith.addf %get3A_133, %get3A_141 : vector<16xf32>
      %add3A_143 = arith.constant 2 : i32
      %add3A_144 = arith.addi %mul3A_128, %add3A_143 : i32
      %get3A_145 = arith.constant 0 : i32
      %get3A_146 = arith.index_cast %get3A_145 : i32 to index
      %get3A_147 = arith.index_cast %add3A_144 : i32 to index
      %get3A_148 = arith.constant 0 : index
      %get3A_149 = tpu.vector_load %arg9[%get3A_146, %get3A_147, %get3A_148] {strides = array<i32>} : memref<2x640x64xf32, #tpu.memory_space<vmem>>, vector<1x1x16xf32>,
      %get3A_150 = vector.shape_cast %get3A_149 : vector<1x1x16xf32> to vector<16xf32>
      %add3A_151 = arith.addf %add3A_142, %get3A_150 : vector<16xf32>
      %add3A_152 = arith.constant 3 : i32
      %add3A_153 = arith.addi %mul3A_128, %add3A_152 : i32
      %get3A_154 = arith.constant 0 : i32
      %get3A_155 = arith.index_cast %get3A_154 : i32 to index
      %get3A_156 = arith.index_cast %add3A_153 : i32 to index
      %get3A_157 = arith.constant 0 : index
      %get3A_158 = tpu.vector_load %arg9[%get3A_155, %get3A_156, %get3A_157] {strides = array<i32>} : memref<2x640x64xf32, #tpu.memory_space<vmem>>, vector<1x1x16xf32>,
      %get3A_159 = vector.shape_cast %get3A_158 : vector<1x1x16xf32> to vector<16xf32>
      %add3A_160 = arith.addf %add3A_151, %get3A_159 : vector<16xf32>
      %add3A_161 = arith.constant 4 : i32
      %add3A_162 = arith.addi %mul3A_128, %add3A_161 : i32
      %get3A_163 = arith.constant 0 : i32
      %get3A_164 = arith.index_cast %get3A_163 : i32 to index
      %get3A_165 = arith.index_cast %add3A_162 : i32 to index
      %get3A_166 = arith.constant 0 : index
      %get3A_167 = tpu.vector_load %arg9[%get3A_164, %get3A_165, %get3A_166] {strides = array<i32>} : memref<2x640x64xf32, #tpu.memory_space<vmem>>, vector<1x1x16xf32>,
      %get3A_168 = vector.shape_cast %get3A_167 : vector<1x1x16xf32> to vector<16xf32>
      %add3A_169 = arith.addf %add3A_160, %get3A_168 : vector<16xf32>
      %add3A_170 = arith.constant 5 : i32
      %add3A_171 = arith.addi %mul3A_128, %add3A_170 : i32
      %get3A_172 = arith.constant 0 : i32
      %get3A_173 = arith.index_cast %get3A_172 : i32 to index
      %get3A_174 = arith.index_cast %add3A_171 : i32 to index
      %get3A_175 = arith.constant 0 : index
      %get3A_176 = tpu.vector_load %arg9[%get3A_173, %get3A_174, %get3A_175] {strides = array<i32>} : memref<2x640x64xf32, #tpu.memory_space<vmem>>, vector<1x1x16xf32>,
      %get3A_177 = vector.shape_cast %get3A_176 : vector<1x1x16xf32> to vector<16xf32>
      %add3A_178 = arith.addf %add3A_169, %get3A_177 : vector<16xf32>
      %add3A_179 = arith.constant 6 : i32
      %add3A_180 = arith.addi %mul3A_128, %add3A_179 : i32
      %get3A_181 = arith.constant 0 : i32
      %get3A_182 = arith.index_cast %get3A_181 : i32 to index
      %get3A_183 = arith.index_cast %add3A_180 : i32 to index
      %get3A_184 = arith.constant 0 : index
      %get3A_185 = tpu.vector_load %arg9[%get3A_182, %get3A_183, %get3A_184] {strides = array<i32>} : memref<2x640x64xf32, #tpu.memory_space<vmem>>, vector<1x1x16xf32>,
      %get3A_186 = vector.shape_cast %get3A_185 : vector<1x1x16xf32> to vector<16xf32>
      %add3A_187 = arith.addf %add3A_178, %get3A_186 : vector<16xf32>
      %add3A_188 = arith.constant 7 : i32
      %add3A_189 = arith.addi %mul3A_128, %add3A_188 : i32
      %get3A_190 = arith.constant 0 : i32
      %get3A_191 = arith.index_cast %get3A_190 : i32 to index
      %get3A_192 = arith.index_cast %add3A_189 : i32 to index
      %get3A_193 = arith.constant 0 : index
      %get3A_194 = tpu.vector_load %arg9[%get3A_191, %get3A_192, %get3A_193] {strides = array<i32>} : memref<2x640x64xf32, #tpu.memory_space<vmem>>, vector<1x1x16xf32>,
      %get3A_195 = vector.shape_cast %get3A_194 : vector<1x1x16xf32> to vector<16xf32>
      %add3A_196 = arith.addf %add3A_187, %get3A_195 : vector<16xf32>
      %add3A_197 = arith.constant 8 : i32
      %add3A_198 = arith.addi %mul3A_128, %add3A_197 : i32
      %get3A_199 = arith.constant 0 : i32
      %get3A_200 = arith.index_cast %get3A_199 : i32 to index
      %get3A_201 = arith.index_cast %add3A_198 : i32 to index
      %get3A_202 = arith.constant 0 : index
      %get3A_203 = tpu.vector_load %arg9[%get3A_200, %get3A_201, %get3A_202] {strides = array<i32>} : memref<2x640x64xf32, #tpu.memory_space<vmem>>, vector<1x1x16xf32>,
      %get3A_204 = vector.shape_cast %get3A_203 : vector<1x1x16xf32> to vector<16xf32>
      %add3A_205 = arith.addf %add3A_196, %get3A_204 : vector<16xf32>
      %add3A_206 = arith.constant 9 : i32
      %add3A_207 = arith.addi %mul3A_128, %add3A_206 : i32
      %get3A_208 = arith.constant 0 : i32
      %get3A_209 = arith.index_cast %get3A_208 : i32 to index
      %get3A_210 = arith.index_cast %add3A_207 : i32 to index
      %get3A_211 = arith.constant 0 : index
      %get3A_212 = tpu.vector_load %arg9[%get3A_209, %get3A_210, %get3A_211] {strides = array<i32>} : memref<2x640x64xf32, #tpu.memory_space<vmem>>, vector<1x1x16xf32>,
      %get3A_213 = vector.shape_cast %get3A_212 : vector<1x1x16xf32> to vector<16xf32>
      %add3A_214 = arith.addf %add3A_205, %get3A_213 : vector<16xf32>
      %add3A_215 = arith.constant 10 : i32
      %add3A_216 = arith.addi %mul3A_128, %add3A_215 : i32
      %get3A_217 = arith.constant 0 : i32
      %get3A_218 = arith.index_cast %get3A_217 : i32 to index
      %get3A_219 = arith.index_cast %add3A_216 : i32 to index
      %get3A_220 = arith.constant 0 : index
      %get3A_221 = tpu.vector_load %arg9[%get3A_218, %get3A_219, %get3A_220] {strides = array<i32>} : memref<2x640x64xf32, #tpu.memory_space<vmem>>, vector<1x1x16xf32>,
      %get3A_222 = vector.shape_cast %get3A_221 : vector<1x1x16xf32> to vector<16xf32>
      %add3A_223 = arith.addf %add3A_214, %get3A_222 : vector<16xf32>
      %add3A_224 = arith.constant 11 : i32
      %add3A_225 = arith.addi %mul3A_128, %add3A_224 : i32
      %get3A_226 = arith.constant 0 : i32
      %get3A_227 = arith.index_cast %get3A_226 : i32 to index
      %get3A_228 = arith.index_cast %add3A_225 : i32 to index
      %get3A_229 = arith.constant 0 : index
      %get3A_230 = tpu.vector_load %arg9[%get3A_227, %get3A_228, %get3A_229] {strides = array<i32>} : memref<2x640x64xf32, #tpu.memory_space<vmem>>, vector<1x1x16xf32>,
      %get3A_231 = vector.shape_cast %get3A_230 : vector<1x1x16xf32> to vector<16xf32>
      %add3A_232 = arith.addf %add3A_223, %get3A_231 : vector<16xf32>
      %add3A_233 = arith.constant 12 : i32
      %add3A_234 = arith.addi %mul3A_128, %add3A_233 : i32
      %get3A_235 = arith.constant 0 : i32
      %get3A_236 = arith.index_cast %get3A_235 : i32 to index
      %get3A_237 = arith.index_cast %add3A_234 : i32 to index
      %get3A_238 = arith.constant 0 : index
      %get3A_239 = tpu.vector_load %arg9[%get3A_236, %get3A_237, %get3A_238] {strides = array<i32>} : memref<2x640x64xf32, #tpu.memory_space<vmem>>, vector<1x1x16xf32>,
      %get3A_240 = vector.shape_cast %get3A_239 : vector<1x1x16xf32> to vector<16xf32>
      %add3A_241 = arith.addf %add3A_232, %get3A_240 : vector<16xf32>
      %add3A_242 = arith.constant 13 : i32
      %add3A_243 = arith.addi %mul3A_128, %add3A_242 : i32
      %get3A_244 = arith.constant 0 : i32
      %get3A_245 = arith.index_cast %get3A_244 : i32 to index
      %get3A_246 = arith.index_cast %add3A_243 : i32 to index
      %get3A_247 = arith.constant 0 : index
      %get3A_248 = tpu.vector_load %arg9[%get3A_245, %get3A_246, %get3A_247] {strides = array<i32>} : memref<2x640x64xf32, #tpu.memory_space<vmem>>, vector<1x1x16xf32>,
      %get3A_249 = vector.shape_cast %get3A_248 : vector<1x1x16xf32> to vector<16xf32>
      %add3A_250 = arith.addf %add3A_241, %get3A_249 : vector<16xf32>
      %add3A_251 = arith.constant 14 : i32
      %add3A_252 = arith.addi %mul3A_128, %add3A_251 : i32
      %get3A_253 = arith.constant 0 : i32
      %get3A_254 = arith.index_cast %get3A_253 : i32 to index
      %get3A_255 = arith.index_cast %add3A_252 : i32 to index
      %get3A_256 = arith.constant 0 : index
      %get3A_257 = tpu.vector_load %arg9[%get3A_254, %get3A_255, %get3A_256] {strides = array<i32>} : memref<2x640x64xf32, #tpu.memory_space<vmem>>, vector<1x1x16xf32>,
      %get3A_258 = vector.shape_cast %get3A_257 : vector<1x1x16xf32> to vector<16xf32>
      %add3A_259 = arith.addf %add3A_250, %get3A_258 : vector<16xf32>
      %add3A_260 = arith.constant 15 : i32
      %add3A_261 = arith.addi %mul3A_128, %add3A_260 : i32
      %get3A_262 = arith.constant 0 : i32
      %get3A_263 = arith.index_cast %get3A_262 : i32 to index
      %get3A_264 = arith.index_cast %add3A_261 : i32 to index
      %get3A_265 = arith.constant 0 : index
      %get3A_266 = tpu.vector_load %arg9[%get3A_263, %get3A_264, %get3A_265] {strides = array<i32>} : memref<2x640x64xf32, #tpu.memory_space<vmem>>, vector<1x1x16xf32>,
      %get3A_267 = vector.shape_cast %get3A_266 : vector<1x1x16xf32> to vector<16xf32>
      %add3A_268 = arith.addf %add3A_259, %get3A_267 : vector<16xf32>
      %add3A_269 = arith.constant 16 : i32
      %add3A_270 = arith.addi %mul3A_128, %add3A_269 : i32
      %get3A_271 = arith.constant 0 : i32
      %get3A_272 = arith.index_cast %get3A_271 : i32 to index
      %get3A_273 = arith.index_cast %add3A_270 : i32 to index
      %get3A_274 = arith.constant 0 : index
      %get3A_275 = tpu.vector_load %arg9[%get3A_272, %get3A_273, %get3A_274] {strides = array<i32>} : memref<2x640x64xf32, #tpu.memory_space<vmem>>, vector<1x1x16xf32>,
      %get3A_276 = vector.shape_cast %get3A_275 : vector<1x1x16xf32> to vector<16xf32>
      %add3A_277 = arith.addf %add3A_268, %get3A_276 : vector<16xf32>
      %add3A_278 = arith.constant 17 : i32
      %add3A_279 = arith.addi %mul3A_128, %add3A_278 : i32
      %get3A_280 = arith.constant 0 : i32
      %get3A_281 = arith.index_cast %get3A_280 : i32 to index
      %get3A_282 = arith.index_cast %add3A_279 : i32 to index
      %get3A_283 = arith.constant 0 : index
      %get3A_284 = tpu.vector_load %arg9[%get3A_281, %get3A_282, %get3A_283] {strides = array<i32>} : memref<2x640x64xf32, #tpu.memory_space<vmem>>, vector<1x1x16xf32>,
      %get3A_285 = vector.shape_cast %get3A_284 : vector<1x1x16xf32> to vector<16xf32>
      %add3A_286 = arith.addf %add3A_277, %get3A_285 : vector<16xf32>
      %add3A_287 = arith.constant 18 : i32
      %add3A_288 = arith.addi %mul3A_128, %add3A_287 : i32
      %get3A_289 = arith.constant 0 : i32
      %get3A_290 = arith.index_cast %get3A_289 : i32 to index
      %get3A_291 = arith.index_cast %add3A_288 : i32 to index
      %get3A_292 = arith.constant 0 : index
      %get3A_293 = tpu.vector_load %arg9[%get3A_290, %get3A_291, %get3A_292] {strides = array<i32>} : memref<2x640x64xf32, #tpu.memory_space<vmem>>, vector<1x1x16xf32>,
      %get3A_294 = vector.shape_cast %get3A_293 : vector<1x1x16xf32> to vector<16xf32>
      %add3A_295 = arith.addf %add3A_286, %get3A_294 : vector<16xf32>
      %add3A_296 = arith.constant 19 : i32
      %add3A_297 = arith.addi %mul3A_128, %add3A_296 : i32
      %get3A_298 = arith.constant 0 : i32
      %get3A_299 = arith.index_cast %get3A_298 : i32 to index
      %get3A_300 = arith.index_cast %add3A_297 : i32 to index
      %get3A_301 = arith.constant 0 : index
      %get3A_302 = tpu.vector_load %arg9[%get3A_299, %get3A_300, %get3A_301] {strides = array<i32>} : memref<2x640x64xf32, #tpu.memory_space<vmem>>, vector<1x1x16xf32>,
      %get3A_303 = vector.shape_cast %get3A_302 : vector<1x1x16xf32> to vector<16xf32>
      %add3A_304 = arith.addf %add3A_295, %get3A_303 : vector<16xf32>
      %add3A_305 = arith.constant 0 : i32
      %add3A_306 = arith.addi %add3A_305, %add3A_126 : i32
      %swap3A = arith.index_cast %add3A_306 : i32 to index
      %swap3A_307 = arith.constant 0 : index
      %swap3A_308 = tpu.vector_load %arg10[%swap3A, %swap3A_307] {strides = array<i32>} : memref<128x64xf32, #tpu.memory_space<vmem>>, vector<1x16xf32>,
      %swap3A_309 = vector.shape_cast %swap3A_308 : vector<1x16xf32> to vector<16xf32>
      %swap3A_310 = vector.shape_cast %add3A_304 : vector<16xf32> to vector<1x16xf32>
      tpu.vector_store %arg10[%swap3A, %swap3A_307], %swap3A_310 {strides = array<i32>} : memref<128x64xf32, #tpu.memory_space<vmem>>, vector<1x16xf32>,
      %get3A_311 = arith.constant 0 : i32
      %get3A_312 = arith.index_cast %get3A_311 : i32 to index
      %get3A_313 = arith.index_cast %mul3A_128 : i32 to index
      %get3A_314 = arith.constant 16 : index
      %get3A_315 = tpu.vector_load %arg9[%get3A_312, %get3A_313, %get3A_314] {strides = array<i32>} : memref<2x640x64xf32, #tpu.memory_space<vmem>>, vector<1x1x16xf32>,
      %get3A_316 = vector.shape_cast %get3A_315 : vector<1x1x16xf32> to vector<16xf32>
      %add3A_317 = arith.constant 1 : i32
      %add3A_318 = arith.addi %mul3A_128, %add3A_317 : i32
      %get3A_319 = arith.constant 0 : i32
      %get3A_320 = arith.index_cast %get3A_319 : i32 to index
      %get3A_321 = arith.index_cast %add3A_318 : i32 to index
      %get3A_322 = arith.constant 16 : index
      %get3A_323 = tpu.vector_load %arg9[%get3A_320, %get3A_321, %get3A_322] {strides = array<i32>} : memref<2x640x64xf32, #tpu.memory_space<vmem>>, vector<1x1x16xf32>,
      %get3A_324 = vector.shape_cast %get3A_323 : vector<1x1x16xf32> to vector<16xf32>
      %add3A_325 = arith.addf %get3A_316, %get3A_324 : vector<16xf32>
      %add3A_326 = arith.constant 2 : i32
      %add3A_327 = arith.addi %mul3A_128, %add3A_326 : i32
      %get3A_328 = arith.constant 0 : i32
      %get3A_329 = arith.index_cast %get3A_328 : i32 to index
      %get3A_330 = arith.index_cast %add3A_327 : i32 to index
      %get3A_331 = arith.constant 16 : index
      %get3A_332 = tpu.vector_load %arg9[%get3A_329, %get3A_330, %get3A_331] {strides = array<i32>} : memref<2x640x64xf32, #tpu.memory_space<vmem>>, vector<1x1x16xf32>,
      %get3A_333 = vector.shape_cast %get3A_332 : vector<1x1x16xf32> to vector<16xf32>
      %add3A_334 = arith.addf %add3A_325, %get3A_333 : vector<16xf32>
      %add3A_335 = arith.constant 3 : i32
      %add3A_336 = arith.addi %mul3A_128, %add3A_335 : i32
      %get3A_337 = arith.constant 0 : i32
      %get3A_338 = arith.index_cast %get3A_337 : i32 to index
      %get3A_339 = arith.index_cast %add3A_336 : i32 to index
      %get3A_340 = arith.constant 16 : index
      %get3A_341 = tpu.vector_load %arg9[%get3A_338, %get3A_339, %get3A_340] {strides = array<i32>} : memref<2x640x64xf32, #tpu.memory_space<vmem>>, vector<1x1x16xf32>,
      %get3A_342 = vector.shape_cast %get3A_341 : vector<1x1x16xf32> to vector<16xf32>
      %add3A_343 = arith.addf %add3A_334, %get3A_342 : vector<16xf32>
      %add3A_344 = arith.constant 4 : i32
      %add3A_345 = arith.addi %mul3A_128, %add3A_344 : i32
      %get3A_346 = arith.constant 0 : i32
      %get3A_347 = arith.index_cast %get3A_346 : i32 to index
      %get3A_348 = arith.index_cast %add3A_345 : i32 to index
      %get3A_349 = arith.constant 16 : index
      %get3A_350 = tpu.vector_load %arg9[%get3A_347, %get3A_348, %get3A_349] {strides = array<i32>} : memref<2x640x64xf32, #tpu.memory_space<vmem>>, vector<1x1x16xf32>,
      %get3A_351 = vector.shape_cast %get3A_350 : vector<1x1x16xf32> to vector<16xf32>
      %add3A_352 = arith.addf %add3A_343, %get3A_351 : vector<16xf32>
      %add3A_353 = arith.constant 5 : i32
      %add3A_354 = arith.addi %mul3A_128, %add3A_353 : i32
      %get3A_355 = arith.constant 0 : i32
      %get3A_356 = arith.index_cast %get3A_355 : i32 to index
      %get3A_357 = arith.index_cast %add3A_354 : i32 to index
      %get3A_358 = arith.constant 16 : index
      %get3A_359 = tpu.vector_load %arg9[%get3A_356, %get3A_357, %get3A_358] {strides = array<i32>} : memref<2x640x64xf32, #tpu.memory_space<vmem>>, vector<1x1x16xf32>,
      %get3A_360 = vector.shape_cast %get3A_359 : vector<1x1x16xf32> to vector<16xf32>
      %add3A_361 = arith.addf %add3A_352, %get3A_360 : vector<16xf32>
      %add3A_362 = arith.constant 6 : i32
      %add3A_363 = arith.addi %mul3A_128, %add3A_362 : i32
      %get3A_364 = arith.constant 0 : i32
      %get3A_365 = arith.index_cast %get3A_364 : i32 to index
      %get3A_366 = arith.index_cast %add3A_363 : i32 to index
      %get3A_367 = arith.constant 16 : index
      %get3A_368 = tpu.vector_load %arg9[%get3A_365, %get3A_366, %get3A_367] {strides = array<i32>} : memref<2x640x64xf32, #tpu.memory_space<vmem>>, vector<1x1x16xf32>,
      %get3A_369 = vector.shape_cast %get3A_368 : vector<1x1x16xf32> to vector<16xf32>
      %add3A_370 = arith.addf %add3A_361, %get3A_369 : vector<16xf32>
      %add3A_371 = arith.constant 7 : i32
      %add3A_372 = arith.addi %mul3A_128, %add3A_371 : i32
      %get3A_373 = arith.constant 0 : i32
      %get3A_374 = arith.index_cast %get3A_373 : i32 to index
      %get3A_375 = arith.index_cast %add3A_372 : i32 to index
      %get3A_376 = arith.constant 16 : index
      %get3A_377 = tpu.vector_load %arg9[%get3A_374, %get3A_375, %get3A_376] {strides = array<i32>} : memref<2x640x64xf32, #tpu.memory_space<vmem>>, vector<1x1x16xf32>,
      %get3A_378 = vector.shape_cast %get3A_377 : vector<1x1x16xf32> to vector<16xf32>
      %add3A_379 = arith.addf %add3A_370, %get3A_378 : vector<16xf32>
      %add3A_380 = arith.constant 8 : i32
      %add3A_381 = arith.addi %mul3A_128, %add3A_380 : i32
      %get3A_382 = arith.constant 0 : i32
      %get3A_383 = arith.index_cast %get3A_382 : i32 to index
      %get3A_384 = arith.index_cast %add3A_381 : i32 to index
      %get3A_385 = arith.constant 16 : index
      %get3A_386 = tpu.vector_load %arg9[%get3A_383, %get3A_384, %get3A_385] {strides = array<i32>} : memref<2x640x64xf32, #tpu.memory_space<vmem>>, vector<1x1x16xf32>,
      %get3A_387 = vector.shape_cast %get3A_386 : vector<1x1x16xf32> to vector<16xf32>
      %add3A_388 = arith.addf %add3A_379, %get3A_387 : vector<16xf32>
      %add3A_389 = arith.constant 9 : i32
      %add3A_390 = arith.addi %mul3A_128, %add3A_389 : i32
      %get3A_391 = arith.constant 0 : i32
      %get3A_392 = arith.index_cast %get3A_391 : i32 to index
      %get3A_393 = arith.index_cast %add3A_390 : i32 to index
      %get3A_394 = arith.constant 16 : index
      %get3A_395 = tpu.vector_load %arg9[%get3A_392, %get3A_393, %get3A_394] {strides = array<i32>} : memref<2x640x64xf32, #tpu.memory_space<vmem>>, vector<1x1x16xf32>,
      %get3A_396 = vector.shape_cast %get3A_395 : vector<1x1x16xf32> to vector<16xf32>
      %add3A_397 = arith.addf %add3A_388, %get3A_396 : vector<16xf32>
      %add3A_398 = arith.constant 10 : i32
      %add3A_399 = arith.addi %mul3A_128, %add3A_398 : i32
      %get3A_400 = arith.constant 0 : i32
      %get3A_401 = arith.index_cast %get3A_400 : i32 to index
      %get3A_402 = arith.index_cast %add3A_399 : i32 to index
      %get3A_403 = arith.constant 16 : index
      %get3A_404 = tpu.vector_load %arg9[%get3A_401, %get3A_402, %get3A_403] {strides = array<i32>} : memref<2x640x64xf32, #tpu.memory_space<vmem>>, vector<1x1x16xf32>,
      %get3A_405 = vector.shape_cast %get3A_404 : vector<1x1x16xf32> to vector<16xf32>
      %add3A_406 = arith.addf %add3A_397, %get3A_405 : vector<16xf32>
      %add3A_407 = arith.constant 11 : i32
      %add3A_408 = arith.addi %mul3A_128, %add3A_407 : i32
      %get3A_409 = arith.constant 0 : i32
      %get3A_410 = arith.index_cast %get3A_409 : i32 to index
      %get3A_411 = arith.index_cast %add3A_408 : i32 to index
      %get3A_412 = arith.constant 16 : index
      %get3A_413 = tpu.vector_load %arg9[%get3A_410, %get3A_411, %get3A_412] {strides = array<i32>} : memref<2x640x64xf32, #tpu.memory_space<vmem>>, vector<1x1x16xf32>,
      %get3A_414 = vector.shape_cast %get3A_413 : vector<1x1x16xf32> to vector<16xf32>
      %add3A_415 = arith.addf %add3A_406, %get3A_414 : vector<16xf32>
      %add3A_416 = arith.constant 12 : i32
      %add3A_417 = arith.addi %mul3A_128, %add3A_416 : i32
      %get3A_418 = arith.constant 0 : i32
      %get3A_419 = arith.index_cast %get3A_418 : i32 to index
      %get3A_420 = arith.index_cast %add3A_417 : i32 to index
      %get3A_421 = arith.constant 16 : index
      %get3A_422 = tpu.vector_load %arg9[%get3A_419, %get3A_420, %get3A_421] {strides = array<i32>} : memref<2x640x64xf32, #tpu.memory_space<vmem>>, vector<1x1x16xf32>,
      %get3A_423 = vector.shape_cast %get3A_422 : vector<1x1x16xf32> to vector<16xf32>
      %add3A_424 = arith.addf %add3A_415, %get3A_423 : vector<16xf32>
      %add3A_425 = arith.constant 13 : i32
      %add3A_426 = arith.addi %mul3A_128, %add3A_425 : i32
      %get3A_427 = arith.constant 0 : i32
      %get3A_428 = arith.index_cast %get3A_427 : i32 to index
      %get3A_429 = arith.index_cast %add3A_426 : i32 to index
      %get3A_430 = arith.constant 16 : index
      %get3A_431 = tpu.vector_load %arg9[%get3A_428, %get3A_429, %get3A_430] {strides = array<i32>} : memref<2x640x64xf32, #tpu.memory_space<vmem>>, vector<1x1x16xf32>,
      %get3A_432 = vector.shape_cast %get3A_431 : vector<1x1x16xf32> to vector<16xf32>
      %add3A_433 = arith.addf %add3A_424, %get3A_432 : vector<16xf32>
      %add3A_434 = arith.constant 14 : i32
      %add3A_435 = arith.addi %mul3A_128, %add3A_434 : i32
      %get3A_436 = arith.constant 0 : i32
      %get3A_437 = arith.index_cast %get3A_436 : i32 to index
      %get3A_438 = arith.index_cast %add3A_435 : i32 to index
      %get3A_439 = arith.constant 16 : index
      %get3A_440 = tpu.vector_load %arg9[%get3A_437, %get3A_438, %get3A_439] {strides = array<i32>} : memref<2x640x64xf32, #tpu.memory_space<vmem>>, vector<1x1x16xf32>,
      %get3A_441 = vector.shape_cast %get3A_440 : vector<1x1x16xf32> to vector<16xf32>
      %add3A_442 = arith.addf %add3A_433, %get3A_441 : vector<16xf32>
      %add3A_443 = arith.constant 15 : i32
      %add3A_444 = arith.addi %mul3A_128, %add3A_443 : i32
      %get3A_445 = arith.constant 0 : i32
      %get3A_446 = arith.index_cast %get3A_445 : i32 to index
      %get3A_447 = arith.index_cast %add3A_444 : i32 to index
      %get3A_448 = arith.constant 16 : index
      %get3A_449 = tpu.vector_load %arg9[%get3A_446, %get3A_447, %get3A_448] {strides = array<i32>} : memref<2x640x64xf32, #tpu.memory_space<vmem>>, vector<1x1x16xf32>,
      %get3A_450 = vector.shape_cast %get3A_449 : vector<1x1x16xf32> to vector<16xf32>
      %add3A_451 = arith.addf %add3A_442, %get3A_450 : vector<16xf32>
      %add3A_452 = arith.constant 16 : i32
      %add3A_453 = arith.addi %mul3A_128, %add3A_452 : i32
      %get3A_454 = arith.constant 0 : i32
      %get3A_455 = arith.index_cast %get3A_454 : i32 to index
      %get3A_456 = arith.index_cast %add3A_453 : i32 to index
      %get3A_457 = arith.constant 16 : index
      %get3A_458 = tpu.vector_load %arg9[%get3A_455, %get3A_456, %get3A_457] {strides = array<i32>} : memref<2x640x64xf32, #tpu.memory_space<vmem>>, vector<1x1x16xf32>,
      %get3A_459 = vector.shape_cast %get3A_458 : vector<1x1x16xf32> to vector<16xf32>
      %add3A_460 = arith.addf %add3A_451, %get3A_459 : vector<16xf32>
      %add3A_461 = arith.constant 17 : i32
      %add3A_462 = arith.addi %mul3A_128, %add3A_461 : i32
      %get3A_463 = arith.constant 0 : i32
      %get3A_464 = arith.index_cast %get3A_463 : i32 to index
      %get3A_465 = arith.index_cast %add3A_462 : i32 to index
      %get3A_466 = arith.constant 16 : index
      %get3A_467 = tpu.vector_load %arg9[%get3A_464, %get3A_465, %get3A_466] {strides = array<i32>} : memref<2x640x64xf32, #tpu.memory_space<vmem>>, vector<1x1x16xf32>,
      %get3A_468 = vector.shape_cast %get3A_467 : vector<1x1x16xf32> to vector<16xf32>
      %add3A_469 = arith.addf %add3A_460, %get3A_468 : vector<16xf32>
      %add3A_470 = arith.constant 18 : i32
      %add3A_471 = arith.addi %mul3A_128, %add3A_470 : i32
      %get3A_472 = arith.constant 0 : i32
      %get3A_473 = arith.index_cast %get3A_472 : i32 to index
      %get3A_474 = arith.index_cast %add3A_471 : i32 to index
      %get3A_475 = arith.constant 16 : index
      %get3A_476 = tpu.vector_load %arg9[%get3A_473, %get3A_474, %get3A_475] {strides = array<i32>} : memref<2x640x64xf32, #tpu.memory_space<vmem>>, vector<1x1x16xf32>,
      %get3A_477 = vector.shape_cast %get3A_476 : vector<1x1x16xf32> to vector<16xf32>
      %add3A_478 = arith.addf %add3A_469, %get3A_477 : vector<16xf32>
      %add3A_479 = arith.constant 19 : i32
      %add3A_480 = arith.addi %mul3A_128, %add3A_479 : i32
      %get3A_481 = arith.constant 0 : i32
      %get3A_482 = arith.index_cast %get3A_481 : i32 to index
      %get3A_483 = arith.index_cast %add3A_480 : i32 to index
      %get3A_484 = arith.constant 16 : index
      %get3A_485 = tpu.vector_load %arg9[%get3A_482, %get3A_483, %get3A_484] {strides = array<i32>} : memref<2x640x64xf32, #tpu.memory_space<vmem>>, vector<1x1x16xf32>,
      %get3A_486 = vector.shape_cast %get3A_485 : vector<1x1x16xf32> to vector<16xf32>
      %add3A_487 = arith.addf %add3A_478, %get3A_486 : vector<16xf32>
      %add3A_488 = arith.constant 0 : i32
      %add3A_489 = arith.addi %add3A_488, %add3A_126 : i32
      %swap3A_490 = arith.index_cast %add3A_489 : i32 to index
      %swap3A_491 = arith.constant 16 : index
      %swap3A_492 = tpu.vector_load %arg10[%swap3A_490, %swap3A_491] {strides = array<i32>} : memref<128x64xf32, #tpu.memory_space<vmem>>, vector<1x16xf32>,
      %swap3A_493 = vector.shape_cast %swap3A_492 : vector<1x16xf32> to vector<16xf32>
      %swap3A_494 = vector.shape_cast %add3A_487 : vector<16xf32> to vector<1x16xf32>
      tpu.vector_store %arg10[%swap3A_490, %swap3A_491], %swap3A_494 {strides = array<i32>} : memref<128x64xf32, #tpu.memory_space<vmem>>, vector<1x16xf32>,
      %get3A_495 = arith.constant 0 : i32
      %get3A_496 = arith.index_cast %get3A_495 : i32 to index
      %get3A_497 = arith.index_cast %mul3A_128 : i32 to index
      %get3A_498 = arith.constant 32 : index
      %get3A_499 = tpu.vector_load %arg9[%get3A_496, %get3A_497, %get3A_498] {strides = array<i32>} : memref<2x640x64xf32, #tpu.memory_space<vmem>>, vector<1x1x16xf32>,
      %get3A_500 = vector.shape_cast %get3A_499 : vector<1x1x16xf32> to vector<16xf32>
      %add3A_501 = arith.constant 1 : i32
      %add3A_502 = arith.addi %mul3A_128, %add3A_501 : i32
      %get3A_503 = arith.constant 0 : i32
      %get3A_504 = arith.index_cast %get3A_503 : i32 to index
      %get3A_505 = arith.index_cast %add3A_502 : i32 to index
      %get3A_506 = arith.constant 32 : index
      %get3A_507 = tpu.vector_load %arg9[%get3A_504, %get3A_505, %get3A_506] {strides = array<i32>} : memref<2x640x64xf32, #tpu.memory_space<vmem>>, vector<1x1x16xf32>,
      %get3A_508 = vector.shape_cast %get3A_507 : vector<1x1x16xf32> to vector<16xf32>
      %add3A_509 = arith.addf %get3A_500, %get3A_508 : vector<16xf32>
      %add3A_510 = arith.constant 2 : i32
      %add3A_511 = arith.addi %mul3A_128, %add3A_510 : i32
      %get3A_512 = arith.constant 0 : i32
      %get3A_513 = arith.index_cast %get3A_512 : i32 to index
      %get3A_514 = arith.index_cast %add3A_511 : i32 to index
      %get3A_515 = arith.constant 32 : index
      %get3A_516 = tpu.vector_load %arg9[%get3A_513, %get3A_514, %get3A_515] {strides = array<i32>} : memref<2x640x64xf32, #tpu.memory_space<vmem>>, vector<1x1x16xf32>,
      %get3A_517 = vector.shape_cast %get3A_516 : vector<1x1x16xf32> to vector<16xf32>
      %add3A_518 = arith.addf %add3A_509, %get3A_517 : vector<16xf32>
      %add3A_519 = arith.constant 3 : i32
      %add3A_520 = arith.addi %mul3A_128, %add3A_519 : i32
      %get3A_521 = arith.constant 0 : i32
      %get3A_522 = arith.index_cast %get3A_521 : i32 to index
      %get3A_523 = arith.index_cast %add3A_520 : i32 to index
      %get3A_524 = arith.constant 32 : index
      %get3A_525 = tpu.vector_load %arg9[%get3A_522, %get3A_523, %get3A_524] {strides = array<i32>} : memref<2x640x64xf32, #tpu.memory_space<vmem>>, vector<1x1x16xf32>,
      %get3A_526 = vector.shape_cast %get3A_525 : vector<1x1x16xf32> to vector<16xf32>
      %add3A_527 = arith.addf %add3A_518, %get3A_526 : vector<16xf32>
      %add3A_528 = arith.constant 4 : i32
      %add3A_529 = arith.addi %mul3A_128, %add3A_528 : i32
      %get3A_530 = arith.constant 0 : i32
      %get3A_531 = arith.index_cast %get3A_530 : i32 to index
      %get3A_532 = arith.index_cast %add3A_529 : i32 to index
      %get3A_533 = arith.constant 32 : index
      %get3A_534 = tpu.vector_load %arg9[%get3A_531, %get3A_532, %get3A_533] {strides = array<i32>} : memref<2x640x64xf32, #tpu.memory_space<vmem>>, vector<1x1x16xf32>,
      %get3A_535 = vector.shape_cast %get3A_534 : vector<1x1x16xf32> to vector<16xf32>
      %add3A_536 = arith.addf %add3A_527, %get3A_535 : vector<16xf32>
      %add3A_537 = arith.constant 5 : i32
      %add3A_538 = arith.addi %mul3A_128, %add3A_537 : i32
      %get3A_539 = arith.constant 0 : i32
      %get3A_540 = arith.index_cast %get3A_539 : i32 to index
      %get3A_541 = arith.index_cast %add3A_538 : i32 to index
      %get3A_542 = arith.constant 32 : index
      %get3A_543 = tpu.vector_load %arg9[%get3A_540, %get3A_541, %get3A_542] {strides = array<i32>} : memref<2x640x64xf32, #tpu.memory_space<vmem>>, vector<1x1x16xf32>,
      %get3A_544 = vector.shape_cast %get3A_543 : vector<1x1x16xf32> to vector<16xf32>
      %add3A_545 = arith.addf %add3A_536, %get3A_544 : vector<16xf32>
      %add3A_546 = arith.constant 6 : i32
      %add3A_547 = arith.addi %mul3A_128, %add3A_546 : i32
      %get3A_548 = arith.constant 0 : i32
      %get3A_549 = arith.index_cast %get3A_548 : i32 to index
      %get3A_550 = arith.index_cast %add3A_547 : i32 to index
      %get3A_551 = arith.constant 32 : index
      %get3A_552 = tpu.vector_load %arg9[%get3A_549, %get3A_550, %get3A_551] {strides = array<i32>} : memref<2x640x64xf32, #tpu.memory_space<vmem>>, vector<1x1x16xf32>,
      %get3A_553 = vector.shape_cast %get3A_552 : vector<1x1x16xf32> to vector<16xf32>
      %add3A_554 = arith.addf %add3A_545, %get3A_553 : vector<16xf32>
      %add3A_555 = arith.constant 7 : i32
      %add3A_556 = arith.addi %mul3A_128, %add3A_555 : i32
      %get3A_557 = arith.constant 0 : i32
      %get3A_558 = arith.index_cast %get3A_557 : i32 to index
      %get3A_559 = arith.index_cast %add3A_556 : i32 to index
      %get3A_560 = arith.constant 32 : index
      %get3A_561 = tpu.vector_load %arg9[%get3A_558, %get3A_559, %get3A_560] {strides = array<i32>} : memref<2x640x64xf32, #tpu.memory_space<vmem>>, vector<1x1x16xf32>,
      %get3A_562 = vector.shape_cast %get3A_561 : vector<1x1x16xf32> to vector<16xf32>
      %add3A_563 = arith.addf %add3A_554, %get3A_562 : vector<16xf32>
      %add3A_564 = arith.constant 8 : i32
      %add3A_565 = arith.addi %mul3A_128, %add3A_564 : i32
      %get3A_566 = arith.constant 0 : i32
      %get3A_567 = arith.index_cast %get3A_566 : i32 to index
      %get3A_568 = arith.index_cast %add3A_565 : i32 to index
      %get3A_569 = arith.constant 32 : index
      %get3A_570 = tpu.vector_load %arg9[%get3A_567, %get3A_568, %get3A_569] {strides = array<i32>} : memref<2x640x64xf32, #tpu.memory_space<vmem>>, vector<1x1x16xf32>,
      %get3A_571 = vector.shape_cast %get3A_570 : vector<1x1x16xf32> to vector<16xf32>
      %add3A_572 = arith.addf %add3A_563, %get3A_571 : vector<16xf32>
      %add3A_573 = arith.constant 9 : i32
      %add3A_574 = arith.addi %mul3A_128, %add3A_573 : i32
      %get3A_575 = arith.constant 0 : i32
      %get3A_576 = arith.index_cast %get3A_575 : i32 to index
      %get3A_577 = arith.index_cast %add3A_574 : i32 to index
      %get3A_578 = arith.constant 32 : index
      %get3A_579 = tpu.vector_load %arg9[%get3A_576, %get3A_577, %get3A_578] {strides = array<i32>} : memref<2x640x64xf32, #tpu.memory_space<vmem>>, vector<1x1x16xf32>,
      %get3A_580 = vector.shape_cast %get3A_579 : vector<1x1x16xf32> to vector<16xf32>
      %add3A_581 = arith.addf %add3A_572, %get3A_580 : vector<16xf32>
      %add3A_582 = arith.constant 10 : i32
      %add3A_583 = arith.addi %mul3A_128, %add3A_582 : i32
      %get3A_584 = arith.constant 0 : i32
      %get3A_585 = arith.index_cast %get3A_584 : i32 to index
      %get3A_586 = arith.index_cast %add3A_583 : i32 to index
      %get3A_587 = arith.constant 32 : index
      %get3A_588 = tpu.vector_load %arg9[%get3A_585, %get3A_586, %get3A_587] {strides = array<i32>} : memref<2x640x64xf32, #tpu.memory_space<vmem>>, vector<1x1x16xf32>,
      %get3A_589 = vector.shape_cast %get3A_588 : vector<1x1x16xf32> to vector<16xf32>
      %add3A_590 = arith.addf %add3A_581, %get3A_589 : vector<16xf32>
      %add3A_591 = arith.constant 11 : i32
      %add3A_592 = arith.addi %mul3A_128, %add3A_591 : i32
      %get3A_593 = arith.constant 0 : i32
      %get3A_594 = arith.index_cast %get3A_593 : i32 to index
      %get3A_595 = arith.index_cast %add3A_592 : i32 to index
      %get3A_596 = arith.constant 32 : index
      %get3A_597 = tpu.vector_load %arg9[%get3A_594, %get3A_595, %get3A_596] {strides = array<i32>} : memref<2x640x64xf32, #tpu.memory_space<vmem>>, vector<1x1x16xf32>,
      %get3A_598 = vector.shape_cast %get3A_597 : vector<1x1x16xf32> to vector<16xf32>
      %add3A_599 = arith.addf %add3A_590, %get3A_598 : vector<16xf32>
      %add3A_600 = arith.constant 12 : i32
      %add3A_601 = arith.addi %mul3A_128, %add3A_600 : i32
      %get3A_602 = arith.constant 0 : i32
      %get3A_603 = arith.index_cast %get3A_602 : i32 to index
      %get3A_604 = arith.index_cast %add3A_601 : i32 to index
      %get3A_605 = arith.constant 32 : index
      %get3A_606 = tpu.vector_load %arg9[%get3A_603, %get3A_604, %get3A_605] {strides = array<i32>} : memref<2x640x64xf32, #tpu.memory_space<vmem>>, vector<1x1x16xf32>,
      %get3A_607 = vector.shape_cast %get3A_606 : vector<1x1x16xf32> to vector<16xf32>
      %add3A_608 = arith.addf %add3A_599, %get3A_607 : vector<16xf32>
      %add3A_609 = arith.constant 13 : i32
      %add3A_610 = arith.addi %mul3A_128, %add3A_609 : i32
      %get3A_611 = arith.constant 0 : i32
      %get3A_612 = arith.index_cast %get3A_611 : i32 to index
      %get3A_613 = arith.index_cast %add3A_610 : i32 to index
      %get3A_614 = arith.constant 32 : index
      %get3A_615 = tpu.vector_load %arg9[%get3A_612, %get3A_613, %get3A_614] {strides = array<i32>} : memref<2x640x64xf32, #tpu.memory_space<vmem>>, vector<1x1x16xf32>,
      %get3A_616 = vector.shape_cast %get3A_615 : vector<1x1x16xf32> to vector<16xf32>
      %add3A_617 = arith.addf %add3A_608, %get3A_616 : vector<16xf32>
      %add3A_618 = arith.constant 14 : i32
      %add3A_619 = arith.addi %mul3A_128, %add3A_618 : i32
      %get3A_620 = arith.constant 0 : i32
      %get3A_621 = arith.index_cast %get3A_620 : i32 to index
      %get3A_622 = arith.index_cast %add3A_619 : i32 to index
      %get3A_623 = arith.constant 32 : index
      %get3A_624 = tpu.vector_load %arg9[%get3A_621, %get3A_622, %get3A_623] {strides = array<i32>} : memref<2x640x64xf32, #tpu.memory_space<vmem>>, vector<1x1x16xf32>,
      %get3A_625 = vector.shape_cast %get3A_624 : vector<1x1x16xf32> to vector<16xf32>
      %add3A_626 = arith.addf %add3A_617, %get3A_625 : vector<16xf32>
      %add3A_627 = arith.constant 15 : i32
      %add3A_628 = arith.addi %mul3A_128, %add3A_627 : i32
      %get3A_629 = arith.constant 0 : i32
      %get3A_630 = arith.index_cast %get3A_629 : i32 to index
      %get3A_631 = arith.index_cast %add3A_628 : i32 to index
      %get3A_632 = arith.constant 32 : index
      %get3A_633 = tpu.vector_load %arg9[%get3A_630, %get3A_631, %get3A_632] {strides = array<i32>} : memref<2x640x64xf32, #tpu.memory_space<vmem>>, vector<1x1x16xf32>,
      %get3A_634 = vector.shape_cast %get3A_633 : vector<1x1x16xf32> to vector<16xf32>
      %add3A_635 = arith.addf %add3A_626, %get3A_634 : vector<16xf32>
      %add3A_636 = arith.constant 16 : i32
      %add3A_637 = arith.addi %mul3A_128, %add3A_636 : i32
      %get3A_638 = arith.constant 0 : i32
      %get3A_639 = arith.index_cast %get3A_638 : i32 to index
      %get3A_640 = arith.index_cast %add3A_637 : i32 to index
      %get3A_641 = arith.constant 32 : index
      %get3A_642 = tpu.vector_load %arg9[%get3A_639, %get3A_640, %get3A_641] {strides = array<i32>} : memref<2x640x64xf32, #tpu.memory_space<vmem>>, vector<1x1x16xf32>,
      %get3A_643 = vector.shape_cast %get3A_642 : vector<1x1x16xf32> to vector<16xf32>
      %add3A_644 = arith.addf %add3A_635, %get3A_643 : vector<16xf32>
      %add3A_645 = arith.constant 17 : i32
      %add3A_646 = arith.addi %mul3A_128, %add3A_645 : i32
      %get3A_647 = arith.constant 0 : i32
      %get3A_648 = arith.index_cast %get3A_647 : i32 to index
      %get3A_649 = arith.index_cast %add3A_646 : i32 to index
      %get3A_650 = arith.constant 32 : index
      %get3A_651 = tpu.vector_load %arg9[%get3A_648, %get3A_649, %get3A_650] {strides = array<i32>} : memref<2x640x64xf32, #tpu.memory_space<vmem>>, vector<1x1x16xf32>,
      %get3A_652 = vector.shape_cast %get3A_651 : vector<1x1x16xf32> to vector<16xf32>
      %add3A_653 = arith.addf %add3A_644, %get3A_652 : vector<16xf32>
      %add3A_654 = arith.constant 18 : i32
      %add3A_655 = arith.addi %mul3A_128, %add3A_654 : i32
      %get3A_656 = arith.constant 0 : i32
      %get3A_657 = arith.index_cast %get3A_656 : i32 to index
      %get3A_658 = arith.index_cast %add3A_655 : i32 to index
      %get3A_659 = arith.constant 32 : index
      %get3A_660 = tpu.vector_load %arg9[%get3A_657, %get3A_658, %get3A_659] {strides = array<i32>} : memref<2x640x64xf32, #tpu.memory_space<vmem>>, vector<1x1x16xf32>,
      %get3A_661 = vector.shape_cast %get3A_660 : vector<1x1x16xf32> to vector<16xf32>
      %add3A_662 = arith.addf %add3A_653, %get3A_661 : vector<16xf32>
      %add3A_663 = arith.constant 19 : i32
      %add3A_664 = arith.addi %mul3A_128, %add3A_663 : i32
      %get3A_665 = arith.constant 0 : i32
      %get3A_666 = arith.index_cast %get3A_665 : i32 to index
      %get3A_667 = arith.index_cast %add3A_664 : i32 to index
      %get3A_668 = arith.constant 32 : index
      %get3A_669 = tpu.vector_load %arg9[%get3A_666, %get3A_667, %get3A_668] {strides = array<i32>} : memref<2x640x64xf32, #tpu.memory_space<vmem>>, vector<1x1x16xf32>,
      %get3A_670 = vector.shape_cast %get3A_669 : vector<1x1x16xf32> to vector<16xf32>
      %add3A_671 = arith.addf %add3A_662, %get3A_670 : vector<16xf32>
      %add3A_672 = arith.constant 0 : i32
      %add3A_673 = arith.addi %add3A_672, %add3A_126 : i32
      %swap3A_674 = arith.index_cast %add3A_673 : i32 to index
      %swap3A_675 = arith.constant 32 : index
      %swap3A_676 = tpu.vector_load %arg10[%swap3A_674, %swap3A_675] {strides = array<i32>} : memref<128x64xf32, #tpu.memory_space<vmem>>, vector<1x16xf32>,
      %swap3A_677 = vector.shape_cast %swap3A_676 : vector<1x16xf32> to vector<16xf32>
      %swap3A_678 = vector.shape_cast %add3A_671 : vector<16xf32> to vector<1x16xf32>
      tpu.vector_store %arg10[%swap3A_674, %swap3A_675], %swap3A_678 {strides = array<i32>} : memref<128x64xf32, #tpu.memory_space<vmem>>, vector<1x16xf32>,
      %get3A_679 = arith.constant 0 : i32
      %get3A_680 = arith.index_cast %get3A_679 : i32 to index
      %get3A_681 = arith.index_cast %mul3A_128 : i32 to index
      %get3A_682 = arith.constant 48 : index
      %get3A_683 = tpu.vector_load %arg9[%get3A_680, %get3A_681, %get3A_682] {strides = array<i32>} : memref<2x640x64xf32, #tpu.memory_space<vmem>>, vector<1x1x16xf32>,
      %get3A_684 = vector.shape_cast %get3A_683 : vector<1x1x16xf32> to vector<16xf32>
      %add3A_685 = arith.constant 1 : i32
      %add3A_686 = arith.addi %mul3A_128, %add3A_685 : i32
      %get3A_687 = arith.constant 0 : i32
      %get3A_688 = arith.index_cast %get3A_687 : i32 to index
      %get3A_689 = arith.index_cast %add3A_686 : i32 to index
      %get3A_690 = arith.constant 48 : index
      %get3A_691 = tpu.vector_load %arg9[%get3A_688, %get3A_689, %get3A_690] {strides = array<i32>} : memref<2x640x64xf32, #tpu.memory_space<vmem>>, vector<1x1x16xf32>,
      %get3A_692 = vector.shape_cast %get3A_691 : vector<1x1x16xf32> to vector<16xf32>
      %add3A_693 = arith.addf %get3A_684, %get3A_692 : vector<16xf32>
      %add3A_694 = arith.constant 2 : i32
      %add3A_695 = arith.addi %mul3A_128, %add3A_694 : i32
      %get3A_696 = arith.constant 0 : i32
      %get3A_697 = arith.index_cast %get3A_696 : i32 to index
      %get3A_698 = arith.index_cast %add3A_695 : i32 to index
      %get3A_699 = arith.constant 48 : index
      %get3A_700 = tpu.vector_load %arg9[%get3A_697, %get3A_698, %get3A_699] {strides = array<i32>} : memref<2x640x64xf32, #tpu.memory_space<vmem>>, vector<1x1x16xf32>,
      %get3A_701 = vector.shape_cast %get3A_700 : vector<1x1x16xf32> to vector<16xf32>
      %add3A_702 = arith.addf %add3A_693, %get3A_701 : vector<16xf32>
      %add3A_703 = arith.constant 3 : i32
      %add3A_704 = arith.addi %mul3A_128, %add3A_703 : i32
      %get3A_705 = arith.constant 0 : i32
      %get3A_706 = arith.index_cast %get3A_705 : i32 to index
      %get3A_707 = arith.index_cast %add3A_704 : i32 to index
      %get3A_708 = arith.constant 48 : index
      %get3A_709 = tpu.vector_load %arg9[%get3A_706, %get3A_707, %get3A_708] {strides = array<i32>} : memref<2x640x64xf32, #tpu.memory_space<vmem>>, vector<1x1x16xf32>,
      %get3A_710 = vector.shape_cast %get3A_709 : vector<1x1x16xf32> to vector<16xf32>
      %add3A_711 = arith.addf %add3A_702, %get3A_710 : vector<16xf32>
      %add3A_712 = arith.constant 4 : i32
      %add3A_713 = arith.addi %mul3A_128, %add3A_712 : i32
      %get3A_714 = arith.constant 0 : i32
      %get3A_715 = arith.index_cast %get3A_714 : i32 to index
      %get3A_716 = arith.index_cast %add3A_713 : i32 to index
      %get3A_717 = arith.constant 48 : index
      %get3A_718 = tpu.vector_load %arg9[%get3A_715, %get3A_716, %get3A_717] {strides = array<i32>} : memref<2x640x64xf32, #tpu.memory_space<vmem>>, vector<1x1x16xf32>,
      %get3A_719 = vector.shape_cast %get3A_718 : vector<1x1x16xf32> to vector<16xf32>
      %add3A_720 = arith.addf %add3A_711, %get3A_719 : vector<16xf32>
      %add3A_721 = arith.constant 5 : i32
      %add3A_722 = arith.addi %mul3A_128, %add3A_721 : i32
      %get3A_723 = arith.constant 0 : i32
      %get3A_724 = arith.index_cast %get3A_723 : i32 to index
      %get3A_725 = arith.index_cast %add3A_722 : i32 to index
      %get3A_726 = arith.constant 48 : index
      %get3A_727 = tpu.vector_load %arg9[%get3A_724, %get3A_725, %get3A_726] {strides = array<i32>} : memref<2x640x64xf32, #tpu.memory_space<vmem>>, vector<1x1x16xf32>,
      %get3A_728 = vector.shape_cast %get3A_727 : vector<1x1x16xf32> to vector<16xf32>
      %add3A_729 = arith.addf %add3A_720, %get3A_728 : vector<16xf32>
      %add3A_730 = arith.constant 6 : i32
      %add3A_731 = arith.addi %mul3A_128, %add3A_730 : i32
      %get3A_732 = arith.constant 0 : i32
      %get3A_733 = arith.index_cast %get3A_732 : i32 to index
      %get3A_734 = arith.index_cast %add3A_731 : i32 to index
      %get3A_735 = arith.constant 48 : index
      %get3A_736 = tpu.vector_load %arg9[%get3A_733, %get3A_734, %get3A_735] {strides = array<i32>} : memref<2x640x64xf32, #tpu.memory_space<vmem>>, vector<1x1x16xf32>,
      %get3A_737 = vector.shape_cast %get3A_736 : vector<1x1x16xf32> to vector<16xf32>
      %add3A_738 = arith.addf %add3A_729, %get3A_737 : vector<16xf32>
      %add3A_739 = arith.constant 7 : i32
      %add3A_740 = arith.addi %mul3A_128, %add3A_739 : i32
      %get3A_741 = arith.constant 0 : i32
      %get3A_742 = arith.index_cast %get3A_741 : i32 to index
      %get3A_743 = arith.index_cast %add3A_740 : i32 to index
      %get3A_744 = arith.constant 48 : index
      %get3A_745 = tpu.vector_load %arg9[%get3A_742, %get3A_743, %get3A_744] {strides = array<i32>} : memref<2x640x64xf32, #tpu.memory_space<vmem>>, vector<1x1x16xf32>,
      %get3A_746 = vector.shape_cast %get3A_745 : vector<1x1x16xf32> to vector<16xf32>
      %add3A_747 = arith.addf %add3A_738, %get3A_746 : vector<16xf32>
      %add3A_748 = arith.constant 8 : i32
      %add3A_749 = arith.addi %mul3A_128, %add3A_748 : i32
      %get3A_750 = arith.constant 0 : i32
      %get3A_751 = arith.index_cast %get3A_750 : i32 to index
      %get3A_752 = arith.index_cast %add3A_749 : i32 to index
      %get3A_753 = arith.constant 48 : index
      %get3A_754 = tpu.vector_load %arg9[%get3A_751, %get3A_752, %get3A_753] {strides = array<i32>} : memref<2x640x64xf32, #tpu.memory_space<vmem>>, vector<1x1x16xf32>,
      %get3A_755 = vector.shape_cast %get3A_754 : vector<1x1x16xf32> to vector<16xf32>
      %add3A_756 = arith.addf %add3A_747, %get3A_755 : vector<16xf32>
      %add3A_757 = arith.constant 9 : i32
      %add3A_758 = arith.addi %mul3A_128, %add3A_757 : i32
      %get3A_759 = arith.constant 0 : i32
      %get3A_760 = arith.index_cast %get3A_759 : i32 to index
      %get3A_761 = arith.index_cast %add3A_758 : i32 to index
      %get3A_762 = arith.constant 48 : index
      %get3A_763 = tpu.vector_load %arg9[%get3A_760, %get3A_761, %get3A_762] {strides = array<i32>} : memref<2x640x64xf32, #tpu.memory_space<vmem>>, vector<1x1x16xf32>,
      %get3A_764 = vector.shape_cast %get3A_763 : vector<1x1x16xf32> to vector<16xf32>
      %add3A_765 = arith.addf %add3A_756, %get3A_764 : vector<16xf32>
      %add3A_766 = arith.constant 10 : i32
      %add3A_767 = arith.addi %mul3A_128, %add3A_766 : i32
      %get3A_768 = arith.constant 0 : i32
      %get3A_769 = arith.index_cast %get3A_768 : i32 to index
      %get3A_770 = arith.index_cast %add3A_767 : i32 to index
      %get3A_771 = arith.constant 48 : index
      %get3A_772 = tpu.vector_load %arg9[%get3A_769, %get3A_770, %get3A_771] {strides = array<i32>} : memref<2x640x64xf32, #tpu.memory_space<vmem>>, vector<1x1x16xf32>,
      %get3A_773 = vector.shape_cast %get3A_772 : vector<1x1x16xf32> to vector<16xf32>
      %add3A_774 = arith.addf %add3A_765, %get3A_773 : vector<16xf32>
      %add3A_775 = arith.constant 11 : i32
      %add3A_776 = arith.addi %mul3A_128, %add3A_775 : i32
      %get3A_777 = arith.constant 0 : i32
      %get3A_778 = arith.index_cast %get3A_777 : i32 to index
      %get3A_779 = arith.index_cast %add3A_776 : i32 to index
      %get3A_780 = arith.constant 48 : index
      %get3A_781 = tpu.vector_load %arg9[%get3A_778, %get3A_779, %get3A_780] {strides = array<i32>} : memref<2x640x64xf32, #tpu.memory_space<vmem>>, vector<1x1x16xf32>,
      %get3A_782 = vector.shape_cast %get3A_781 : vector<1x1x16xf32> to vector<16xf32>
      %add3A_783 = arith.addf %add3A_774, %get3A_782 : vector<16xf32>
      %add3A_784 = arith.constant 12 : i32
      %add3A_785 = arith.addi %mul3A_128, %add3A_784 : i32
      %get3A_786 = arith.constant 0 : i32
      %get3A_787 = arith.index_cast %get3A_786 : i32 to index
      %get3A_788 = arith.index_cast %add3A_785 : i32 to index
      %get3A_789 = arith.constant 48 : index
      %get3A_790 = tpu.vector_load %arg9[%get3A_787, %get3A_788, %get3A_789] {strides = array<i32>} : memref<2x640x64xf32, #tpu.memory_space<vmem>>, vector<1x1x16xf32>,
      %get3A_791 = vector.shape_cast %get3A_790 : vector<1x1x16xf32> to vector<16xf32>
      %add3A_792 = arith.addf %add3A_783, %get3A_791 : vector<16xf32>
      %add3A_793 = arith.constant 13 : i32
      %add3A_794 = arith.addi %mul3A_128, %add3A_793 : i32
      %get3A_795 = arith.constant 0 : i32
      %get3A_796 = arith.index_cast %get3A_795 : i32 to index
      %get3A_797 = arith.index_cast %add3A_794 : i32 to index
      %get3A_798 = arith.constant 48 : index
      %get3A_799 = tpu.vector_load %arg9[%get3A_796, %get3A_797, %get3A_798] {strides = array<i32>} : memref<2x640x64xf32, #tpu.memory_space<vmem>>, vector<1x1x16xf32>,
      %get3A_800 = vector.shape_cast %get3A_799 : vector<1x1x16xf32> to vector<16xf32>
      %add3A_801 = arith.addf %add3A_792, %get3A_800 : vector<16xf32>
      %add3A_802 = arith.constant 14 : i32
      %add3A_803 = arith.addi %mul3A_128, %add3A_802 : i32
      %get3A_804 = arith.constant 0 : i32
      %get3A_805 = arith.index_cast %get3A_804 : i32 to index
      %get3A_806 = arith.index_cast %add3A_803 : i32 to index
      %get3A_807 = arith.constant 48 : index
      %get3A_808 = tpu.vector_load %arg9[%get3A_805, %get3A_806, %get3A_807] {strides = array<i32>} : memref<2x640x64xf32, #tpu.memory_space<vmem>>, vector<1x1x16xf32>,
      %get3A_809 = vector.shape_cast %get3A_808 : vector<1x1x16xf32> to vector<16xf32>
      %add3A_810 = arith.addf %add3A_801, %get3A_809 : vector<16xf32>
      %add3A_811 = arith.constant 15 : i32
      %add3A_812 = arith.addi %mul3A_128, %add3A_811 : i32
      %get3A_813 = arith.constant 0 : i32
      %get3A_814 = arith.index_cast %get3A_813 : i32 to index
      %get3A_815 = arith.index_cast %add3A_812 : i32 to index
      %get3A_816 = arith.constant 48 : index
      %get3A_817 = tpu.vector_load %arg9[%get3A_814, %get3A_815, %get3A_816] {strides = array<i32>} : memref<2x640x64xf32, #tpu.memory_space<vmem>>, vector<1x1x16xf32>,
      %get3A_818 = vector.shape_cast %get3A_817 : vector<1x1x16xf32> to vector<16xf32>
      %add3A_819 = arith.addf %add3A_810, %get3A_818 : vector<16xf32>
      %add3A_820 = arith.constant 16 : i32
      %add3A_821 = arith.addi %mul3A_128, %add3A_820 : i32
      %get3A_822 = arith.constant 0 : i32
      %get3A_823 = arith.index_cast %get3A_822 : i32 to index
      %get3A_824 = arith.index_cast %add3A_821 : i32 to index
      %get3A_825 = arith.constant 48 : index
      %get3A_826 = tpu.vector_load %arg9[%get3A_823, %get3A_824, %get3A_825] {strides = array<i32>} : memref<2x640x64xf32, #tpu.memory_space<vmem>>, vector<1x1x16xf32>,
      %get3A_827 = vector.shape_cast %get3A_826 : vector<1x1x16xf32> to vector<16xf32>
      %add3A_828 = arith.addf %add3A_819, %get3A_827 : vector<16xf32>
      %add3A_829 = arith.constant 17 : i32
      %add3A_830 = arith.addi %mul3A_128, %add3A_829 : i32
      %get3A_831 = arith.constant 0 : i32
      %get3A_832 = arith.index_cast %get3A_831 : i32 to index
      %get3A_833 = arith.index_cast %add3A_830 : i32 to index
      %get3A_834 = arith.constant 48 : index
      %get3A_835 = tpu.vector_load %arg9[%get3A_832, %get3A_833, %get3A_834] {strides = array<i32>} : memref<2x640x64xf32, #tpu.memory_space<vmem>>, vector<1x1x16xf32>,
      %get3A_836 = vector.shape_cast %get3A_835 : vector<1x1x16xf32> to vector<16xf32>
      %add3A_837 = arith.addf %add3A_828, %get3A_836 : vector<16xf32>
      %add3A_838 = arith.constant 18 : i32
      %add3A_839 = arith.addi %mul3A_128, %add3A_838 : i32
      %get3A_840 = arith.constant 0 : i32
      %get3A_841 = arith.index_cast %get3A_840 : i32 to index
      %get3A_842 = arith.index_cast %add3A_839 : i32 to index
      %get3A_843 = arith.constant 48 : index
      %get3A_844 = tpu.vector_load %arg9[%get3A_841, %get3A_842, %get3A_843] {strides = array<i32>} : memref<2x640x64xf32, #tpu.memory_space<vmem>>, vector<1x1x16xf32>,
      %get3A_845 = vector.shape_cast %get3A_844 : vector<1x1x16xf32> to vector<16xf32>
      %add3A_846 = arith.addf %add3A_837, %get3A_845 : vector<16xf32>
      %add3A_847 = arith.constant 19 : i32
      %add3A_848 = arith.addi %mul3A_128, %add3A_847 : i32
      %get3A_849 = arith.constant 0 : i32
      %get3A_850 = arith.index_cast %get3A_849 : i32 to index
      %get3A_851 = arith.index_cast %add3A_848 : i32 to index
      %get3A_852 = arith.constant 48 : index
      %get3A_853 = tpu.vector_load %arg9[%get3A_850, %get3A_851, %get3A_852] {strides = array<i32>} : memref<2x640x64xf32, #tpu.memory_space<vmem>>, vector<1x1x16xf32>,
      %get3A_854 = vector.shape_cast %get3A_853 : vector<1x1x16xf32> to vector<16xf32>
      %add3A_855 = arith.addf %add3A_846, %get3A_854 : vector<16xf32>
      %add3A_856 = arith.constant 0 : i32
      %add3A_857 = arith.addi %add3A_856, %add3A_126 : i32
      %swap3A_858 = arith.index_cast %add3A_857 : i32 to index
      %swap3A_859 = arith.constant 48 : index
      %swap3A_860 = tpu.vector_load %arg10[%swap3A_858, %swap3A_859] {strides = array<i32>} : memref<128x64xf32, #tpu.memory_space<vmem>>, vector<1x16xf32>,
      %swap3A_861 = vector.shape_cast %swap3A_860 : vector<1x16xf32> to vector<16xf32>
      %swap3A_862 = vector.shape_cast %add3A_855 : vector<16xf32> to vector<1x16xf32>
      tpu.vector_store %arg10[%swap3A_858, %swap3A_859], %swap3A_862 {strides = array<i32>} : memref<128x64xf32, #tpu.memory_space<vmem>>, vector<1x16xf32>,
    }
    %scan3A_43 = arith.constant 32 : i32
    %dma_wait3A_44 = arith.constant 1 : i32
    %dma_wait3A_45 = arith.constant 1 : i32
    %dma_wait3A_46 = arith.constant 0 : i32
    %dma_wait3A_47 = arith.constant 0 : i32
    %dma_wait3A_48 = tpu.memref_slice %arg9[%dma_wait3A_45, %dma_wait3A_46, %dma_wait3A_47] : memref<2x640x64xf32, #tpu.memory_space<vmem>> -> memref<1x640x64xf32, #tpu.memory_space<vmem>>
    %dma_wait3A_49 = tpu.memref_squeeze %dma_wait3A_48 : memref<1x640x64xf32, #tpu.memory_space<vmem>> -> memref<640x64xf32, #tpu.memory_space<vmem>>
    %dma_wait3A_50 = arith.constant 0 : i32
    %dma_wait3A_51 = tpu.memref_slice %arg7[%dma_wait3A_44, %dma_wait3A_50] : memref<4x640xi32, #tpu.memory_space<vmem>> -> memref<1x640xi32, #tpu.memory_space<vmem>>
    %dma_wait3A_52 = tpu.memref_squeeze %dma_wait3A_51 : memref<1x640xi32, #tpu.memory_space<vmem>> -> memref<640xi32, #tpu.memory_space<vmem>>
    %dma_wait3A_53 = arith.constant 0 : i32
    %dma_wait3A_54 = arith.constant 0 : i32
    %dma_wait3A_55 = tpu.memref_slice %arg2[%dma_wait3A_53, %dma_wait3A_54] : memref<1000000x64xf32, #tpu.memory_space<hbm>> -> memref<1000000x64xf32, #tpu.memory_space<hbm>>
    tpu.wait_indirect_dma semaphore(%arg13 : memref<!tpu.dma_semaphore, #tpu.memory_space<semaphore_mem>>) src(%dma_wait3A_55 : memref<1000000x64xf32, #tpu.memory_space<hbm>>) dst(%dma_wait3A_49 : memref<640x64xf32, #tpu.memory_space<vmem>>)
    %dma_start3A_56 = arith.constant 2 : i32
    %dma_start3A_57 = arith.constant 0 : i32
    %dma_start3A_58 = arith.constant 0 : i32
    %dma_start3A_59 = arith.constant 0 : i32
    %dma_start3A_60 = tpu.memref_slice %arg9[%dma_start3A_57, %dma_start3A_58, %dma_start3A_59] : memref<2x640x64xf32, #tpu.memory_space<vmem>> -> memref<1x640x64xf32, #tpu.memory_space<vmem>>
    %dma_start3A_61 = tpu.memref_squeeze %dma_start3A_60 : memref<1x640x64xf32, #tpu.memory_space<vmem>> -> memref<640x64xf32, #tpu.memory_space<vmem>>
    %dma_start3A_62 = arith.constant 0 : i32
    %dma_start3A_63 = tpu.memref_slice %arg7[%dma_start3A_56, %dma_start3A_62] : memref<4x640xi32, #tpu.memory_space<vmem>> -> memref<1x640xi32, #tpu.memory_space<vmem>>
    %dma_start3A_64 = tpu.memref_squeeze %dma_start3A_63 : memref<1x640xi32, #tpu.memory_space<vmem>> -> memref<640xi32, #tpu.memory_space<vmem>>
    %dma_start3A_65 = arith.constant 0 : i32
    %dma_start3A_66 = arith.constant 0 : i32
    %dma_start3A_67 = tpu.memref_slice %arg2[%dma_start3A_65, %dma_start3A_66] : memref<1000000x64xf32, #tpu.memory_space<hbm>> -> memref<1000000x64xf32, #tpu.memory_space<hbm>>
    tpu.enqueue_indirect_dma source(%dma_start3A_67 : memref<1000000x64xf32, #tpu.memory_space<hbm>>) target(%dma_start3A_61 : memref<640x64xf32, #tpu.memory_space<vmem>>) offsets(%dma_start3A_64 : memref<640xi32, #tpu.memory_space<vmem>>) semaphore(%arg12 : memref<!tpu.dma_semaphore, #tpu.memory_space<semaphore_mem>>)
    %scan3A_68 = arith.constant 0 : i32
    %scan3A_69 = arith.constant 32 : i32
    %scan3A_70 = arith.addi %scan3A_68, %scan3A_69 : i32
    %scan3A_71 = arith.constant 1 : i32
    scf.for %scan3A_122 = %scan3A_68 to %scan3A_70 step %scan3A_71  : i32 {
      %mul3A_123 = arith.constant 1 : i32
      %mul3A_124 = arith.muli %scan3A_122, %mul3A_123 : i32
      %add3A_125 = arith.constant 0 : i32
      %add3A_126 = arith.addi %add3A_125, %mul3A_124 : i32
      %mul3A_127 = arith.constant 20 : i32
      %mul3A_128 = arith.muli %add3A_126, %mul3A_127 : i32
      %get3A = arith.constant 1 : i32
      %get3A_129 = arith.index_cast %get3A : i32 to index
      %get3A_130 = arith.index_cast %mul3A_128 : i32 to index
      %get3A_131 = arith.constant 0 : index
      %get3A_132 = tpu.vector_load %arg9[%get3A_129, %get3A_130, %get3A_131] {strides = array<i32>} : memref<2x640x64xf32, #tpu.memory_space<vmem>>, vector<1x1x16xf32>,
      %get3A_133 = vector.shape_cast %get3A_132 : vector<1x1x16xf32> to vector<16xf32>
      %add3A_134 = arith.constant 1 : i32
      %add3A_135 = arith.addi %mul3A_128, %add3A_134 : i32
      %get3A_136 = arith.constant 1 : i32
      %get3A_137 = arith.index_cast %get3A_136 : i32 to index
      %get3A_138 = arith.index_cast %add3A_135 : i32 to index
      %get3A_139 = arith.constant 0 : index
      %get3A_140 = tpu.vector_load %arg9[%get3A_137, %get3A_138, %get3A_139] {strides = array<i32>} : memref<2x640x64xf32, #tpu.memory_space<vmem>>, vector<1x1x16xf32>,
      %get3A_141 = vector.shape_cast %get3A_140 : vector<1x1x16xf32> to vector<16xf32>
      %add3A_142 = arith.addf %get3A_133, %get3A_141 : vector<16xf32>
      %add3A_143 = arith.constant 2 : i32
      %add3A_144 = arith.addi %mul3A_128, %add3A_143 : i32
      %get3A_145 = arith.constant 1 : i32
      %get3A_146 = arith.index_cast %get3A_145 : i32 to index
      %get3A_147 = arith.index_cast %add3A_144 : i32 to index
      %get3A_148 = arith.constant 0 : index
      %get3A_149 = tpu.vector_load %arg9[%get3A_146, %get3A_147, %get3A_148] {strides = array<i32>} : memref<2x640x64xf32, #tpu.memory_space<vmem>>, vector<1x1x16xf32>,
      %get3A_150 = vector.shape_cast %get3A_149 : vector<1x1x16xf32> to vector<16xf32>
      %add3A_151 = arith.addf %add3A_142, %get3A_150 : vector<16xf32>
      %add3A_152 = arith.constant 3 : i32
      %add3A_153 = arith.addi %mul3A_128, %add3A_152 : i32
      %get3A_154 = arith.constant 1 : i32
      %get3A_155 = arith.index_cast %get3A_154 : i32 to index
      %get3A_156 = arith.index_cast %add3A_153 : i32 to index
      %get3A_157 = arith.constant 0 : index
      %get3A_158 = tpu.vector_load %arg9[%get3A_155, %get3A_156, %get3A_157] {strides = array<i32>} : memref<2x640x64xf32, #tpu.memory_space<vmem>>, vector<1x1x16xf32>,
      %get3A_159 = vector.shape_cast %get3A_158 : vector<1x1x16xf32> to vector<16xf32>
      %add3A_160 = arith.addf %add3A_151, %get3A_159 : vector<16xf32>
      %add3A_161 = arith.constant 4 : i32
      %add3A_162 = arith.addi %mul3A_128, %add3A_161 : i32
      %get3A_163 = arith.constant 1 : i32
      %get3A_164 = arith.index_cast %get3A_163 : i32 to index
      %get3A_165 = arith.index_cast %add3A_162 : i32 to index
      %get3A_166 = arith.constant 0 : index
      %get3A_167 = tpu.vector_load %arg9[%get3A_164, %get3A_165, %get3A_166] {strides = array<i32>} : memref<2x640x64xf32, #tpu.memory_space<vmem>>, vector<1x1x16xf32>,
      %get3A_168 = vector.shape_cast %get3A_167 : vector<1x1x16xf32> to vector<16xf32>
      %add3A_169 = arith.addf %add3A_160, %get3A_168 : vector<16xf32>
      %add3A_170 = arith.constant 5 : i32
      %add3A_171 = arith.addi %mul3A_128, %add3A_170 : i32
      %get3A_172 = arith.constant 1 : i32
      %get3A_173 = arith.index_cast %get3A_172 : i32 to index
      %get3A_174 = arith.index_cast %add3A_171 : i32 to index
      %get3A_175 = arith.constant 0 : index
      %get3A_176 = tpu.vector_load %arg9[%get3A_173, %get3A_174, %get3A_175] {strides = array<i32>} : memref<2x640x64xf32, #tpu.memory_space<vmem>>, vector<1x1x16xf32>,
      %get3A_177 = vector.shape_cast %get3A_176 : vector<1x1x16xf32> to vector<16xf32>
      %add3A_178 = arith.addf %add3A_169, %get3A_177 : vector<16xf32>
      %add3A_179 = arith.constant 6 : i32
      %add3A_180 = arith.addi %mul3A_128, %add3A_179 : i32
      %get3A_181 = arith.constant 1 : i32
      %get3A_182 = arith.index_cast %get3A_181 : i32 to index
      %get3A_183 = arith.index_cast %add3A_180 : i32 to index
      %get3A_184 = arith.constant 0 : index
      %get3A_185 = tpu.vector_load %arg9[%get3A_182, %get3A_183, %get3A_184] {strides = array<i32>} : memref<2x640x64xf32, #tpu.memory_space<vmem>>, vector<1x1x16xf32>,
      %get3A_186 = vector.shape_cast %get3A_185 : vector<1x1x16xf32> to vector<16xf32>
      %add3A_187 = arith.addf %add3A_178, %get3A_186 : vector<16xf32>
      %add3A_188 = arith.constant 7 : i32
      %add3A_189 = arith.addi %mul3A_128, %add3A_188 : i32
      %get3A_190 = arith.constant 1 : i32
      %get3A_191 = arith.index_cast %get3A_190 : i32 to index
      %get3A_192 = arith.index_cast %add3A_189 : i32 to index
      %get3A_193 = arith.constant 0 : index
      %get3A_194 = tpu.vector_load %arg9[%get3A_191, %get3A_192, %get3A_193] {strides = array<i32>} : memref<2x640x64xf32, #tpu.memory_space<vmem>>, vector<1x1x16xf32>,
      %get3A_195 = vector.shape_cast %get3A_194 : vector<1x1x16xf32> to vector<16xf32>
      %add3A_196 = arith.addf %add3A_187, %get3A_195 : vector<16xf32>
      %add3A_197 = arith.constant 8 : i32
      %add3A_198 = arith.addi %mul3A_128, %add3A_197 : i32
      %get3A_199 = arith.constant 1 : i32
      %get3A_200 = arith.index_cast %get3A_199 : i32 to index
      %get3A_201 = arith.index_cast %add3A_198 : i32 to index
      %get3A_202 = arith.constant 0 : index
      %get3A_203 = tpu.vector_load %arg9[%get3A_200, %get3A_201, %get3A_202] {strides = array<i32>} : memref<2x640x64xf32, #tpu.memory_space<vmem>>, vector<1x1x16xf32>,
      %get3A_204 = vector.shape_cast %get3A_203 : vector<1x1x16xf32> to vector<16xf32>
      %add3A_205 = arith.addf %add3A_196, %get3A_204 : vector<16xf32>
      %add3A_206 = arith.constant 9 : i32
      %add3A_207 = arith.addi %mul3A_128, %add3A_206 : i32
      %get3A_208 = arith.constant 1 : i32
      %get3A_209 = arith.index_cast %get3A_208 : i32 to index
      %get3A_210 = arith.index_cast %add3A_207 : i32 to index
      %get3A_211 = arith.constant 0 : index
      %get3A_212 = tpu.vector_load %arg9[%get3A_209, %get3A_210, %get3A_211] {strides = array<i32>} : memref<2x640x64xf32, #tpu.memory_space<vmem>>, vector<1x1x16xf32>,
      %get3A_213 = vector.shape_cast %get3A_212 : vector<1x1x16xf32> to vector<16xf32>
      %add3A_214 = arith.addf %add3A_205, %get3A_213 : vector<16xf32>
      %add3A_215 = arith.constant 10 : i32
      %add3A_216 = arith.addi %mul3A_128, %add3A_215 : i32
      %get3A_217 = arith.constant 1 : i32
      %get3A_218 = arith.index_cast %get3A_217 : i32 to index
      %get3A_219 = arith.index_cast %add3A_216 : i32 to index
      %get3A_220 = arith.constant 0 : index
      %get3A_221 = tpu.vector_load %arg9[%get3A_218, %get3A_219, %get3A_220] {strides = array<i32>} : memref<2x640x64xf32, #tpu.memory_space<vmem>>, vector<1x1x16xf32>,
      %get3A_222 = vector.shape_cast %get3A_221 : vector<1x1x16xf32> to vector<16xf32>
      %add3A_223 = arith.addf %add3A_214, %get3A_222 : vector<16xf32>
      %add3A_224 = arith.constant 11 : i32
      %add3A_225 = arith.addi %mul3A_128, %add3A_224 : i32
      %get3A_226 = arith.constant 1 : i32
      %get3A_227 = arith.index_cast %get3A_226 : i32 to index
      %get3A_228 = arith.index_cast %add3A_225 : i32 to index
      %get3A_229 = arith.constant 0 : index
      %get3A_230 = tpu.vector_load %arg9[%get3A_227, %get3A_228, %get3A_229] {strides = array<i32>} : memref<2x640x64xf32, #tpu.memory_space<vmem>>, vector<1x1x16xf32>,
      %get3A_231 = vector.shape_cast %get3A_230 : vector<1x1x16xf32> to vector<16xf32>
      %add3A_232 = arith.addf %add3A_223, %get3A_231 : vector<16xf32>
      %add3A_233 = arith.constant 12 : i32
      %add3A_234 = arith.addi %mul3A_128, %add3A_233 : i32
      %get3A_235 = arith.constant 1 : i32
      %get3A_236 = arith.index_cast %get3A_235 : i32 to index
      %get3A_237 = arith.index_cast %add3A_234 : i32 to index
      %get3A_238 = arith.constant 0 : index
      %get3A_239 = tpu.vector_load %arg9[%get3A_236, %get3A_237, %get3A_238] {strides = array<i32>} : memref<2x640x64xf32, #tpu.memory_space<vmem>>, vector<1x1x16xf32>,
      %get3A_240 = vector.shape_cast %get3A_239 : vector<1x1x16xf32> to vector<16xf32>
      %add3A_241 = arith.addf %add3A_232, %get3A_240 : vector<16xf32>
      %add3A_242 = arith.constant 13 : i32
      %add3A_243 = arith.addi %mul3A_128, %add3A_242 : i32
      %get3A_244 = arith.constant 1 : i32
      %get3A_245 = arith.index_cast %get3A_244 : i32 to index
      %get3A_246 = arith.index_cast %add3A_243 : i32 to index
      %get3A_247 = arith.constant 0 : index
      %get3A_248 = tpu.vector_load %arg9[%get3A_245, %get3A_246, %get3A_247] {strides = array<i32>} : memref<2x640x64xf32, #tpu.memory_space<vmem>>, vector<1x1x16xf32>,
      %get3A_249 = vector.shape_cast %get3A_248 : vector<1x1x16xf32> to vector<16xf32>
      %add3A_250 = arith.addf %add3A_241, %get3A_249 : vector<16xf32>
      %add3A_251 = arith.constant 14 : i32
      %add3A_252 = arith.addi %mul3A_128, %add3A_251 : i32
      %get3A_253 = arith.constant 1 : i32
      %get3A_254 = arith.index_cast %get3A_253 : i32 to index
      %get3A_255 = arith.index_cast %add3A_252 : i32 to index
      %get3A_256 = arith.constant 0 : index
      %get3A_257 = tpu.vector_load %arg9[%get3A_254, %get3A_255, %get3A_256] {strides = array<i32>} : memref<2x640x64xf32, #tpu.memory_space<vmem>>, vector<1x1x16xf32>,
      %get3A_258 = vector.shape_cast %get3A_257 : vector<1x1x16xf32> to vector<16xf32>
      %add3A_259 = arith.addf %add3A_250, %get3A_258 : vector<16xf32>
      %add3A_260 = arith.constant 15 : i32
      %add3A_261 = arith.addi %mul3A_128, %add3A_260 : i32
      %get3A_262 = arith.constant 1 : i32
      %get3A_263 = arith.index_cast %get3A_262 : i32 to index
      %get3A_264 = arith.index_cast %add3A_261 : i32 to index
      %get3A_265 = arith.constant 0 : index
      %get3A_266 = tpu.vector_load %arg9[%get3A_263, %get3A_264, %get3A_265] {strides = array<i32>} : memref<2x640x64xf32, #tpu.memory_space<vmem>>, vector<1x1x16xf32>,
      %get3A_267 = vector.shape_cast %get3A_266 : vector<1x1x16xf32> to vector<16xf32>
      %add3A_268 = arith.addf %add3A_259, %get3A_267 : vector<16xf32>
      %add3A_269 = arith.constant 16 : i32
      %add3A_270 = arith.addi %mul3A_128, %add3A_269 : i32
      %get3A_271 = arith.constant 1 : i32
      %get3A_272 = arith.index_cast %get3A_271 : i32 to index
      %get3A_273 = arith.index_cast %add3A_270 : i32 to index
      %get3A_274 = arith.constant 0 : index
      %get3A_275 = tpu.vector_load %arg9[%get3A_272, %get3A_273, %get3A_274] {strides = array<i32>} : memref<2x640x64xf32, #tpu.memory_space<vmem>>, vector<1x1x16xf32>,
      %get3A_276 = vector.shape_cast %get3A_275 : vector<1x1x16xf32> to vector<16xf32>
      %add3A_277 = arith.addf %add3A_268, %get3A_276 : vector<16xf32>
      %add3A_278 = arith.constant 17 : i32
      %add3A_279 = arith.addi %mul3A_128, %add3A_278 : i32
      %get3A_280 = arith.constant 1 : i32
      %get3A_281 = arith.index_cast %get3A_280 : i32 to index
      %get3A_282 = arith.index_cast %add3A_279 : i32 to index
      %get3A_283 = arith.constant 0 : index
      %get3A_284 = tpu.vector_load %arg9[%get3A_281, %get3A_282, %get3A_283] {strides = array<i32>} : memref<2x640x64xf32, #tpu.memory_space<vmem>>, vector<1x1x16xf32>,
      %get3A_285 = vector.shape_cast %get3A_284 : vector<1x1x16xf32> to vector<16xf32>
      %add3A_286 = arith.addf %add3A_277, %get3A_285 : vector<16xf32>
      %add3A_287 = arith.constant 18 : i32
      %add3A_288 = arith.addi %mul3A_128, %add3A_287 : i32
      %get3A_289 = arith.constant 1 : i32
      %get3A_290 = arith.index_cast %get3A_289 : i32 to index
      %get3A_291 = arith.index_cast %add3A_288 : i32 to index
      %get3A_292 = arith.constant 0 : index
      %get3A_293 = tpu.vector_load %arg9[%get3A_290, %get3A_291, %get3A_292] {strides = array<i32>} : memref<2x640x64xf32, #tpu.memory_space<vmem>>, vector<1x1x16xf32>,
      %get3A_294 = vector.shape_cast %get3A_293 : vector<1x1x16xf32> to vector<16xf32>
      %add3A_295 = arith.addf %add3A_286, %get3A_294 : vector<16xf32>
      %add3A_296 = arith.constant 19 : i32
      %add3A_297 = arith.addi %mul3A_128, %add3A_296 : i32
      %get3A_298 = arith.constant 1 : i32
      %get3A_299 = arith.index_cast %get3A_298 : i32 to index
      %get3A_300 = arith.index_cast %add3A_297 : i32 to index
      %get3A_301 = arith.constant 0 : index
      %get3A_302 = tpu.vector_load %arg9[%get3A_299, %get3A_300, %get3A_301] {strides = array<i32>} : memref<2x640x64xf32, #tpu.memory_space<vmem>>, vector<1x1x16xf32>,
      %get3A_303 = vector.shape_cast %get3A_302 : vector<1x1x16xf32> to vector<16xf32>
      %add3A_304 = arith.addf %add3A_295, %get3A_303 : vector<16xf32>
      %add3A_305 = arith.constant 32 : i32
      %add3A_306 = arith.addi %add3A_305, %add3A_126 : i32
      %swap3A = arith.index_cast %add3A_306 : i32 to index
      %swap3A_307 = arith.constant 0 : index
      %swap3A_308 = tpu.vector_load %arg10[%swap3A, %swap3A_307] {strides = array<i32>} : memref<128x64xf32, #tpu.memory_space<vmem>>, vector<1x16xf32>,
      %swap3A_309 = vector.shape_cast %swap3A_308 : vector<1x16xf32> to vector<16xf32>
      %swap3A_310 = vector.shape_cast %add3A_304 : vector<16xf32> to vector<1x16xf32>
      tpu.vector_store %arg10[%swap3A, %swap3A_307], %swap3A_310 {strides = array<i32>} : memref<128x64xf32, #tpu.memory_space<vmem>>, vector<1x16xf32>,
      %get3A_311 = arith.constant 1 : i32
      %get3A_312 = arith.index_cast %get3A_311 : i32 to index
      %get3A_313 = arith.index_cast %mul3A_128 : i32 to index
      %get3A_314 = arith.constant 16 : index
      %get3A_315 = tpu.vector_load %arg9[%get3A_312, %get3A_313, %get3A_314] {strides = array<i32>} : memref<2x640x64xf32, #tpu.memory_space<vmem>>, vector<1x1x16xf32>,
      %get3A_316 = vector.shape_cast %get3A_315 : vector<1x1x16xf32> to vector<16xf32>
      %add3A_317 = arith.constant 1 : i32
      %add3A_318 = arith.addi %mul3A_128, %add3A_317 : i32
      %get3A_319 = arith.constant 1 : i32
      %get3A_320 = arith.index_cast %get3A_319 : i32 to index
      %get3A_321 = arith.index_cast %add3A_318 : i32 to index
      %get3A_322 = arith.constant 16 : index
      %get3A_323 = tpu.vector_load %arg9[%get3A_320, %get3A_321, %get3A_322] {strides = array<i32>} : memref<2x640x64xf32, #tpu.memory_space<vmem>>, vector<1x1x16xf32>,
      %get3A_324 = vector.shape_cast %get3A_323 : vector<1x1x16xf32> to vector<16xf32>
      %add3A_325 = arith.addf %get3A_316, %get3A_324 : vector<16xf32>
      %add3A_326 = arith.constant 2 : i32
      %add3A_327 = arith.addi %mul3A_128, %add3A_326 : i32
      %get3A_328 = arith.constant 1 : i32
      %get3A_329 = arith.index_cast %get3A_328 : i32 to index
      %get3A_330 = arith.index_cast %add3A_327 : i32 to index
      %get3A_331 = arith.constant 16 : index
      %get3A_332 = tpu.vector_load %arg9[%get3A_329, %get3A_330, %get3A_331] {strides = array<i32>} : memref<2x640x64xf32, #tpu.memory_space<vmem>>, vector<1x1x16xf32>,
      %get3A_333 = vector.shape_cast %get3A_332 : vector<1x1x16xf32> to vector<16xf32>
      %add3A_334 = arith.addf %add3A_325, %get3A_333 : vector<16xf32>
      %add3A_335 = arith.constant 3 : i32
      %add3A_336 = arith.addi %mul3A_128, %add3A_335 : i32
      %get3A_337 = arith.constant 1 : i32
      %get3A_338 = arith.index_cast %get3A_337 : i32 to index
      %get3A_339 = arith.index_cast %add3A_336 : i32 to index
      %get3A_340 = arith.constant 16 : index
      %get3A_341 = tpu.vector_load %arg9[%get3A_338, %get3A_339, %get3A_340] {strides = array<i32>} : memref<2x640x64xf32, #tpu.memory_space<vmem>>, vector<1x1x16xf32>,
      %get3A_342 = vector.shape_cast %get3A_341 : vector<1x1x16xf32> to vector<16xf32>
      %add3A_343 = arith.addf %add3A_334, %get3A_342 : vector<16xf32>
      %add3A_344 = arith.constant 4 : i32
      %add3A_345 = arith.addi %mul3A_128, %add3A_344 : i32
      %get3A_346 = arith.constant 1 : i32
      %get3A_347 = arith.index_cast %get3A_346 : i32 to index
      %get3A_348 = arith.index_cast %add3A_345 : i32 to index
      %get3A_349 = arith.constant 16 : index
      %get3A_350 = tpu.vector_load %arg9[%get3A_347, %get3A_348, %get3A_349] {strides = array<i32>} : memref<2x640x64xf32, #tpu.memory_space<vmem>>, vector<1x1x16xf32>,
      %get3A_351 = vector.shape_cast %get3A_350 : vector<1x1x16xf32> to vector<16xf32>
      %add3A_352 = arith.addf %add3A_343, %get3A_351 : vector<16xf32>
      %add3A_353 = arith.constant 5 : i32
      %add3A_354 = arith.addi %mul3A_128, %add3A_353 : i32
      %get3A_355 = arith.constant 1 : i32
      %get3A_356 = arith.index_cast %get3A_355 : i32 to index
      %get3A_357 = arith.index_cast %add3A_354 : i32 to index
      %get3A_358 = arith.constant 16 : index
      %get3A_359 = tpu.vector_load %arg9[%get3A_356, %get3A_357, %get3A_358] {strides = array<i32>} : memref<2x640x64xf32, #tpu.memory_space<vmem>>, vector<1x1x16xf32>,
      %get3A_360 = vector.shape_cast %get3A_359 : vector<1x1x16xf32> to vector<16xf32>
      %add3A_361 = arith.addf %add3A_352, %get3A_360 : vector<16xf32>
      %add3A_362 = arith.constant 6 : i32
      %add3A_363 = arith.addi %mul3A_128, %add3A_362 : i32
      %get3A_364 = arith.constant 1 : i32
      %get3A_365 = arith.index_cast %get3A_364 : i32 to index
      %get3A_366 = arith.index_cast %add3A_363 : i32 to index
      %get3A_367 = arith.constant 16 : index
      %get3A_368 = tpu.vector_load %arg9[%get3A_365, %get3A_366, %get3A_367] {strides = array<i32>} : memref<2x640x64xf32, #tpu.memory_space<vmem>>, vector<1x1x16xf32>,
      %get3A_369 = vector.shape_cast %get3A_368 : vector<1x1x16xf32> to vector<16xf32>
      %add3A_370 = arith.addf %add3A_361, %get3A_369 : vector<16xf32>
      %add3A_371 = arith.constant 7 : i32
      %add3A_372 = arith.addi %mul3A_128, %add3A_371 : i32
      %get3A_373 = arith.constant 1 : i32
      %get3A_374 = arith.index_cast %get3A_373 : i32 to index
      %get3A_375 = arith.index_cast %add3A_372 : i32 to index
      %get3A_376 = arith.constant 16 : index
      %get3A_377 = tpu.vector_load %arg9[%get3A_374, %get3A_375, %get3A_376] {strides = array<i32>} : memref<2x640x64xf32, #tpu.memory_space<vmem>>, vector<1x1x16xf32>,
      %get3A_378 = vector.shape_cast %get3A_377 : vector<1x1x16xf32> to vector<16xf32>
      %add3A_379 = arith.addf %add3A_370, %get3A_378 : vector<16xf32>
      %add3A_380 = arith.constant 8 : i32
      %add3A_381 = arith.addi %mul3A_128, %add3A_380 : i32
      %get3A_382 = arith.constant 1 : i32
      %get3A_383 = arith.index_cast %get3A_382 : i32 to index
      %get3A_384 = arith.index_cast %add3A_381 : i32 to index
      %get3A_385 = arith.constant 16 : index
      %get3A_386 = tpu.vector_load %arg9[%get3A_383, %get3A_384, %get3A_385] {strides = array<i32>} : memref<2x640x64xf32, #tpu.memory_space<vmem>>, vector<1x1x16xf32>,
      %get3A_387 = vector.shape_cast %get3A_386 : vector<1x1x16xf32> to vector<16xf32>
      %add3A_388 = arith.addf %add3A_379, %get3A_387 : vector<16xf32>
      %add3A_389 = arith.constant 9 : i32
      %add3A_390 = arith.addi %mul3A_128, %add3A_389 : i32
      %get3A_391 = arith.constant 1 : i32
      %get3A_392 = arith.index_cast %get3A_391 : i32 to index
      %get3A_393 = arith.index_cast %add3A_390 : i32 to index
      %get3A_394 = arith.constant 16 : index
      %get3A_395 = tpu.vector_load %arg9[%get3A_392, %get3A_393, %get3A_394] {strides = array<i32>} : memref<2x640x64xf32, #tpu.memory_space<vmem>>, vector<1x1x16xf32>,
      %get3A_396 = vector.shape_cast %get3A_395 : vector<1x1x16xf32> to vector<16xf32>
      %add3A_397 = arith.addf %add3A_388, %get3A_396 : vector<16xf32>
      %add3A_398 = arith.constant 10 : i32
      %add3A_399 = arith.addi %mul3A_128, %add3A_398 : i32
      %get3A_400 = arith.constant 1 : i32
      %get3A_401 = arith.index_cast %get3A_400 : i32 to index
      %get3A_402 = arith.index_cast %add3A_399 : i32 to index
      %get3A_403 = arith.constant 16 : index
      %get3A_404 = tpu.vector_load %arg9[%get3A_401, %get3A_402, %get3A_403] {strides = array<i32>} : memref<2x640x64xf32, #tpu.memory_space<vmem>>, vector<1x1x16xf32>,
      %get3A_405 = vector.shape_cast %get3A_404 : vector<1x1x16xf32> to vector<16xf32>
      %add3A_406 = arith.addf %add3A_397, %get3A_405 : vector<16xf32>
      %add3A_407 = arith.constant 11 : i32
      %add3A_408 = arith.addi %mul3A_128, %add3A_407 : i32
      %get3A_409 = arith.constant 1 : i32
      %get3A_410 = arith.index_cast %get3A_409 : i32 to index
      %get3A_411 = arith.index_cast %add3A_408 : i32 to index
      %get3A_412 = arith.constant 16 : index
      %get3A_413 = tpu.vector_load %arg9[%get3A_410, %get3A_411, %get3A_412] {strides = array<i32>} : memref<2x640x64xf32, #tpu.memory_space<vmem>>, vector<1x1x16xf32>,
      %get3A_414 = vector.shape_cast %get3A_413 : vector<1x1x16xf32> to vector<16xf32>
      %add3A_415 = arith.addf %add3A_406, %get3A_414 : vector<16xf32>
      %add3A_416 = arith.constant 12 : i32
      %add3A_417 = arith.addi %mul3A_128, %add3A_416 : i32
      %get3A_418 = arith.constant 1 : i32
      %get3A_419 = arith.index_cast %get3A_418 : i32 to index
      %get3A_420 = arith.index_cast %add3A_417 : i32 to index
      %get3A_421 = arith.constant 16 : index
      %get3A_422 = tpu.vector_load %arg9[%get3A_419, %get3A_420, %get3A_421] {strides = array<i32>} : memref<2x640x64xf32, #tpu.memory_space<vmem>>, vector<1x1x16xf32>,
      %get3A_423 = vector.shape_cast %get3A_422 : vector<1x1x16xf32> to vector<16xf32>
      %add3A_424 = arith.addf %add3A_415, %get3A_423 : vector<16xf32>
      %add3A_425 = arith.constant 13 : i32
      %add3A_426 = arith.addi %mul3A_128, %add3A_425 : i32
      %get3A_427 = arith.constant 1 : i32
      %get3A_428 = arith.index_cast %get3A_427 : i32 to index
      %get3A_429 = arith.index_cast %add3A_426 : i32 to index
      %get3A_430 = arith.constant 16 : index
      %get3A_431 = tpu.vector_load %arg9[%get3A_428, %get3A_429, %get3A_430] {strides = array<i32>} : memref<2x640x64xf32, #tpu.memory_space<vmem>>, vector<1x1x16xf32>,
      %get3A_432 = vector.shape_cast %get3A_431 : vector<1x1x16xf32> to vector<16xf32>
      %add3A_433 = arith.addf %add3A_424, %get3A_432 : vector<16xf32>
      %add3A_434 = arith.constant 14 : i32
      %add3A_435 = arith.addi %mul3A_128, %add3A_434 : i32
      %get3A_436 = arith.constant 1 : i32
      %get3A_437 = arith.index_cast %get3A_436 : i32 to index
      %get3A_438 = arith.index_cast %add3A_435 : i32 to index
      %get3A_439 = arith.constant 16 : index
      %get3A_440 = tpu.vector_load %arg9[%get3A_437, %get3A_438, %get3A_439] {strides = array<i32>} : memref<2x640x64xf32, #tpu.memory_space<vmem>>, vector<1x1x16xf32>,
      %get3A_441 = vector.shape_cast %get3A_440 : vector<1x1x16xf32> to vector<16xf32>
      %add3A_442 = arith.addf %add3A_433, %get3A_441 : vector<16xf32>
      %add3A_443 = arith.constant 15 : i32
      %add3A_444 = arith.addi %mul3A_128, %add3A_443 : i32
      %get3A_445 = arith.constant 1 : i32
      %get3A_446 = arith.index_cast %get3A_445 : i32 to index
      %get3A_447 = arith.index_cast %add3A_444 : i32 to index
      %get3A_448 = arith.constant 16 : index
      %get3A_449 = tpu.vector_load %arg9[%get3A_446, %get3A_447, %get3A_448] {strides = array<i32>} : memref<2x640x64xf32, #tpu.memory_space<vmem>>, vector<1x1x16xf32>,
      %get3A_450 = vector.shape_cast %get3A_449 : vector<1x1x16xf32> to vector<16xf32>
      %add3A_451 = arith.addf %add3A_442, %get3A_450 : vector<16xf32>
      %add3A_452 = arith.constant 16 : i32
      %add3A_453 = arith.addi %mul3A_128, %add3A_452 : i32
      %get3A_454 = arith.constant 1 : i32
      %get3A_455 = arith.index_cast %get3A_454 : i32 to index
      %get3A_456 = arith.index_cast %add3A_453 : i32 to index
      %get3A_457 = arith.constant 16 : index
      %get3A_458 = tpu.vector_load %arg9[%get3A_455, %get3A_456, %get3A_457] {strides = array<i32>} : memref<2x640x64xf32, #tpu.memory_space<vmem>>, vector<1x1x16xf32>,
      %get3A_459 = vector.shape_cast %get3A_458 : vector<1x1x16xf32> to vector<16xf32>
      %add3A_460 = arith.addf %add3A_451, %get3A_459 : vector<16xf32>
      %add3A_461 = arith.constant 17 : i32
      %add3A_462 = arith.addi %mul3A_128, %add3A_461 : i32
      %get3A_463 = arith.constant 1 : i32
      %get3A_464 = arith.index_cast %get3A_463 : i32 to index
      %get3A_465 = arith.index_cast %add3A_462 : i32 to index
      %get3A_466 = arith.constant 16 : index
      %get3A_467 = tpu.vector_load %arg9[%get3A_464, %get3A_465, %get3A_466] {strides = array<i32>} : memref<2x640x64xf32, #tpu.memory_space<vmem>>, vector<1x1x16xf32>,
      %get3A_468 = vector.shape_cast %get3A_467 : vector<1x1x16xf32> to vector<16xf32>
      %add3A_469 = arith.addf %add3A_460, %get3A_468 : vector<16xf32>
      %add3A_470 = arith.constant 18 : i32
      %add3A_471 = arith.addi %mul3A_128, %add3A_470 : i32
      %get3A_472 = arith.constant 1 : i32
      %get3A_473 = arith.index_cast %get3A_472 : i32 to index
      %get3A_474 = arith.index_cast %add3A_471 : i32 to index
      %get3A_475 = arith.constant 16 : index
      %get3A_476 = tpu.vector_load %arg9[%get3A_473, %get3A_474, %get3A_475] {strides = array<i32>} : memref<2x640x64xf32, #tpu.memory_space<vmem>>, vector<1x1x16xf32>,
      %get3A_477 = vector.shape_cast %get3A_476 : vector<1x1x16xf32> to vector<16xf32>
      %add3A_478 = arith.addf %add3A_469, %get3A_477 : vector<16xf32>
      %add3A_479 = arith.constant 19 : i32
      %add3A_480 = arith.addi %mul3A_128, %add3A_479 : i32
      %get3A_481 = arith.constant 1 : i32
      %get3A_482 = arith.index_cast %get3A_481 : i32 to index
      %get3A_483 = arith.index_cast %add3A_480 : i32 to index
      %get3A_484 = arith.constant 16 : index
      %get3A_485 = tpu.vector_load %arg9[%get3A_482, %get3A_483, %get3A_484] {strides = array<i32>} : memref<2x640x64xf32, #tpu.memory_space<vmem>>, vector<1x1x16xf32>,
      %get3A_486 = vector.shape_cast %get3A_485 : vector<1x1x16xf32> to vector<16xf32>
      %add3A_487 = arith.addf %add3A_478, %get3A_486 : vector<16xf32>
      %add3A_488 = arith.constant 32 : i32
      %add3A_489 = arith.addi %add3A_488, %add3A_126 : i32
      %swap3A_490 = arith.index_cast %add3A_489 : i32 to index
      %swap3A_491 = arith.constant 16 : index
      %swap3A_492 = tpu.vector_load %arg10[%swap3A_490, %swap3A_491] {strides = array<i32>} : memref<128x64xf32, #tpu.memory_space<vmem>>, vector<1x16xf32>,
      %swap3A_493 = vector.shape_cast %swap3A_492 : vector<1x16xf32> to vector<16xf32>
      %swap3A_494 = vector.shape_cast %add3A_487 : vector<16xf32> to vector<1x16xf32>
      tpu.vector_store %arg10[%swap3A_490, %swap3A_491], %swap3A_494 {strides = array<i32>} : memref<128x64xf32, #tpu.memory_space<vmem>>, vector<1x16xf32>,
      %get3A_495 = arith.constant 1 : i32
      %get3A_496 = arith.index_cast %get3A_495 : i32 to index
      %get3A_497 = arith.index_cast %mul3A_128 : i32 to index
      %get3A_498 = arith.constant 32 : index
      %get3A_499 = tpu.vector_load %arg9[%get3A_496, %get3A_497, %get3A_498] {strides = array<i32>} : memref<2x640x64xf32, #tpu.memory_space<vmem>>, vector<1x1x16xf32>,
      %get3A_500 = vector.shape_cast %get3A_499 : vector<1x1x16xf32> to vector<16xf32>
      %add3A_501 = arith.constant 1 : i32
      %add3A_502 = arith.addi %mul3A_128, %add3A_501 : i32
      %get3A_503 = arith.constant 1 : i32
      %get3A_504 = arith.index_cast %get3A_503 : i32 to index
      %get3A_505 = arith.index_cast %add3A_502 : i32 to index
      %get3A_506 = arith.constant 32 : index
      %get3A_507 = tpu.vector_load %arg9[%get3A_504, %get3A_505, %get3A_506] {strides = array<i32>} : memref<2x640x64xf32, #tpu.memory_space<vmem>>, vector<1x1x16xf32>,
      %get3A_508 = vector.shape_cast %get3A_507 : vector<1x1x16xf32> to vector<16xf32>
      %add3A_509 = arith.addf %get3A_500, %get3A_508 : vector<16xf32>
      %add3A_510 = arith.constant 2 : i32
      %add3A_511 = arith.addi %mul3A_128, %add3A_510 : i32
      %get3A_512 = arith.constant 1 : i32
      %get3A_513 = arith.index_cast %get3A_512 : i32 to index
      %get3A_514 = arith.index_cast %add3A_511 : i32 to index
      %get3A_515 = arith.constant 32 : index
      %get3A_516 = tpu.vector_load %arg9[%get3A_513, %get3A_514, %get3A_515] {strides = array<i32>} : memref<2x640x64xf32, #tpu.memory_space<vmem>>, vector<1x1x16xf32>,
      %get3A_517 = vector.shape_cast %get3A_516 : vector<1x1x16xf32> to vector<16xf32>
      %add3A_518 = arith.addf %add3A_509, %get3A_517 : vector<16xf32>
      %add3A_519 = arith.constant 3 : i32
      %add3A_520 = arith.addi %mul3A_128, %add3A_519 : i32
      %get3A_521 = arith.constant 1 : i32
      %get3A_522 = arith.index_cast %get3A_521 : i32 to index
      %get3A_523 = arith.index_cast %add3A_520 : i32 to index
      %get3A_524 = arith.constant 32 : index
      %get3A_525 = tpu.vector_load %arg9[%get3A_522, %get3A_523, %get3A_524] {strides = array<i32>} : memref<2x640x64xf32, #tpu.memory_space<vmem>>, vector<1x1x16xf32>,
      %get3A_526 = vector.shape_cast %get3A_525 : vector<1x1x16xf32> to vector<16xf32>
      %add3A_527 = arith.addf %add3A_518, %get3A_526 : vector<16xf32>
      %add3A_528 = arith.constant 4 : i32
      %add3A_529 = arith.addi %mul3A_128, %add3A_528 : i32
      %get3A_530 = arith.constant 1 : i32
      %get3A_531 = arith.index_cast %get3A_530 : i32 to index
      %get3A_532 = arith.index_cast %add3A_529 : i32 to index
      %get3A_533 = arith.constant 32 : index
      %get3A_534 = tpu.vector_load %arg9[%get3A_531, %get3A_532, %get3A_533] {strides = array<i32>} : memref<2x640x64xf32, #tpu.memory_space<vmem>>, vector<1x1x16xf32>,
      %get3A_535 = vector.shape_cast %get3A_534 : vector<1x1x16xf32> to vector<16xf32>
      %add3A_536 = arith.addf %add3A_527, %get3A_535 : vector<16xf32>
      %add3A_537 = arith.constant 5 : i32
      %add3A_538 = arith.addi %mul3A_128, %add3A_537 : i32
      %get3A_539 = arith.constant 1 : i32
      %get3A_540 = arith.index_cast %get3A_539 : i32 to index
      %get3A_541 = arith.index_cast %add3A_538 : i32 to index
      %get3A_542 = arith.constant 32 : index
      %get3A_543 = tpu.vector_load %arg9[%get3A_540, %get3A_541, %get3A_542] {strides = array<i32>} : memref<2x640x64xf32, #tpu.memory_space<vmem>>, vector<1x1x16xf32>,
      %get3A_544 = vector.shape_cast %get3A_543 : vector<1x1x16xf32> to vector<16xf32>
      %add3A_545 = arith.addf %add3A_536, %get3A_544 : vector<16xf32>
      %add3A_546 = arith.constant 6 : i32
      %add3A_547 = arith.addi %mul3A_128, %add3A_546 : i32
      %get3A_548 = arith.constant 1 : i32
      %get3A_549 = arith.index_cast %get3A_548 : i32 to index
      %get3A_550 = arith.index_cast %add3A_547 : i32 to index
      %get3A_551 = arith.constant 32 : index
      %get3A_552 = tpu.vector_load %arg9[%get3A_549, %get3A_550, %get3A_551] {strides = array<i32>} : memref<2x640x64xf32, #tpu.memory_space<vmem>>, vector<1x1x16xf32>,
      %get3A_553 = vector.shape_cast %get3A_552 : vector<1x1x16xf32> to vector<16xf32>
      %add3A_554 = arith.addf %add3A_545, %get3A_553 : vector<16xf32>
      %add3A_555 = arith.constant 7 : i32
      %add3A_556 = arith.addi %mul3A_128, %add3A_555 : i32
      %get3A_557 = arith.constant 1 : i32
      %get3A_558 = arith.index_cast %get3A_557 : i32 to index
      %get3A_559 = arith.index_cast %add3A_556 : i32 to index
      %get3A_560 = arith.constant 32 : index
      %get3A_561 = tpu.vector_load %arg9[%get3A_558, %get3A_559, %get3A_560] {strides = array<i32>} : memref<2x640x64xf32, #tpu.memory_space<vmem>>, vector<1x1x16xf32>,
      %get3A_562 = vector.shape_cast %get3A_561 : vector<1x1x16xf32> to vector<16xf32>
      %add3A_563 = arith.addf %add3A_554, %get3A_562 : vector<16xf32>
      %add3A_564 = arith.constant 8 : i32
      %add3A_565 = arith.addi %mul3A_128, %add3A_564 : i32
      %get3A_566 = arith.constant 1 : i32
      %get3A_567 = arith.index_cast %get3A_566 : i32 to index
      %get3A_568 = arith.index_cast %add3A_565 : i32 to index
      %get3A_569 = arith.constant 32 : index
      %get3A_570 = tpu.vector_load %arg9[%get3A_567, %get3A_568, %get3A_569] {strides = array<i32>} : memref<2x640x64xf32, #tpu.memory_space<vmem>>, vector<1x1x16xf32>,
      %get3A_571 = vector.shape_cast %get3A_570 : vector<1x1x16xf32> to vector<16xf32>
      %add3A_572 = arith.addf %add3A_563, %get3A_571 : vector<16xf32>
      %add3A_573 = arith.constant 9 : i32
      %add3A_574 = arith.addi %mul3A_128, %add3A_573 : i32
      %get3A_575 = arith.constant 1 : i32
      %get3A_576 = arith.index_cast %get3A_575 : i32 to index
      %get3A_577 = arith.index_cast %add3A_574 : i32 to index
      %get3A_578 = arith.constant 32 : index
      %get3A_579 = tpu.vector_load %arg9[%get3A_576, %get3A_577, %get3A_578] {strides = array<i32>} : memref<2x640x64xf32, #tpu.memory_space<vmem>>, vector<1x1x16xf32>,
      %get3A_580 = vector.shape_cast %get3A_579 : vector<1x1x16xf32> to vector<16xf32>
      %add3A_581 = arith.addf %add3A_572, %get3A_580 : vector<16xf32>
      %add3A_582 = arith.constant 10 : i32
      %add3A_583 = arith.addi %mul3A_128, %add3A_582 : i32
      %get3A_584 = arith.constant 1 : i32
      %get3A_585 = arith.index_cast %get3A_584 : i32 to index
      %get3A_586 = arith.index_cast %add3A_583 : i32 to index
      %get3A_587 = arith.constant 32 : index
      %get3A_588 = tpu.vector_load %arg9[%get3A_585, %get3A_586, %get3A_587] {strides = array<i32>} : memref<2x640x64xf32, #tpu.memory_space<vmem>>, vector<1x1x16xf32>,
      %get3A_589 = vector.shape_cast %get3A_588 : vector<1x1x16xf32> to vector<16xf32>
      %add3A_590 = arith.addf %add3A_581, %get3A_589 : vector<16xf32>
      %add3A_591 = arith.constant 11 : i32
      %add3A_592 = arith.addi %mul3A_128, %add3A_591 : i32
      %get3A_593 = arith.constant 1 : i32
      %get3A_594 = arith.index_cast %get3A_593 : i32 to index
      %get3A_595 = arith.index_cast %add3A_592 : i32 to index
      %get3A_596 = arith.constant 32 : index
      %get3A_597 = tpu.vector_load %arg9[%get3A_594, %get3A_595, %get3A_596] {strides = array<i32>} : memref<2x640x64xf32, #tpu.memory_space<vmem>>, vector<1x1x16xf32>,
      %get3A_598 = vector.shape_cast %get3A_597 : vector<1x1x16xf32> to vector<16xf32>
      %add3A_599 = arith.addf %add3A_590, %get3A_598 : vector<16xf32>
      %add3A_600 = arith.constant 12 : i32
      %add3A_601 = arith.addi %mul3A_128, %add3A_600 : i32
      %get3A_602 = arith.constant 1 : i32
      %get3A_603 = arith.index_cast %get3A_602 : i32 to index
      %get3A_604 = arith.index_cast %add3A_601 : i32 to index
      %get3A_605 = arith.constant 32 : index
      %get3A_606 = tpu.vector_load %arg9[%get3A_603, %get3A_604, %get3A_605] {strides = array<i32>} : memref<2x640x64xf32, #tpu.memory_space<vmem>>, vector<1x1x16xf32>,
      %get3A_607 = vector.shape_cast %get3A_606 : vector<1x1x16xf32> to vector<16xf32>
      %add3A_608 = arith.addf %add3A_599, %get3A_607 : vector<16xf32>
      %add3A_609 = arith.constant 13 : i32
      %add3A_610 = arith.addi %mul3A_128, %add3A_609 : i32
      %get3A_611 = arith.constant 1 : i32
      %get3A_612 = arith.index_cast %get3A_611 : i32 to index
      %get3A_613 = arith.index_cast %add3A_610 : i32 to index
      %get3A_614 = arith.constant 32 : index
      %get3A_615 = tpu.vector_load %arg9[%get3A_612, %get3A_613, %get3A_614] {strides = array<i32>} : memref<2x640x64xf32, #tpu.memory_space<vmem>>, vector<1x1x16xf32>,
      %get3A_616 = vector.shape_cast %get3A_615 : vector<1x1x16xf32> to vector<16xf32>
      %add3A_617 = arith.addf %add3A_608, %get3A_616 : vector<16xf32>
      %add3A_618 = arith.constant 14 : i32
      %add3A_619 = arith.addi %mul3A_128, %add3A_618 : i32
      %get3A_620 = arith.constant 1 : i32
      %get3A_621 = arith.index_cast %get3A_620 : i32 to index
      %get3A_622 = arith.index_cast %add3A_619 : i32 to index
      %get3A_623 = arith.constant 32 : index
      %get3A_624 = tpu.vector_load %arg9[%get3A_621, %get3A_622, %get3A_623] {strides = array<i32>} : memref<2x640x64xf32, #tpu.memory_space<vmem>>, vector<1x1x16xf32>,
      %get3A_625 = vector.shape_cast %get3A_624 : vector<1x1x16xf32> to vector<16xf32>
      %add3A_626 = arith.addf %add3A_617, %get3A_625 : vector<16xf32>
      %add3A_627 = arith.constant 15 : i32
      %add3A_628 = arith.addi %mul3A_128, %add3A_627 : i32
      %get3A_629 = arith.constant 1 : i32
      %get3A_630 = arith.index_cast %get3A_629 : i32 to index
      %get3A_631 = arith.index_cast %add3A_628 : i32 to index
      %get3A_632 = arith.constant 32 : index
      %get3A_633 = tpu.vector_load %arg9[%get3A_630, %get3A_631, %get3A_632] {strides = array<i32>} : memref<2x640x64xf32, #tpu.memory_space<vmem>>, vector<1x1x16xf32>,
      %get3A_634 = vector.shape_cast %get3A_633 : vector<1x1x16xf32> to vector<16xf32>
      %add3A_635 = arith.addf %add3A_626, %get3A_634 : vector<16xf32>
      %add3A_636 = arith.constant 16 : i32
      %add3A_637 = arith.addi %mul3A_128, %add3A_636 : i32
      %get3A_638 = arith.constant 1 : i32
      %get3A_639 = arith.index_cast %get3A_638 : i32 to index
      %get3A_640 = arith.index_cast %add3A_637 : i32 to index
      %get3A_641 = arith.constant 32 : index
      %get3A_642 = tpu.vector_load %arg9[%get3A_639, %get3A_640, %get3A_641] {strides = array<i32>} : memref<2x640x64xf32, #tpu.memory_space<vmem>>, vector<1x1x16xf32>,
      %get3A_643 = vector.shape_cast %get3A_642 : vector<1x1x16xf32> to vector<16xf32>
      %add3A_644 = arith.addf %add3A_635, %get3A_643 : vector<16xf32>
      %add3A_645 = arith.constant 17 : i32
      %add3A_646 = arith.addi %mul3A_128, %add3A_645 : i32
      %get3A_647 = arith.constant 1 : i32
      %get3A_648 = arith.index_cast %get3A_647 : i32 to index
      %get3A_649 = arith.index_cast %add3A_646 : i32 to index
      %get3A_650 = arith.constant 32 : index
      %get3A_651 = tpu.vector_load %arg9[%get3A_648, %get3A_649, %get3A_650] {strides = array<i32>} : memref<2x640x64xf32, #tpu.memory_space<vmem>>, vector<1x1x16xf32>,
      %get3A_652 = vector.shape_cast %get3A_651 : vector<1x1x16xf32> to vector<16xf32>
      %add3A_653 = arith.addf %add3A_644, %get3A_652 : vector<16xf32>
      %add3A_654 = arith.constant 18 : i32
      %add3A_655 = arith.addi %mul3A_128, %add3A_654 : i32
      %get3A_656 = arith.constant 1 : i32
      %get3A_657 = arith.index_cast %get3A_656 : i32 to index
      %get3A_658 = arith.index_cast %add3A_655 : i32 to index
      %get3A_659 = arith.constant 32 : index
      %get3A_660 = tpu.vector_load %arg9[%get3A_657, %get3A_658, %get3A_659] {strides = array<i32>} : memref<2x640x64xf32, #tpu.memory_space<vmem>>, vector<1x1x16xf32>,
      %get3A_661 = vector.shape_cast %get3A_660 : vector<1x1x16xf32> to vector<16xf32>
      %add3A_662 = arith.addf %add3A_653, %get3A_661 : vector<16xf32>
      %add3A_663 = arith.constant 19 : i32
      %add3A_664 = arith.addi %mul3A_128, %add3A_663 : i32
      %get3A_665 = arith.constant 1 : i32
      %get3A_666 = arith.index_cast %get3A_665 : i32 to index
      %get3A_667 = arith.index_cast %add3A_664 : i32 to index
      %get3A_668 = arith.constant 32 : index
      %get3A_669 = tpu.vector_load %arg9[%get3A_666, %get3A_667, %get3A_668] {strides = array<i32>} : memref<2x640x64xf32, #tpu.memory_space<vmem>>, vector<1x1x16xf32>,
      %get3A_670 = vector.shape_cast %get3A_669 : vector<1x1x16xf32> to vector<16xf32>
      %add3A_671 = arith.addf %add3A_662, %get3A_670 : vector<16xf32>
      %add3A_672 = arith.constant 32 : i32
      %add3A_673 = arith.addi %add3A_672, %add3A_126 : i32
      %swap3A_674 = arith.index_cast %add3A_673 : i32 to index
      %swap3A_675 = arith.constant 32 : index
      %swap3A_676 = tpu.vector_load %arg10[%swap3A_674, %swap3A_675] {strides = array<i32>} : memref<128x64xf32, #tpu.memory_space<vmem>>, vector<1x16xf32>,
      %swap3A_677 = vector.shape_cast %swap3A_676 : vector<1x16xf32> to vector<16xf32>
      %swap3A_678 = vector.shape_cast %add3A_671 : vector<16xf32> to vector<1x16xf32>
      tpu.vector_store %arg10[%swap3A_674, %swap3A_675], %swap3A_678 {strides = array<i32>} : memref<128x64xf32, #tpu.memory_space<vmem>>, vector<1x16xf32>,
      %get3A_679 = arith.constant 1 : i32
      %get3A_680 = arith.index_cast %get3A_679 : i32 to index
      %get3A_681 = arith.index_cast %mul3A_128 : i32 to index
      %get3A_682 = arith.constant 48 : index
      %get3A_683 = tpu.vector_load %arg9[%get3A_680, %get3A_681, %get3A_682] {strides = array<i32>} : memref<2x640x64xf32, #tpu.memory_space<vmem>>, vector<1x1x16xf32>,
      %get3A_684 = vector.shape_cast %get3A_683 : vector<1x1x16xf32> to vector<16xf32>
      %add3A_685 = arith.constant 1 : i32
      %add3A_686 = arith.addi %mul3A_128, %add3A_685 : i32
      %get3A_687 = arith.constant 1 : i32
      %get3A_688 = arith.index_cast %get3A_687 : i32 to index
      %get3A_689 = arith.index_cast %add3A_686 : i32 to index
      %get3A_690 = arith.constant 48 : index
      %get3A_691 = tpu.vector_load %arg9[%get3A_688, %get3A_689, %get3A_690] {strides = array<i32>} : memref<2x640x64xf32, #tpu.memory_space<vmem>>, vector<1x1x16xf32>,
      %get3A_692 = vector.shape_cast %get3A_691 : vector<1x1x16xf32> to vector<16xf32>
      %add3A_693 = arith.addf %get3A_684, %get3A_692 : vector<16xf32>
      %add3A_694 = arith.constant 2 : i32
      %add3A_695 = arith.addi %mul3A_128, %add3A_694 : i32
      %get3A_696 = arith.constant 1 : i32
      %get3A_697 = arith.index_cast %get3A_696 : i32 to index
      %get3A_698 = arith.index_cast %add3A_695 : i32 to index
      %get3A_699 = arith.constant 48 : index
      %get3A_700 = tpu.vector_load %arg9[%get3A_697, %get3A_698, %get3A_699] {strides = array<i32>} : memref<2x640x64xf32, #tpu.memory_space<vmem>>, vector<1x1x16xf32>,
      %get3A_701 = vector.shape_cast %get3A_700 : vector<1x1x16xf32> to vector<16xf32>
      %add3A_702 = arith.addf %add3A_693, %get3A_701 : vector<16xf32>
      %add3A_703 = arith.constant 3 : i32
      %add3A_704 = arith.addi %mul3A_128, %add3A_703 : i32
      %get3A_705 = arith.constant 1 : i32
      %get3A_706 = arith.index_cast %get3A_705 : i32 to index
      %get3A_707 = arith.index_cast %add3A_704 : i32 to index
      %get3A_708 = arith.constant 48 : index
      %get3A_709 = tpu.vector_load %arg9[%get3A_706, %get3A_707, %get3A_708] {strides = array<i32>} : memref<2x640x64xf32, #tpu.memory_space<vmem>>, vector<1x1x16xf32>,
      %get3A_710 = vector.shape_cast %get3A_709 : vector<1x1x16xf32> to vector<16xf32>
      %add3A_711 = arith.addf %add3A_702, %get3A_710 : vector<16xf32>
      %add3A_712 = arith.constant 4 : i32
      %add3A_713 = arith.addi %mul3A_128, %add3A_712 : i32
      %get3A_714 = arith.constant 1 : i32
      %get3A_715 = arith.index_cast %get3A_714 : i32 to index
      %get3A_716 = arith.index_cast %add3A_713 : i32 to index
      %get3A_717 = arith.constant 48 : index
      %get3A_718 = tpu.vector_load %arg9[%get3A_715, %get3A_716, %get3A_717] {strides = array<i32>} : memref<2x640x64xf32, #tpu.memory_space<vmem>>, vector<1x1x16xf32>,
      %get3A_719 = vector.shape_cast %get3A_718 : vector<1x1x16xf32> to vector<16xf32>
      %add3A_720 = arith.addf %add3A_711, %get3A_719 : vector<16xf32>
      %add3A_721 = arith.constant 5 : i32
      %add3A_722 = arith.addi %mul3A_128, %add3A_721 : i32
      %get3A_723 = arith.constant 1 : i32
      %get3A_724 = arith.index_cast %get3A_723 : i32 to index
      %get3A_725 = arith.index_cast %add3A_722 : i32 to index
      %get3A_726 = arith.constant 48 : index
      %get3A_727 = tpu.vector_load %arg9[%get3A_724, %get3A_725, %get3A_726] {strides = array<i32>} : memref<2x640x64xf32, #tpu.memory_space<vmem>>, vector<1x1x16xf32>,
      %get3A_728 = vector.shape_cast %get3A_727 : vector<1x1x16xf32> to vector<16xf32>
      %add3A_729 = arith.addf %add3A_720, %get3A_728 : vector<16xf32>
      %add3A_730 = arith.constant 6 : i32
      %add3A_731 = arith.addi %mul3A_128, %add3A_730 : i32
      %get3A_732 = arith.constant 1 : i32
      %get3A_733 = arith.index_cast %get3A_732 : i32 to index
      %get3A_734 = arith.index_cast %add3A_731 : i32 to index
      %get3A_735 = arith.constant 48 : index
      %get3A_736 = tpu.vector_load %arg9[%get3A_733, %get3A_734, %get3A_735] {strides = array<i32>} : memref<2x640x64xf32, #tpu.memory_space<vmem>>, vector<1x1x16xf32>,
      %get3A_737 = vector.shape_cast %get3A_736 : vector<1x1x16xf32> to vector<16xf32>
      %add3A_738 = arith.addf %add3A_729, %get3A_737 : vector<16xf32>
      %add3A_739 = arith.constant 7 : i32
      %add3A_740 = arith.addi %mul3A_128, %add3A_739 : i32
      %get3A_741 = arith.constant 1 : i32
      %get3A_742 = arith.index_cast %get3A_741 : i32 to index
      %get3A_743 = arith.index_cast %add3A_740 : i32 to index
      %get3A_744 = arith.constant 48 : index
      %get3A_745 = tpu.vector_load %arg9[%get3A_742, %get3A_743, %get3A_744] {strides = array<i32>} : memref<2x640x64xf32, #tpu.memory_space<vmem>>, vector<1x1x16xf32>,
      %get3A_746 = vector.shape_cast %get3A_745 : vector<1x1x16xf32> to vector<16xf32>
      %add3A_747 = arith.addf %add3A_738, %get3A_746 : vector<16xf32>
      %add3A_748 = arith.constant 8 : i32
      %add3A_749 = arith.addi %mul3A_128, %add3A_748 : i32
      %get3A_750 = arith.constant 1 : i32
      %get3A_751 = arith.index_cast %get3A_750 : i32 to index
      %get3A_752 = arith.index_cast %add3A_749 : i32 to index
      %get3A_753 = arith.constant 48 : index
      %get3A_754 = tpu.vector_load %arg9[%get3A_751, %get3A_752, %get3A_753] {strides = array<i32>} : memref<2x640x64xf32, #tpu.memory_space<vmem>>, vector<1x1x16xf32>,
      %get3A_755 = vector.shape_cast %get3A_754 : vector<1x1x16xf32> to vector<16xf32>
      %add3A_756 = arith.addf %add3A_747, %get3A_755 : vector<16xf32>
      %add3A_757 = arith.constant 9 : i32
      %add3A_758 = arith.addi %mul3A_128, %add3A_757 : i32
      %get3A_759 = arith.constant 1 : i32
      %get3A_760 = arith.index_cast %get3A_759 : i32 to index
      %get3A_761 = arith.index_cast %add3A_758 : i32 to index
      %get3A_762 = arith.constant 48 : index
      %get3A_763 = tpu.vector_load %arg9[%get3A_760, %get3A_761, %get3A_762] {strides = array<i32>} : memref<2x640x64xf32, #tpu.memory_space<vmem>>, vector<1x1x16xf32>,
      %get3A_764 = vector.shape_cast %get3A_763 : vector<1x1x16xf32> to vector<16xf32>
      %add3A_765 = arith.addf %add3A_756, %get3A_764 : vector<16xf32>
      %add3A_766 = arith.constant 10 : i32
      %add3A_767 = arith.addi %mul3A_128, %add3A_766 : i32
      %get3A_768 = arith.constant 1 : i32
      %get3A_769 = arith.index_cast %get3A_768 : i32 to index
      %get3A_770 = arith.index_cast %add3A_767 : i32 to index
      %get3A_771 = arith.constant 48 : index
      %get3A_772 = tpu.vector_load %arg9[%get3A_769, %get3A_770, %get3A_771] {strides = array<i32>} : memref<2x640x64xf32, #tpu.memory_space<vmem>>, vector<1x1x16xf32>,
      %get3A_773 = vector.shape_cast %get3A_772 : vector<1x1x16xf32> to vector<16xf32>
      %add3A_774 = arith.addf %add3A_765, %get3A_773 : vector<16xf32>
      %add3A_775 = arith.constant 11 : i32
      %add3A_776 = arith.addi %mul3A_128, %add3A_775 : i32
      %get3A_777 = arith.constant 1 : i32
      %get3A_778 = arith.index_cast %get3A_777 : i32 to index
      %get3A_779 = arith.index_cast %add3A_776 : i32 to index
      %get3A_780 = arith.constant 48 : index
      %get3A_781 = tpu.vector_load %arg9[%get3A_778, %get3A_779, %get3A_780] {strides = array<i32>} : memref<2x640x64xf32, #tpu.memory_space<vmem>>, vector<1x1x16xf32>,
      %get3A_782 = vector.shape_cast %get3A_781 : vector<1x1x16xf32> to vector<16xf32>
      %add3A_783 = arith.addf %add3A_774, %get3A_782 : vector<16xf32>
      %add3A_784 = arith.constant 12 : i32
      %add3A_785 = arith.addi %mul3A_128, %add3A_784 : i32
      %get3A_786 = arith.constant 1 : i32
      %get3A_787 = arith.index_cast %get3A_786 : i32 to index
      %get3A_788 = arith.index_cast %add3A_785 : i32 to index
      %get3A_789 = arith.constant 48 : index
      %get3A_790 = tpu.vector_load %arg9[%get3A_787, %get3A_788, %get3A_789] {strides = array<i32>} : memref<2x640x64xf32, #tpu.memory_space<vmem>>, vector<1x1x16xf32>,
      %get3A_791 = vector.shape_cast %get3A_790 : vector<1x1x16xf32> to vector<16xf32>
      %add3A_792 = arith.addf %add3A_783, %get3A_791 : vector<16xf32>
      %add3A_793 = arith.constant 13 : i32
      %add3A_794 = arith.addi %mul3A_128, %add3A_793 : i32
      %get3A_795 = arith.constant 1 : i32
      %get3A_796 = arith.index_cast %get3A_795 : i32 to index
      %get3A_797 = arith.index_cast %add3A_794 : i32 to index
      %get3A_798 = arith.constant 48 : index
      %get3A_799 = tpu.vector_load %arg9[%get3A_796, %get3A_797, %get3A_798] {strides = array<i32>} : memref<2x640x64xf32, #tpu.memory_space<vmem>>, vector<1x1x16xf32>,
      %get3A_800 = vector.shape_cast %get3A_799 : vector<1x1x16xf32> to vector<16xf32>
      %add3A_801 = arith.addf %add3A_792, %get3A_800 : vector<16xf32>
      %add3A_802 = arith.constant 14 : i32
      %add3A_803 = arith.addi %mul3A_128, %add3A_802 : i32
      %get3A_804 = arith.constant 1 : i32
      %get3A_805 = arith.index_cast %get3A_804 : i32 to index
      %get3A_806 = arith.index_cast %add3A_803 : i32 to index
      %get3A_807 = arith.constant 48 : index
      %get3A_808 = tpu.vector_load %arg9[%get3A_805, %get3A_806, %get3A_807] {strides = array<i32>} : memref<2x640x64xf32, #tpu.memory_space<vmem>>, vector<1x1x16xf32>,
      %get3A_809 = vector.shape_cast %get3A_808 : vector<1x1x16xf32> to vector<16xf32>
      %add3A_810 = arith.addf %add3A_801, %get3A_809 : vector<16xf32>
      %add3A_811 = arith.constant 15 : i32
      %add3A_812 = arith.addi %mul3A_128, %add3A_811 : i32
      %get3A_813 = arith.constant 1 : i32
      %get3A_814 = arith.index_cast %get3A_813 : i32 to index
      %get3A_815 = arith.index_cast %add3A_812 : i32 to index
      %get3A_816 = arith.constant 48 : index
      %get3A_817 = tpu.vector_load %arg9[%get3A_814, %get3A_815, %get3A_816] {strides = array<i32>} : memref<2x640x64xf32, #tpu.memory_space<vmem>>, vector<1x1x16xf32>,
      %get3A_818 = vector.shape_cast %get3A_817 : vector<1x1x16xf32> to vector<16xf32>
      %add3A_819 = arith.addf %add3A_810, %get3A_818 : vector<16xf32>
      %add3A_820 = arith.constant 16 : i32
      %add3A_821 = arith.addi %mul3A_128, %add3A_820 : i32
      %get3A_822 = arith.constant 1 : i32
      %get3A_823 = arith.index_cast %get3A_822 : i32 to index
      %get3A_824 = arith.index_cast %add3A_821 : i32 to index
      %get3A_825 = arith.constant 48 : index
      %get3A_826 = tpu.vector_load %arg9[%get3A_823, %get3A_824, %get3A_825] {strides = array<i32>} : memref<2x640x64xf32, #tpu.memory_space<vmem>>, vector<1x1x16xf32>,
      %get3A_827 = vector.shape_cast %get3A_826 : vector<1x1x16xf32> to vector<16xf32>
      %add3A_828 = arith.addf %add3A_819, %get3A_827 : vector<16xf32>
      %add3A_829 = arith.constant 17 : i32
      %add3A_830 = arith.addi %mul3A_128, %add3A_829 : i32
      %get3A_831 = arith.constant 1 : i32
      %get3A_832 = arith.index_cast %get3A_831 : i32 to index
      %get3A_833 = arith.index_cast %add3A_830 : i32 to index
      %get3A_834 = arith.constant 48 : index
      %get3A_835 = tpu.vector_load %arg9[%get3A_832, %get3A_833, %get3A_834] {strides = array<i32>} : memref<2x640x64xf32, #tpu.memory_space<vmem>>, vector<1x1x16xf32>,
      %get3A_836 = vector.shape_cast %get3A_835 : vector<1x1x16xf32> to vector<16xf32>
      %add3A_837 = arith.addf %add3A_828, %get3A_836 : vector<16xf32>
      %add3A_838 = arith.constant 18 : i32
      %add3A_839 = arith.addi %mul3A_128, %add3A_838 : i32
      %get3A_840 = arith.constant 1 : i32
      %get3A_841 = arith.index_cast %get3A_840 : i32 to index
      %get3A_842 = arith.index_cast %add3A_839 : i32 to index
      %get3A_843 = arith.constant 48 : index
      %get3A_844 = tpu.vector_load %arg9[%get3A_841, %get3A_842, %get3A_843] {strides = array<i32>} : memref<2x640x64xf32, #tpu.memory_space<vmem>>, vector<1x1x16xf32>,
      %get3A_845 = vector.shape_cast %get3A_844 : vector<1x1x16xf32> to vector<16xf32>
      %add3A_846 = arith.addf %add3A_837, %get3A_845 : vector<16xf32>
      %add3A_847 = arith.constant 19 : i32
      %add3A_848 = arith.addi %mul3A_128, %add3A_847 : i32
      %get3A_849 = arith.constant 1 : i32
      %get3A_850 = arith.index_cast %get3A_849 : i32 to index
      %get3A_851 = arith.index_cast %add3A_848 : i32 to index
      %get3A_852 = arith.constant 48 : index
      %get3A_853 = tpu.vector_load %arg9[%get3A_850, %get3A_851, %get3A_852] {strides = array<i32>} : memref<2x640x64xf32, #tpu.memory_space<vmem>>, vector<1x1x16xf32>,
      %get3A_854 = vector.shape_cast %get3A_853 : vector<1x1x16xf32> to vector<16xf32>
      %add3A_855 = arith.addf %add3A_846, %get3A_854 : vector<16xf32>
      %add3A_856 = arith.constant 32 : i32
      %add3A_857 = arith.addi %add3A_856, %add3A_126 : i32
      %swap3A_858 = arith.index_cast %add3A_857 : i32 to index
      %swap3A_859 = arith.constant 48 : index
      %swap3A_860 = tpu.vector_load %arg10[%swap3A_858, %swap3A_859] {strides = array<i32>} : memref<128x64xf32, #tpu.memory_space<vmem>>, vector<1x16xf32>,
      %swap3A_861 = vector.shape_cast %swap3A_860 : vector<1x16xf32> to vector<16xf32>
      %swap3A_862 = vector.shape_cast %add3A_855 : vector<16xf32> to vector<1x16xf32>
      tpu.vector_store %arg10[%swap3A_858, %swap3A_859], %swap3A_862 {strides = array<i32>} : memref<128x64xf32, #tpu.memory_space<vmem>>, vector<1x16xf32>,
    }
    %scan3A_72 = arith.constant 32 : i32
    %dma_wait3A_73 = arith.constant 2 : i32
    %dma_wait3A_74 = arith.constant 0 : i32
    %dma_wait3A_75 = arith.constant 0 : i32
    %dma_wait3A_76 = arith.constant 0 : i32
    %dma_wait3A_77 = tpu.memref_slice %arg9[%dma_wait3A_74, %dma_wait3A_75, %dma_wait3A_76] : memref<2x640x64xf32, #tpu.memory_space<vmem>> -> memref<1x640x64xf32, #tpu.memory_space<vmem>>
    %dma_wait3A_78 = tpu.memref_squeeze %dma_wait3A_77 : memref<1x640x64xf32, #tpu.memory_space<vmem>> -> memref<640x64xf32, #tpu.memory_space<vmem>>
    %dma_wait3A_79 = arith.constant 0 : i32
    %dma_wait3A_80 = tpu.memref_slice %arg7[%dma_wait3A_73, %dma_wait3A_79] : memref<4x640xi32, #tpu.memory_space<vmem>> -> memref<1x640xi32, #tpu.memory_space<vmem>>
    %dma_wait3A_81 = tpu.memref_squeeze %dma_wait3A_80 : memref<1x640xi32, #tpu.memory_space<vmem>> -> memref<640xi32, #tpu.memory_space<vmem>>
    %dma_wait3A_82 = arith.constant 0 : i32
    %dma_wait3A_83 = arith.constant 0 : i32
    %dma_wait3A_84 = tpu.memref_slice %arg2[%dma_wait3A_82, %dma_wait3A_83] : memref<1000000x64xf32, #tpu.memory_space<hbm>> -> memref<1000000x64xf32, #tpu.memory_space<hbm>>
    tpu.wait_indirect_dma semaphore(%arg12 : memref<!tpu.dma_semaphore, #tpu.memory_space<semaphore_mem>>) src(%dma_wait3A_84 : memref<1000000x64xf32, #tpu.memory_space<hbm>>) dst(%dma_wait3A_78 : memref<640x64xf32, #tpu.memory_space<vmem>>)
    %dma_start3A_85 = arith.constant 3 : i32
    %dma_start3A_86 = arith.constant 1 : i32
    %dma_start3A_87 = arith.constant 0 : i32
    %dma_start3A_88 = arith.constant 0 : i32
    %dma_start3A_89 = tpu.memref_slice %arg9[%dma_start3A_86, %dma_start3A_87, %dma_start3A_88] : memref<2x640x64xf32, #tpu.memory_space<vmem>> -> memref<1x640x64xf32, #tpu.memory_space<vmem>>
    %dma_start3A_90 = tpu.memref_squeeze %dma_start3A_89 : memref<1x640x64xf32, #tpu.memory_space<vmem>> -> memref<640x64xf32, #tpu.memory_space<vmem>>
    %dma_start3A_91 = arith.constant 0 : i32
    %dma_start3A_92 = tpu.memref_slice %arg7[%dma_start3A_85, %dma_start3A_91] : memref<4x640xi32, #tpu.memory_space<vmem>> -> memref<1x640xi32, #tpu.memory_space<vmem>>
    %dma_start3A_93 = tpu.memref_squeeze %dma_start3A_92 : memref<1x640xi32, #tpu.memory_space<vmem>> -> memref<640xi32, #tpu.memory_space<vmem>>
    %dma_start3A_94 = arith.constant 0 : i32
    %dma_start3A_95 = arith.constant 0 : i32
    %dma_start3A_96 = tpu.memref_slice %arg2[%dma_start3A_94, %dma_start3A_95] : memref<1000000x64xf32, #tpu.memory_space<hbm>> -> memref<1000000x64xf32, #tpu.memory_space<hbm>>
    tpu.enqueue_indirect_dma source(%dma_start3A_96 : memref<1000000x64xf32, #tpu.memory_space<hbm>>) target(%dma_start3A_90 : memref<640x64xf32, #tpu.memory_space<vmem>>) offsets(%dma_start3A_93 : memref<640xi32, #tpu.memory_space<vmem>>) semaphore(%arg13 : memref<!tpu.dma_semaphore, #tpu.memory_space<semaphore_mem>>)
    %scan3A_97 = arith.constant 0 : i32
    %scan3A_98 = arith.constant 32 : i32
    %scan3A_99 = arith.addi %scan3A_97, %scan3A_98 : i32
    %scan3A_100 = arith.constant 1 : i32
    scf.for %scan3A_122 = %scan3A_97 to %scan3A_99 step %scan3A_100  : i32 {
      %mul3A_123 = arith.constant 1 : i32
      %mul3A_124 = arith.muli %scan3A_122, %mul3A_123 : i32
      %add3A_125 = arith.constant 0 : i32
      %add3A_126 = arith.addi %add3A_125, %mul3A_124 : i32
      %mul3A_127 = arith.constant 20 : i32
      %mul3A_128 = arith.muli %add3A_126, %mul3A_127 : i32
      %get3A = arith.constant 0 : i32
      %get3A_129 = arith.index_cast %get3A : i32 to index
      %get3A_130 = arith.index_cast %mul3A_128 : i32 to index
      %get3A_131 = arith.constant 0 : index
      %get3A_132 = tpu.vector_load %arg9[%get3A_129, %get3A_130, %get3A_131] {strides = array<i32>} : memref<2x640x64xf32, #tpu.memory_space<vmem>>, vector<1x1x16xf32>,
      %get3A_133 = vector.shape_cast %get3A_132 : vector<1x1x16xf32> to vector<16xf32>
      %add3A_134 = arith.constant 1 : i32
      %add3A_135 = arith.addi %mul3A_128, %add3A_134 : i32
      %get3A_136 = arith.constant 0 : i32
      %get3A_137 = arith.index_cast %get3A_136 : i32 to index
      %get3A_138 = arith.index_cast %add3A_135 : i32 to index
      %get3A_139 = arith.constant 0 : index
      %get3A_140 = tpu.vector_load %arg9[%get3A_137, %get3A_138, %get3A_139] {strides = array<i32>} : memref<2x640x64xf32, #tpu.memory_space<vmem>>, vector<1x1x16xf32>,
      %get3A_141 = vector.shape_cast %get3A_140 : vector<1x1x16xf32> to vector<16xf32>
      %add3A_142 = arith.addf %get3A_133, %get3A_141 : vector<16xf32>
      %add3A_143 = arith.constant 2 : i32
      %add3A_144 = arith.addi %mul3A_128, %add3A_143 : i32
      %get3A_145 = arith.constant 0 : i32
      %get3A_146 = arith.index_cast %get3A_145 : i32 to index
      %get3A_147 = arith.index_cast %add3A_144 : i32 to index
      %get3A_148 = arith.constant 0 : index
      %get3A_149 = tpu.vector_load %arg9[%get3A_146, %get3A_147, %get3A_148] {strides = array<i32>} : memref<2x640x64xf32, #tpu.memory_space<vmem>>, vector<1x1x16xf32>,
      %get3A_150 = vector.shape_cast %get3A_149 : vector<1x1x16xf32> to vector<16xf32>
      %add3A_151 = arith.addf %add3A_142, %get3A_150 : vector<16xf32>
      %add3A_152 = arith.constant 3 : i32
      %add3A_153 = arith.addi %mul3A_128, %add3A_152 : i32
      %get3A_154 = arith.constant 0 : i32
      %get3A_155 = arith.index_cast %get3A_154 : i32 to index
      %get3A_156 = arith.index_cast %add3A_153 : i32 to index
      %get3A_157 = arith.constant 0 : index
      %get3A_158 = tpu.vector_load %arg9[%get3A_155, %get3A_156, %get3A_157] {strides = array<i32>} : memref<2x640x64xf32, #tpu.memory_space<vmem>>, vector<1x1x16xf32>,
      %get3A_159 = vector.shape_cast %get3A_158 : vector<1x1x16xf32> to vector<16xf32>
      %add3A_160 = arith.addf %add3A_151, %get3A_159 : vector<16xf32>
      %add3A_161 = arith.constant 4 : i32
      %add3A_162 = arith.addi %mul3A_128, %add3A_161 : i32
      %get3A_163 = arith.constant 0 : i32
      %get3A_164 = arith.index_cast %get3A_163 : i32 to index
      %get3A_165 = arith.index_cast %add3A_162 : i32 to index
      %get3A_166 = arith.constant 0 : index
      %get3A_167 = tpu.vector_load %arg9[%get3A_164, %get3A_165, %get3A_166] {strides = array<i32>} : memref<2x640x64xf32, #tpu.memory_space<vmem>>, vector<1x1x16xf32>,
      %get3A_168 = vector.shape_cast %get3A_167 : vector<1x1x16xf32> to vector<16xf32>
      %add3A_169 = arith.addf %add3A_160, %get3A_168 : vector<16xf32>
      %add3A_170 = arith.constant 5 : i32
      %add3A_171 = arith.addi %mul3A_128, %add3A_170 : i32
      %get3A_172 = arith.constant 0 : i32
      %get3A_173 = arith.index_cast %get3A_172 : i32 to index
      %get3A_174 = arith.index_cast %add3A_171 : i32 to index
      %get3A_175 = arith.constant 0 : index
      %get3A_176 = tpu.vector_load %arg9[%get3A_173, %get3A_174, %get3A_175] {strides = array<i32>} : memref<2x640x64xf32, #tpu.memory_space<vmem>>, vector<1x1x16xf32>,
      %get3A_177 = vector.shape_cast %get3A_176 : vector<1x1x16xf32> to vector<16xf32>
      %add3A_178 = arith.addf %add3A_169, %get3A_177 : vector<16xf32>
      %add3A_179 = arith.constant 6 : i32
      %add3A_180 = arith.addi %mul3A_128, %add3A_179 : i32
      %get3A_181 = arith.constant 0 : i32
      %get3A_182 = arith.index_cast %get3A_181 : i32 to index
      %get3A_183 = arith.index_cast %add3A_180 : i32 to index
      %get3A_184 = arith.constant 0 : index
      %get3A_185 = tpu.vector_load %arg9[%get3A_182, %get3A_183, %get3A_184] {strides = array<i32>} : memref<2x640x64xf32, #tpu.memory_space<vmem>>, vector<1x1x16xf32>,
      %get3A_186 = vector.shape_cast %get3A_185 : vector<1x1x16xf32> to vector<16xf32>
      %add3A_187 = arith.addf %add3A_178, %get3A_186 : vector<16xf32>
      %add3A_188 = arith.constant 7 : i32
      %add3A_189 = arith.addi %mul3A_128, %add3A_188 : i32
      %get3A_190 = arith.constant 0 : i32
      %get3A_191 = arith.index_cast %get3A_190 : i32 to index
      %get3A_192 = arith.index_cast %add3A_189 : i32 to index
      %get3A_193 = arith.constant 0 : index
      %get3A_194 = tpu.vector_load %arg9[%get3A_191, %get3A_192, %get3A_193] {strides = array<i32>} : memref<2x640x64xf32, #tpu.memory_space<vmem>>, vector<1x1x16xf32>,
      %get3A_195 = vector.shape_cast %get3A_194 : vector<1x1x16xf32> to vector<16xf32>
      %add3A_196 = arith.addf %add3A_187, %get3A_195 : vector<16xf32>
      %add3A_197 = arith.constant 8 : i32
      %add3A_198 = arith.addi %mul3A_128, %add3A_197 : i32
      %get3A_199 = arith.constant 0 : i32
      %get3A_200 = arith.index_cast %get3A_199 : i32 to index
      %get3A_201 = arith.index_cast %add3A_198 : i32 to index
      %get3A_202 = arith.constant 0 : index
      %get3A_203 = tpu.vector_load %arg9[%get3A_200, %get3A_201, %get3A_202] {strides = array<i32>} : memref<2x640x64xf32, #tpu.memory_space<vmem>>, vector<1x1x16xf32>,
      %get3A_204 = vector.shape_cast %get3A_203 : vector<1x1x16xf32> to vector<16xf32>
      %add3A_205 = arith.addf %add3A_196, %get3A_204 : vector<16xf32>
      %add3A_206 = arith.constant 9 : i32
      %add3A_207 = arith.addi %mul3A_128, %add3A_206 : i32
      %get3A_208 = arith.constant 0 : i32
      %get3A_209 = arith.index_cast %get3A_208 : i32 to index
      %get3A_210 = arith.index_cast %add3A_207 : i32 to index
      %get3A_211 = arith.constant 0 : index
      %get3A_212 = tpu.vector_load %arg9[%get3A_209, %get3A_210, %get3A_211] {strides = array<i32>} : memref<2x640x64xf32, #tpu.memory_space<vmem>>, vector<1x1x16xf32>,
      %get3A_213 = vector.shape_cast %get3A_212 : vector<1x1x16xf32> to vector<16xf32>
      %add3A_214 = arith.addf %add3A_205, %get3A_213 : vector<16xf32>
      %add3A_215 = arith.constant 10 : i32
      %add3A_216 = arith.addi %mul3A_128, %add3A_215 : i32
      %get3A_217 = arith.constant 0 : i32
      %get3A_218 = arith.index_cast %get3A_217 : i32 to index
      %get3A_219 = arith.index_cast %add3A_216 : i32 to index
      %get3A_220 = arith.constant 0 : index
      %get3A_221 = tpu.vector_load %arg9[%get3A_218, %get3A_219, %get3A_220] {strides = array<i32>} : memref<2x640x64xf32, #tpu.memory_space<vmem>>, vector<1x1x16xf32>,
      %get3A_222 = vector.shape_cast %get3A_221 : vector<1x1x16xf32> to vector<16xf32>
      %add3A_223 = arith.addf %add3A_214, %get3A_222 : vector<16xf32>
      %add3A_224 = arith.constant 11 : i32
      %add3A_225 = arith.addi %mul3A_128, %add3A_224 : i32
      %get3A_226 = arith.constant 0 : i32
      %get3A_227 = arith.index_cast %get3A_226 : i32 to index
      %get3A_228 = arith.index_cast %add3A_225 : i32 to index
      %get3A_229 = arith.constant 0 : index
      %get3A_230 = tpu.vector_load %arg9[%get3A_227, %get3A_228, %get3A_229] {strides = array<i32>} : memref<2x640x64xf32, #tpu.memory_space<vmem>>, vector<1x1x16xf32>,
      %get3A_231 = vector.shape_cast %get3A_230 : vector<1x1x16xf32> to vector<16xf32>
      %add3A_232 = arith.addf %add3A_223, %get3A_231 : vector<16xf32>
      %add3A_233 = arith.constant 12 : i32
      %add3A_234 = arith.addi %mul3A_128, %add3A_233 : i32
      %get3A_235 = arith.constant 0 : i32
      %get3A_236 = arith.index_cast %get3A_235 : i32 to index
      %get3A_237 = arith.index_cast %add3A_234 : i32 to index
      %get3A_238 = arith.constant 0 : index
      %get3A_239 = tpu.vector_load %arg9[%get3A_236, %get3A_237, %get3A_238] {strides = array<i32>} : memref<2x640x64xf32, #tpu.memory_space<vmem>>, vector<1x1x16xf32>,
      %get3A_240 = vector.shape_cast %get3A_239 : vector<1x1x16xf32> to vector<16xf32>
      %add3A_241 = arith.addf %add3A_232, %get3A_240 : vector<16xf32>
      %add3A_242 = arith.constant 13 : i32
      %add3A_243 = arith.addi %mul3A_128, %add3A_242 : i32
      %get3A_244 = arith.constant 0 : i32
      %get3A_245 = arith.index_cast %get3A_244 : i32 to index
      %get3A_246 = arith.index_cast %add3A_243 : i32 to index
      %get3A_247 = arith.constant 0 : index
      %get3A_248 = tpu.vector_load %arg9[%get3A_245, %get3A_246, %get3A_247] {strides = array<i32>} : memref<2x640x64xf32, #tpu.memory_space<vmem>>, vector<1x1x16xf32>,
      %get3A_249 = vector.shape_cast %get3A_248 : vector<1x1x16xf32> to vector<16xf32>
      %add3A_250 = arith.addf %add3A_241, %get3A_249 : vector<16xf32>
      %add3A_251 = arith.constant 14 : i32
      %add3A_252 = arith.addi %mul3A_128, %add3A_251 : i32
      %get3A_253 = arith.constant 0 : i32
      %get3A_254 = arith.index_cast %get3A_253 : i32 to index
      %get3A_255 = arith.index_cast %add3A_252 : i32 to index
      %get3A_256 = arith.constant 0 : index
      %get3A_257 = tpu.vector_load %arg9[%get3A_254, %get3A_255, %get3A_256] {strides = array<i32>} : memref<2x640x64xf32, #tpu.memory_space<vmem>>, vector<1x1x16xf32>,
      %get3A_258 = vector.shape_cast %get3A_257 : vector<1x1x16xf32> to vector<16xf32>
      %add3A_259 = arith.addf %add3A_250, %get3A_258 : vector<16xf32>
      %add3A_260 = arith.constant 15 : i32
      %add3A_261 = arith.addi %mul3A_128, %add3A_260 : i32
      %get3A_262 = arith.constant 0 : i32
      %get3A_263 = arith.index_cast %get3A_262 : i32 to index
      %get3A_264 = arith.index_cast %add3A_261 : i32 to index
      %get3A_265 = arith.constant 0 : index
      %get3A_266 = tpu.vector_load %arg9[%get3A_263, %get3A_264, %get3A_265] {strides = array<i32>} : memref<2x640x64xf32, #tpu.memory_space<vmem>>, vector<1x1x16xf32>,
      %get3A_267 = vector.shape_cast %get3A_266 : vector<1x1x16xf32> to vector<16xf32>
      %add3A_268 = arith.addf %add3A_259, %get3A_267 : vector<16xf32>
      %add3A_269 = arith.constant 16 : i32
      %add3A_270 = arith.addi %mul3A_128, %add3A_269 : i32
      %get3A_271 = arith.constant 0 : i32
      %get3A_272 = arith.index_cast %get3A_271 : i32 to index
      %get3A_273 = arith.index_cast %add3A_270 : i32 to index
      %get3A_274 = arith.constant 0 : index
      %get3A_275 = tpu.vector_load %arg9[%get3A_272, %get3A_273, %get3A_274] {strides = array<i32>} : memref<2x640x64xf32, #tpu.memory_space<vmem>>, vector<1x1x16xf32>,
      %get3A_276 = vector.shape_cast %get3A_275 : vector<1x1x16xf32> to vector<16xf32>
      %add3A_277 = arith.addf %add3A_268, %get3A_276 : vector<16xf32>
      %add3A_278 = arith.constant 17 : i32
      %add3A_279 = arith.addi %mul3A_128, %add3A_278 : i32
      %get3A_280 = arith.constant 0 : i32
      %get3A_281 = arith.index_cast %get3A_280 : i32 to index
      %get3A_282 = arith.index_cast %add3A_279 : i32 to index
      %get3A_283 = arith.constant 0 : index
      %get3A_284 = tpu.vector_load %arg9[%get3A_281, %get3A_282, %get3A_283] {strides = array<i32>} : memref<2x640x64xf32, #tpu.memory_space<vmem>>, vector<1x1x16xf32>,
      %get3A_285 = vector.shape_cast %get3A_284 : vector<1x1x16xf32> to vector<16xf32>
      %add3A_286 = arith.addf %add3A_277, %get3A_285 : vector<16xf32>
      %add3A_287 = arith.constant 18 : i32
      %add3A_288 = arith.addi %mul3A_128, %add3A_287 : i32
      %get3A_289 = arith.constant 0 : i32
      %get3A_290 = arith.index_cast %get3A_289 : i32 to index
      %get3A_291 = arith.index_cast %add3A_288 : i32 to index
      %get3A_292 = arith.constant 0 : index
      %get3A_293 = tpu.vector_load %arg9[%get3A_290, %get3A_291, %get3A_292] {strides = array<i32>} : memref<2x640x64xf32, #tpu.memory_space<vmem>>, vector<1x1x16xf32>,
      %get3A_294 = vector.shape_cast %get3A_293 : vector<1x1x16xf32> to vector<16xf32>
      %add3A_295 = arith.addf %add3A_286, %get3A_294 : vector<16xf32>
      %add3A_296 = arith.constant 19 : i32
      %add3A_297 = arith.addi %mul3A_128, %add3A_296 : i32
      %get3A_298 = arith.constant 0 : i32
      %get3A_299 = arith.index_cast %get3A_298 : i32 to index
      %get3A_300 = arith.index_cast %add3A_297 : i32 to index
      %get3A_301 = arith.constant 0 : index
      %get3A_302 = tpu.vector_load %arg9[%get3A_299, %get3A_300, %get3A_301] {strides = array<i32>} : memref<2x640x64xf32, #tpu.memory_space<vmem>>, vector<1x1x16xf32>,
      %get3A_303 = vector.shape_cast %get3A_302 : vector<1x1x16xf32> to vector<16xf32>
      %add3A_304 = arith.addf %add3A_295, %get3A_303 : vector<16xf32>
      %add3A_305 = arith.constant 64 : i32
      %add3A_306 = arith.addi %add3A_305, %add3A_126 : i32
      %swap3A = arith.index_cast %add3A_306 : i32 to index
      %swap3A_307 = arith.constant 0 : index
      %swap3A_308 = tpu.vector_load %arg10[%swap3A, %swap3A_307] {strides = array<i32>} : memref<128x64xf32, #tpu.memory_space<vmem>>, vector<1x16xf32>,
      %swap3A_309 = vector.shape_cast %swap3A_308 : vector<1x16xf32> to vector<16xf32>
      %swap3A_310 = vector.shape_cast %add3A_304 : vector<16xf32> to vector<1x16xf32>
      tpu.vector_store %arg10[%swap3A, %swap3A_307], %swap3A_310 {strides = array<i32>} : memref<128x64xf32, #tpu.memory_space<vmem>>, vector<1x16xf32>,
      %get3A_311 = arith.constant 0 : i32
      %get3A_312 = arith.index_cast %get3A_311 : i32 to index
      %get3A_313 = arith.index_cast %mul3A_128 : i32 to index
      %get3A_314 = arith.constant 16 : index
      %get3A_315 = tpu.vector_load %arg9[%get3A_312, %get3A_313, %get3A_314] {strides = array<i32>} : memref<2x640x64xf32, #tpu.memory_space<vmem>>, vector<1x1x16xf32>,
      %get3A_316 = vector.shape_cast %get3A_315 : vector<1x1x16xf32> to vector<16xf32>
      %add3A_317 = arith.constant 1 : i32
      %add3A_318 = arith.addi %mul3A_128, %add3A_317 : i32
      %get3A_319 = arith.constant 0 : i32
      %get3A_320 = arith.index_cast %get3A_319 : i32 to index
      %get3A_321 = arith.index_cast %add3A_318 : i32 to index
      %get3A_322 = arith.constant 16 : index
      %get3A_323 = tpu.vector_load %arg9[%get3A_320, %get3A_321, %get3A_322] {strides = array<i32>} : memref<2x640x64xf32, #tpu.memory_space<vmem>>, vector<1x1x16xf32>,
      %get3A_324 = vector.shape_cast %get3A_323 : vector<1x1x16xf32> to vector<16xf32>
      %add3A_325 = arith.addf %get3A_316, %get3A_324 : vector<16xf32>
      %add3A_326 = arith.constant 2 : i32
      %add3A_327 = arith.addi %mul3A_128, %add3A_326 : i32
      %get3A_328 = arith.constant 0 : i32
      %get3A_329 = arith.index_cast %get3A_328 : i32 to index
      %get3A_330 = arith.index_cast %add3A_327 : i32 to index
      %get3A_331 = arith.constant 16 : index
      %get3A_332 = tpu.vector_load %arg9[%get3A_329, %get3A_330, %get3A_331] {strides = array<i32>} : memref<2x640x64xf32, #tpu.memory_space<vmem>>, vector<1x1x16xf32>,
      %get3A_333 = vector.shape_cast %get3A_332 : vector<1x1x16xf32> to vector<16xf32>
      %add3A_334 = arith.addf %add3A_325, %get3A_333 : vector<16xf32>
      %add3A_335 = arith.constant 3 : i32
      %add3A_336 = arith.addi %mul3A_128, %add3A_335 : i32
      %get3A_337 = arith.constant 0 : i32
      %get3A_338 = arith.index_cast %get3A_337 : i32 to index
      %get3A_339 = arith.index_cast %add3A_336 : i32 to index
      %get3A_340 = arith.constant 16 : index
      %get3A_341 = tpu.vector_load %arg9[%get3A_338, %get3A_339, %get3A_340] {strides = array<i32>} : memref<2x640x64xf32, #tpu.memory_space<vmem>>, vector<1x1x16xf32>,
      %get3A_342 = vector.shape_cast %get3A_341 : vector<1x1x16xf32> to vector<16xf32>
      %add3A_343 = arith.addf %add3A_334, %get3A_342 : vector<16xf32>
      %add3A_344 = arith.constant 4 : i32
      %add3A_345 = arith.addi %mul3A_128, %add3A_344 : i32
      %get3A_346 = arith.constant 0 : i32
      %get3A_347 = arith.index_cast %get3A_346 : i32 to index
      %get3A_348 = arith.index_cast %add3A_345 : i32 to index
      %get3A_349 = arith.constant 16 : index
      %get3A_350 = tpu.vector_load %arg9[%get3A_347, %get3A_348, %get3A_349] {strides = array<i32>} : memref<2x640x64xf32, #tpu.memory_space<vmem>>, vector<1x1x16xf32>,
      %get3A_351 = vector.shape_cast %get3A_350 : vector<1x1x16xf32> to vector<16xf32>
      %add3A_352 = arith.addf %add3A_343, %get3A_351 : vector<16xf32>
      %add3A_353 = arith.constant 5 : i32
      %add3A_354 = arith.addi %mul3A_128, %add3A_353 : i32
      %get3A_355 = arith.constant 0 : i32
      %get3A_356 = arith.index_cast %get3A_355 : i32 to index
      %get3A_357 = arith.index_cast %add3A_354 : i32 to index
      %get3A_358 = arith.constant 16 : index
      %get3A_359 = tpu.vector_load %arg9[%get3A_356, %get3A_357, %get3A_358] {strides = array<i32>} : memref<2x640x64xf32, #tpu.memory_space<vmem>>, vector<1x1x16xf32>,
      %get3A_360 = vector.shape_cast %get3A_359 : vector<1x1x16xf32> to vector<16xf32>
      %add3A_361 = arith.addf %add3A_352, %get3A_360 : vector<16xf32>
      %add3A_362 = arith.constant 6 : i32
      %add3A_363 = arith.addi %mul3A_128, %add3A_362 : i32
      %get3A_364 = arith.constant 0 : i32
      %get3A_365 = arith.index_cast %get3A_364 : i32 to index
      %get3A_366 = arith.index_cast %add3A_363 : i32 to index
      %get3A_367 = arith.constant 16 : index
      %get3A_368 = tpu.vector_load %arg9[%get3A_365, %get3A_366, %get3A_367] {strides = array<i32>} : memref<2x640x64xf32, #tpu.memory_space<vmem>>, vector<1x1x16xf32>,
      %get3A_369 = vector.shape_cast %get3A_368 : vector<1x1x16xf32> to vector<16xf32>
      %add3A_370 = arith.addf %add3A_361, %get3A_369 : vector<16xf32>
      %add3A_371 = arith.constant 7 : i32
      %add3A_372 = arith.addi %mul3A_128, %add3A_371 : i32
      %get3A_373 = arith.constant 0 : i32
      %get3A_374 = arith.index_cast %get3A_373 : i32 to index
      %get3A_375 = arith.index_cast %add3A_372 : i32 to index
      %get3A_376 = arith.constant 16 : index
      %get3A_377 = tpu.vector_load %arg9[%get3A_374, %get3A_375, %get3A_376] {strides = array<i32>} : memref<2x640x64xf32, #tpu.memory_space<vmem>>, vector<1x1x16xf32>,
      %get3A_378 = vector.shape_cast %get3A_377 : vector<1x1x16xf32> to vector<16xf32>
      %add3A_379 = arith.addf %add3A_370, %get3A_378 : vector<16xf32>
      %add3A_380 = arith.constant 8 : i32
      %add3A_381 = arith.addi %mul3A_128, %add3A_380 : i32
      %get3A_382 = arith.constant 0 : i32
      %get3A_383 = arith.index_cast %get3A_382 : i32 to index
      %get3A_384 = arith.index_cast %add3A_381 : i32 to index
      %get3A_385 = arith.constant 16 : index
      %get3A_386 = tpu.vector_load %arg9[%get3A_383, %get3A_384, %get3A_385] {strides = array<i32>} : memref<2x640x64xf32, #tpu.memory_space<vmem>>, vector<1x1x16xf32>,
      %get3A_387 = vector.shape_cast %get3A_386 : vector<1x1x16xf32> to vector<16xf32>
      %add3A_388 = arith.addf %add3A_379, %get3A_387 : vector<16xf32>
      %add3A_389 = arith.constant 9 : i32
      %add3A_390 = arith.addi %mul3A_128, %add3A_389 : i32
      %get3A_391 = arith.constant 0 : i32
      %get3A_392 = arith.index_cast %get3A_391 : i32 to index
      %get3A_393 = arith.index_cast %add3A_390 : i32 to index
      %get3A_394 = arith.constant 16 : index
      %get3A_395 = tpu.vector_load %arg9[%get3A_392, %get3A_393, %get3A_394] {strides = array<i32>} : memref<2x640x64xf32, #tpu.memory_space<vmem>>, vector<1x1x16xf32>,
      %get3A_396 = vector.shape_cast %get3A_395 : vector<1x1x16xf32> to vector<16xf32>
      %add3A_397 = arith.addf %add3A_388, %get3A_396 : vector<16xf32>
      %add3A_398 = arith.constant 10 : i32
      %add3A_399 = arith.addi %mul3A_128, %add3A_398 : i32
      %get3A_400 = arith.constant 0 : i32
      %get3A_401 = arith.index_cast %get3A_400 : i32 to index
      %get3A_402 = arith.index_cast %add3A_399 : i32 to index
      %get3A_403 = arith.constant 16 : index
      %get3A_404 = tpu.vector_load %arg9[%get3A_401, %get3A_402, %get3A_403] {strides = array<i32>} : memref<2x640x64xf32, #tpu.memory_space<vmem>>, vector<1x1x16xf32>,
      %get3A_405 = vector.shape_cast %get3A_404 : vector<1x1x16xf32> to vector<16xf32>
      %add3A_406 = arith.addf %add3A_397, %get3A_405 : vector<16xf32>
      %add3A_407 = arith.constant 11 : i32
      %add3A_408 = arith.addi %mul3A_128, %add3A_407 : i32
      %get3A_409 = arith.constant 0 : i32
      %get3A_410 = arith.index_cast %get3A_409 : i32 to index
      %get3A_411 = arith.index_cast %add3A_408 : i32 to index
      %get3A_412 = arith.constant 16 : index
      %get3A_413 = tpu.vector_load %arg9[%get3A_410, %get3A_411, %get3A_412] {strides = array<i32>} : memref<2x640x64xf32, #tpu.memory_space<vmem>>, vector<1x1x16xf32>,
      %get3A_414 = vector.shape_cast %get3A_413 : vector<1x1x16xf32> to vector<16xf32>
      %add3A_415 = arith.addf %add3A_406, %get3A_414 : vector<16xf32>
      %add3A_416 = arith.constant 12 : i32
      %add3A_417 = arith.addi %mul3A_128, %add3A_416 : i32
      %get3A_418 = arith.constant 0 : i32
      %get3A_419 = arith.index_cast %get3A_418 : i32 to index
      %get3A_420 = arith.index_cast %add3A_417 : i32 to index
      %get3A_421 = arith.constant 16 : index
      %get3A_422 = tpu.vector_load %arg9[%get3A_419, %get3A_420, %get3A_421] {strides = array<i32>} : memref<2x640x64xf32, #tpu.memory_space<vmem>>, vector<1x1x16xf32>,
      %get3A_423 = vector.shape_cast %get3A_422 : vector<1x1x16xf32> to vector<16xf32>
      %add3A_424 = arith.addf %add3A_415, %get3A_423 : vector<16xf32>
      %add3A_425 = arith.constant 13 : i32
      %add3A_426 = arith.addi %mul3A_128, %add3A_425 : i32
      %get3A_427 = arith.constant 0 : i32
      %get3A_428 = arith.index_cast %get3A_427 : i32 to index
      %get3A_429 = arith.index_cast %add3A_426 : i32 to index
      %get3A_430 = arith.constant 16 : index
      %get3A_431 = tpu.vector_load %arg9[%get3A_428, %get3A_429, %get3A_430] {strides = array<i32>} : memref<2x640x64xf32, #tpu.memory_space<vmem>>, vector<1x1x16xf32>,
      %get3A_432 = vector.shape_cast %get3A_431 : vector<1x1x16xf32> to vector<16xf32>
      %add3A_433 = arith.addf %add3A_424, %get3A_432 : vector<16xf32>
      %add3A_434 = arith.constant 14 : i32
      %add3A_435 = arith.addi %mul3A_128, %add3A_434 : i32
      %get3A_436 = arith.constant 0 : i32
      %get3A_437 = arith.index_cast %get3A_436 : i32 to index
      %get3A_438 = arith.index_cast %add3A_435 : i32 to index
      %get3A_439 = arith.constant 16 : index
      %get3A_440 = tpu.vector_load %arg9[%get3A_437, %get3A_438, %get3A_439] {strides = array<i32>} : memref<2x640x64xf32, #tpu.memory_space<vmem>>, vector<1x1x16xf32>,
      %get3A_441 = vector.shape_cast %get3A_440 : vector<1x1x16xf32> to vector<16xf32>
      %add3A_442 = arith.addf %add3A_433, %get3A_441 : vector<16xf32>
      %add3A_443 = arith.constant 15 : i32
      %add3A_444 = arith.addi %mul3A_128, %add3A_443 : i32
      %get3A_445 = arith.constant 0 : i32
      %get3A_446 = arith.index_cast %get3A_445 : i32 to index
      %get3A_447 = arith.index_cast %add3A_444 : i32 to index
      %get3A_448 = arith.constant 16 : index
      %get3A_449 = tpu.vector_load %arg9[%get3A_446, %get3A_447, %get3A_448] {strides = array<i32>} : memref<2x640x64xf32, #tpu.memory_space<vmem>>, vector<1x1x16xf32>,
      %get3A_450 = vector.shape_cast %get3A_449 : vector<1x1x16xf32> to vector<16xf32>
      %add3A_451 = arith.addf %add3A_442, %get3A_450 : vector<16xf32>
      %add3A_452 = arith.constant 16 : i32
      %add3A_453 = arith.addi %mul3A_128, %add3A_452 : i32
      %get3A_454 = arith.constant 0 : i32
      %get3A_455 = arith.index_cast %get3A_454 : i32 to index
      %get3A_456 = arith.index_cast %add3A_453 : i32 to index
      %get3A_457 = arith.constant 16 : index
      %get3A_458 = tpu.vector_load %arg9[%get3A_455, %get3A_456, %get3A_457] {strides = array<i32>} : memref<2x640x64xf32, #tpu.memory_space<vmem>>, vector<1x1x16xf32>,
      %get3A_459 = vector.shape_cast %get3A_458 : vector<1x1x16xf32> to vector<16xf32>
      %add3A_460 = arith.addf %add3A_451, %get3A_459 : vector<16xf32>
      %add3A_461 = arith.constant 17 : i32
      %add3A_462 = arith.addi %mul3A_128, %add3A_461 : i32
      %get3A_463 = arith.constant 0 : i32
      %get3A_464 = arith.index_cast %get3A_463 : i32 to index
      %get3A_465 = arith.index_cast %add3A_462 : i32 to index
      %get3A_466 = arith.constant 16 : index
      %get3A_467 = tpu.vector_load %arg9[%get3A_464, %get3A_465, %get3A_466] {strides = array<i32>} : memref<2x640x64xf32, #tpu.memory_space<vmem>>, vector<1x1x16xf32>,
      %get3A_468 = vector.shape_cast %get3A_467 : vector<1x1x16xf32> to vector<16xf32>
      %add3A_469 = arith.addf %add3A_460, %get3A_468 : vector<16xf32>
      %add3A_470 = arith.constant 18 : i32
      %add3A_471 = arith.addi %mul3A_128, %add3A_470 : i32
      %get3A_472 = arith.constant 0 : i32
      %get3A_473 = arith.index_cast %get3A_472 : i32 to index
      %get3A_474 = arith.index_cast %add3A_471 : i32 to index
      %get3A_475 = arith.constant 16 : index
      %get3A_476 = tpu.vector_load %arg9[%get3A_473, %get3A_474, %get3A_475] {strides = array<i32>} : memref<2x640x64xf32, #tpu.memory_space<vmem>>, vector<1x1x16xf32>,
      %get3A_477 = vector.shape_cast %get3A_476 : vector<1x1x16xf32> to vector<16xf32>
      %add3A_478 = arith.addf %add3A_469, %get3A_477 : vector<16xf32>
      %add3A_479 = arith.constant 19 : i32
      %add3A_480 = arith.addi %mul3A_128, %add3A_479 : i32
      %get3A_481 = arith.constant 0 : i32
      %get3A_482 = arith.index_cast %get3A_481 : i32 to index
      %get3A_483 = arith.index_cast %add3A_480 : i32 to index
      %get3A_484 = arith.constant 16 : index
      %get3A_485 = tpu.vector_load %arg9[%get3A_482, %get3A_483, %get3A_484] {strides = array<i32>} : memref<2x640x64xf32, #tpu.memory_space<vmem>>, vector<1x1x16xf32>,
      %get3A_486 = vector.shape_cast %get3A_485 : vector<1x1x16xf32> to vector<16xf32>
      %add3A_487 = arith.addf %add3A_478, %get3A_486 : vector<16xf32>
      %add3A_488 = arith.constant 64 : i32
      %add3A_489 = arith.addi %add3A_488, %add3A_126 : i32
      %swap3A_490 = arith.index_cast %add3A_489 : i32 to index
      %swap3A_491 = arith.constant 16 : index
      %swap3A_492 = tpu.vector_load %arg10[%swap3A_490, %swap3A_491] {strides = array<i32>} : memref<128x64xf32, #tpu.memory_space<vmem>>, vector<1x16xf32>,
      %swap3A_493 = vector.shape_cast %swap3A_492 : vector<1x16xf32> to vector<16xf32>
      %swap3A_494 = vector.shape_cast %add3A_487 : vector<16xf32> to vector<1x16xf32>
      tpu.vector_store %arg10[%swap3A_490, %swap3A_491], %swap3A_494 {strides = array<i32>} : memref<128x64xf32, #tpu.memory_space<vmem>>, vector<1x16xf32>,
      %get3A_495 = arith.constant 0 : i32
      %get3A_496 = arith.index_cast %get3A_495 : i32 to index
      %get3A_497 = arith.index_cast %mul3A_128 : i32 to index
      %get3A_498 = arith.constant 32 : index
      %get3A_499 = tpu.vector_load %arg9[%get3A_496, %get3A_497, %get3A_498] {strides = array<i32>} : memref<2x640x64xf32, #tpu.memory_space<vmem>>, vector<1x1x16xf32>,
      %get3A_500 = vector.shape_cast %get3A_499 : vector<1x1x16xf32> to vector<16xf32>
      %add3A_501 = arith.constant 1 : i32
      %add3A_502 = arith.addi %mul3A_128, %add3A_501 : i32
      %get3A_503 = arith.constant 0 : i32
      %get3A_504 = arith.index_cast %get3A_503 : i32 to index
      %get3A_505 = arith.index_cast %add3A_502 : i32 to index
      %get3A_506 = arith.constant 32 : index
      %get3A_507 = tpu.vector_load %arg9[%get3A_504, %get3A_505, %get3A_506] {strides = array<i32>} : memref<2x640x64xf32, #tpu.memory_space<vmem>>, vector<1x1x16xf32>,
      %get3A_508 = vector.shape_cast %get3A_507 : vector<1x1x16xf32> to vector<16xf32>
      %add3A_509 = arith.addf %get3A_500, %get3A_508 : vector<16xf32>
      %add3A_510 = arith.constant 2 : i32
      %add3A_511 = arith.addi %mul3A_128, %add3A_510 : i32
      %get3A_512 = arith.constant 0 : i32
      %get3A_513 = arith.index_cast %get3A_512 : i32 to index
      %get3A_514 = arith.index_cast %add3A_511 : i32 to index
      %get3A_515 = arith.constant 32 : index
      %get3A_516 = tpu.vector_load %arg9[%get3A_513, %get3A_514, %get3A_515] {strides = array<i32>} : memref<2x640x64xf32, #tpu.memory_space<vmem>>, vector<1x1x16xf32>,
      %get3A_517 = vector.shape_cast %get3A_516 : vector<1x1x16xf32> to vector<16xf32>
      %add3A_518 = arith.addf %add3A_509, %get3A_517 : vector<16xf32>
      %add3A_519 = arith.constant 3 : i32
      %add3A_520 = arith.addi %mul3A_128, %add3A_519 : i32
      %get3A_521 = arith.constant 0 : i32
      %get3A_522 = arith.index_cast %get3A_521 : i32 to index
      %get3A_523 = arith.index_cast %add3A_520 : i32 to index
      %get3A_524 = arith.constant 32 : index
      %get3A_525 = tpu.vector_load %arg9[%get3A_522, %get3A_523, %get3A_524] {strides = array<i32>} : memref<2x640x64xf32, #tpu.memory_space<vmem>>, vector<1x1x16xf32>,
      %get3A_526 = vector.shape_cast %get3A_525 : vector<1x1x16xf32> to vector<16xf32>
      %add3A_527 = arith.addf %add3A_518, %get3A_526 : vector<16xf32>
      %add3A_528 = arith.constant 4 : i32
      %add3A_529 = arith.addi %mul3A_128, %add3A_528 : i32
      %get3A_530 = arith.constant 0 : i32
      %get3A_531 = arith.index_cast %get3A_530 : i32 to index
      %get3A_532 = arith.index_cast %add3A_529 : i32 to index
      %get3A_533 = arith.constant 32 : index
      %get3A_534 = tpu.vector_load %arg9[%get3A_531, %get3A_532, %get3A_533] {strides = array<i32>} : memref<2x640x64xf32, #tpu.memory_space<vmem>>, vector<1x1x16xf32>,
      %get3A_535 = vector.shape_cast %get3A_534 : vector<1x1x16xf32> to vector<16xf32>
      %add3A_536 = arith.addf %add3A_527, %get3A_535 : vector<16xf32>
      %add3A_537 = arith.constant 5 : i32
      %add3A_538 = arith.addi %mul3A_128, %add3A_537 : i32
      %get3A_539 = arith.constant 0 : i32
      %get3A_540 = arith.index_cast %get3A_539 : i32 to index
      %get3A_541 = arith.index_cast %add3A_538 : i32 to index
      %get3A_542 = arith.constant 32 : index
      %get3A_543 = tpu.vector_load %arg9[%get3A_540, %get3A_541, %get3A_542] {strides = array<i32>} : memref<2x640x64xf32, #tpu.memory_space<vmem>>, vector<1x1x16xf32>,
      %get3A_544 = vector.shape_cast %get3A_543 : vector<1x1x16xf32> to vector<16xf32>
      %add3A_545 = arith.addf %add3A_536, %get3A_544 : vector<16xf32>
      %add3A_546 = arith.constant 6 : i32
      %add3A_547 = arith.addi %mul3A_128, %add3A_546 : i32
      %get3A_548 = arith.constant 0 : i32
      %get3A_549 = arith.index_cast %get3A_548 : i32 to index
      %get3A_550 = arith.index_cast %add3A_547 : i32 to index
      %get3A_551 = arith.constant 32 : index
      %get3A_552 = tpu.vector_load %arg9[%get3A_549, %get3A_550, %get3A_551] {strides = array<i32>} : memref<2x640x64xf32, #tpu.memory_space<vmem>>, vector<1x1x16xf32>,
      %get3A_553 = vector.shape_cast %get3A_552 : vector<1x1x16xf32> to vector<16xf32>
      %add3A_554 = arith.addf %add3A_545, %get3A_553 : vector<16xf32>
      %add3A_555 = arith.constant 7 : i32
      %add3A_556 = arith.addi %mul3A_128, %add3A_555 : i32
      %get3A_557 = arith.constant 0 : i32
      %get3A_558 = arith.index_cast %get3A_557 : i32 to index
      %get3A_559 = arith.index_cast %add3A_556 : i32 to index
      %get3A_560 = arith.constant 32 : index
      %get3A_561 = tpu.vector_load %arg9[%get3A_558, %get3A_559, %get3A_560] {strides = array<i32>} : memref<2x640x64xf32, #tpu.memory_space<vmem>>, vector<1x1x16xf32>,
      %get3A_562 = vector.shape_cast %get3A_561 : vector<1x1x16xf32> to vector<16xf32>
      %add3A_563 = arith.addf %add3A_554, %get3A_562 : vector<16xf32>
      %add3A_564 = arith.constant 8 : i32
      %add3A_565 = arith.addi %mul3A_128, %add3A_564 : i32
      %get3A_566 = arith.constant 0 : i32
      %get3A_567 = arith.index_cast %get3A_566 : i32 to index
      %get3A_568 = arith.index_cast %add3A_565 : i32 to index
      %get3A_569 = arith.constant 32 : index
      %get3A_570 = tpu.vector_load %arg9[%get3A_567, %get3A_568, %get3A_569] {strides = array<i32>} : memref<2x640x64xf32, #tpu.memory_space<vmem>>, vector<1x1x16xf32>,
      %get3A_571 = vector.shape_cast %get3A_570 : vector<1x1x16xf32> to vector<16xf32>
      %add3A_572 = arith.addf %add3A_563, %get3A_571 : vector<16xf32>
      %add3A_573 = arith.constant 9 : i32
      %add3A_574 = arith.addi %mul3A_128, %add3A_573 : i32
      %get3A_575 = arith.constant 0 : i32
      %get3A_576 = arith.index_cast %get3A_575 : i32 to index
      %get3A_577 = arith.index_cast %add3A_574 : i32 to index
      %get3A_578 = arith.constant 32 : index
      %get3A_579 = tpu.vector_load %arg9[%get3A_576, %get3A_577, %get3A_578] {strides = array<i32>} : memref<2x640x64xf32, #tpu.memory_space<vmem>>, vector<1x1x16xf32>,
      %get3A_580 = vector.shape_cast %get3A_579 : vector<1x1x16xf32> to vector<16xf32>
      %add3A_581 = arith.addf %add3A_572, %get3A_580 : vector<16xf32>
      %add3A_582 = arith.constant 10 : i32
      %add3A_583 = arith.addi %mul3A_128, %add3A_582 : i32
      %get3A_584 = arith.constant 0 : i32
      %get3A_585 = arith.index_cast %get3A_584 : i32 to index
      %get3A_586 = arith.index_cast %add3A_583 : i32 to index
      %get3A_587 = arith.constant 32 : index
      %get3A_588 = tpu.vector_load %arg9[%get3A_585, %get3A_586, %get3A_587] {strides = array<i32>} : memref<2x640x64xf32, #tpu.memory_space<vmem>>, vector<1x1x16xf32>,
      %get3A_589 = vector.shape_cast %get3A_588 : vector<1x1x16xf32> to vector<16xf32>
      %add3A_590 = arith.addf %add3A_581, %get3A_589 : vector<16xf32>
      %add3A_591 = arith.constant 11 : i32
      %add3A_592 = arith.addi %mul3A_128, %add3A_591 : i32
      %get3A_593 = arith.constant 0 : i32
      %get3A_594 = arith.index_cast %get3A_593 : i32 to index
      %get3A_595 = arith.index_cast %add3A_592 : i32 to index
      %get3A_596 = arith.constant 32 : index
      %get3A_597 = tpu.vector_load %arg9[%get3A_594, %get3A_595, %get3A_596] {strides = array<i32>} : memref<2x640x64xf32, #tpu.memory_space<vmem>>, vector<1x1x16xf32>,
      %get3A_598 = vector.shape_cast %get3A_597 : vector<1x1x16xf32> to vector<16xf32>
      %add3A_599 = arith.addf %add3A_590, %get3A_598 : vector<16xf32>
      %add3A_600 = arith.constant 12 : i32
      %add3A_601 = arith.addi %mul3A_128, %add3A_600 : i32
      %get3A_602 = arith.constant 0 : i32
      %get3A_603 = arith.index_cast %get3A_602 : i32 to index
      %get3A_604 = arith.index_cast %add3A_601 : i32 to index
      %get3A_605 = arith.constant 32 : index
      %get3A_606 = tpu.vector_load %arg9[%get3A_603, %get3A_604, %get3A_605] {strides = array<i32>} : memref<2x640x64xf32, #tpu.memory_space<vmem>>, vector<1x1x16xf32>,
      %get3A_607 = vector.shape_cast %get3A_606 : vector<1x1x16xf32> to vector<16xf32>
      %add3A_608 = arith.addf %add3A_599, %get3A_607 : vector<16xf32>
      %add3A_609 = arith.constant 13 : i32
      %add3A_610 = arith.addi %mul3A_128, %add3A_609 : i32
      %get3A_611 = arith.constant 0 : i32
      %get3A_612 = arith.index_cast %get3A_611 : i32 to index
      %get3A_613 = arith.index_cast %add3A_610 : i32 to index
      %get3A_614 = arith.constant 32 : index
      %get3A_615 = tpu.vector_load %arg9[%get3A_612, %get3A_613, %get3A_614] {strides = array<i32>} : memref<2x640x64xf32, #tpu.memory_space<vmem>>, vector<1x1x16xf32>,
      %get3A_616 = vector.shape_cast %get3A_615 : vector<1x1x16xf32> to vector<16xf32>
      %add3A_617 = arith.addf %add3A_608, %get3A_616 : vector<16xf32>
      %add3A_618 = arith.constant 14 : i32
      %add3A_619 = arith.addi %mul3A_128, %add3A_618 : i32
      %get3A_620 = arith.constant 0 : i32
      %get3A_621 = arith.index_cast %get3A_620 : i32 to index
      %get3A_622 = arith.index_cast %add3A_619 : i32 to index
      %get3A_623 = arith.constant 32 : index
      %get3A_624 = tpu.vector_load %arg9[%get3A_621, %get3A_622, %get3A_623] {strides = array<i32>} : memref<2x640x64xf32, #tpu.memory_space<vmem>>, vector<1x1x16xf32>,
      %get3A_625 = vector.shape_cast %get3A_624 : vector<1x1x16xf32> to vector<16xf32>
      %add3A_626 = arith.addf %add3A_617, %get3A_625 : vector<16xf32>
      %add3A_627 = arith.constant 15 : i32
      %add3A_628 = arith.addi %mul3A_128, %add3A_627 : i32
      %get3A_629 = arith.constant 0 : i32
      %get3A_630 = arith.index_cast %get3A_629 : i32 to index
      %get3A_631 = arith.index_cast %add3A_628 : i32 to index
      %get3A_632 = arith.constant 32 : index
      %get3A_633 = tpu.vector_load %arg9[%get3A_630, %get3A_631, %get3A_632] {strides = array<i32>} : memref<2x640x64xf32, #tpu.memory_space<vmem>>, vector<1x1x16xf32>,
      %get3A_634 = vector.shape_cast %get3A_633 : vector<1x1x16xf32> to vector<16xf32>
      %add3A_635 = arith.addf %add3A_626, %get3A_634 : vector<16xf32>
      %add3A_636 = arith.constant 16 : i32
      %add3A_637 = arith.addi %mul3A_128, %add3A_636 : i32
      %get3A_638 = arith.constant 0 : i32
      %get3A_639 = arith.index_cast %get3A_638 : i32 to index
      %get3A_640 = arith.index_cast %add3A_637 : i32 to index
      %get3A_641 = arith.constant 32 : index
      %get3A_642 = tpu.vector_load %arg9[%get3A_639, %get3A_640, %get3A_641] {strides = array<i32>} : memref<2x640x64xf32, #tpu.memory_space<vmem>>, vector<1x1x16xf32>,
      %get3A_643 = vector.shape_cast %get3A_642 : vector<1x1x16xf32> to vector<16xf32>
      %add3A_644 = arith.addf %add3A_635, %get3A_643 : vector<16xf32>
      %add3A_645 = arith.constant 17 : i32
      %add3A_646 = arith.addi %mul3A_128, %add3A_645 : i32
      %get3A_647 = arith.constant 0 : i32
      %get3A_648 = arith.index_cast %get3A_647 : i32 to index
      %get3A_649 = arith.index_cast %add3A_646 : i32 to index
      %get3A_650 = arith.constant 32 : index
      %get3A_651 = tpu.vector_load %arg9[%get3A_648, %get3A_649, %get3A_650] {strides = array<i32>} : memref<2x640x64xf32, #tpu.memory_space<vmem>>, vector<1x1x16xf32>,
      %get3A_652 = vector.shape_cast %get3A_651 : vector<1x1x16xf32> to vector<16xf32>
      %add3A_653 = arith.addf %add3A_644, %get3A_652 : vector<16xf32>
      %add3A_654 = arith.constant 18 : i32
      %add3A_655 = arith.addi %mul3A_128, %add3A_654 : i32
      %get3A_656 = arith.constant 0 : i32
      %get3A_657 = arith.index_cast %get3A_656 : i32 to index
      %get3A_658 = arith.index_cast %add3A_655 : i32 to index
      %get3A_659 = arith.constant 32 : index
      %get3A_660 = tpu.vector_load %arg9[%get3A_657, %get3A_658, %get3A_659] {strides = array<i32>} : memref<2x640x64xf32, #tpu.memory_space<vmem>>, vector<1x1x16xf32>,
      %get3A_661 = vector.shape_cast %get3A_660 : vector<1x1x16xf32> to vector<16xf32>
      %add3A_662 = arith.addf %add3A_653, %get3A_661 : vector<16xf32>
      %add3A_663 = arith.constant 19 : i32
      %add3A_664 = arith.addi %mul3A_128, %add3A_663 : i32
      %get3A_665 = arith.constant 0 : i32
      %get3A_666 = arith.index_cast %get3A_665 : i32 to index
      %get3A_667 = arith.index_cast %add3A_664 : i32 to index
      %get3A_668 = arith.constant 32 : index
      %get3A_669 = tpu.vector_load %arg9[%get3A_666, %get3A_667, %get3A_668] {strides = array<i32>} : memref<2x640x64xf32, #tpu.memory_space<vmem>>, vector<1x1x16xf32>,
      %get3A_670 = vector.shape_cast %get3A_669 : vector<1x1x16xf32> to vector<16xf32>
      %add3A_671 = arith.addf %add3A_662, %get3A_670 : vector<16xf32>
      %add3A_672 = arith.constant 64 : i32
      %add3A_673 = arith.addi %add3A_672, %add3A_126 : i32
      %swap3A_674 = arith.index_cast %add3A_673 : i32 to index
      %swap3A_675 = arith.constant 32 : index
      %swap3A_676 = tpu.vector_load %arg10[%swap3A_674, %swap3A_675] {strides = array<i32>} : memref<128x64xf32, #tpu.memory_space<vmem>>, vector<1x16xf32>,
      %swap3A_677 = vector.shape_cast %swap3A_676 : vector<1x16xf32> to vector<16xf32>
      %swap3A_678 = vector.shape_cast %add3A_671 : vector<16xf32> to vector<1x16xf32>
      tpu.vector_store %arg10[%swap3A_674, %swap3A_675], %swap3A_678 {strides = array<i32>} : memref<128x64xf32, #tpu.memory_space<vmem>>, vector<1x16xf32>,
      %get3A_679 = arith.constant 0 : i32
      %get3A_680 = arith.index_cast %get3A_679 : i32 to index
      %get3A_681 = arith.index_cast %mul3A_128 : i32 to index
      %get3A_682 = arith.constant 48 : index
      %get3A_683 = tpu.vector_load %arg9[%get3A_680, %get3A_681, %get3A_682] {strides = array<i32>} : memref<2x640x64xf32, #tpu.memory_space<vmem>>, vector<1x1x16xf32>,
      %get3A_684 = vector.shape_cast %get3A_683 : vector<1x1x16xf32> to vector<16xf32>
      %add3A_685 = arith.constant 1 : i32
      %add3A_686 = arith.addi %mul3A_128, %add3A_685 : i32
      %get3A_687 = arith.constant 0 : i32
      %get3A_688 = arith.index_cast %get3A_687 : i32 to index
      %get3A_689 = arith.index_cast %add3A_686 : i32 to index
      %get3A_690 = arith.constant 48 : index
      %get3A_691 = tpu.vector_load %arg9[%get3A_688, %get3A_689, %get3A_690] {strides = array<i32>} : memref<2x640x64xf32, #tpu.memory_space<vmem>>, vector<1x1x16xf32>,
      %get3A_692 = vector.shape_cast %get3A_691 : vector<1x1x16xf32> to vector<16xf32>
      %add3A_693 = arith.addf %get3A_684, %get3A_692 : vector<16xf32>
      %add3A_694 = arith.constant 2 : i32
      %add3A_695 = arith.addi %mul3A_128, %add3A_694 : i32
      %get3A_696 = arith.constant 0 : i32
      %get3A_697 = arith.index_cast %get3A_696 : i32 to index
      %get3A_698 = arith.index_cast %add3A_695 : i32 to index
      %get3A_699 = arith.constant 48 : index
      %get3A_700 = tpu.vector_load %arg9[%get3A_697, %get3A_698, %get3A_699] {strides = array<i32>} : memref<2x640x64xf32, #tpu.memory_space<vmem>>, vector<1x1x16xf32>,
      %get3A_701 = vector.shape_cast %get3A_700 : vector<1x1x16xf32> to vector<16xf32>
      %add3A_702 = arith.addf %add3A_693, %get3A_701 : vector<16xf32>
      %add3A_703 = arith.constant 3 : i32
      %add3A_704 = arith.addi %mul3A_128, %add3A_703 : i32
      %get3A_705 = arith.constant 0 : i32
      %get3A_706 = arith.index_cast %get3A_705 : i32 to index
      %get3A_707 = arith.index_cast %add3A_704 : i32 to index
      %get3A_708 = arith.constant 48 : index
      %get3A_709 = tpu.vector_load %arg9[%get3A_706, %get3A_707, %get3A_708] {strides = array<i32>} : memref<2x640x64xf32, #tpu.memory_space<vmem>>, vector<1x1x16xf32>,
      %get3A_710 = vector.shape_cast %get3A_709 : vector<1x1x16xf32> to vector<16xf32>
      %add3A_711 = arith.addf %add3A_702, %get3A_710 : vector<16xf32>
      %add3A_712 = arith.constant 4 : i32
      %add3A_713 = arith.addi %mul3A_128, %add3A_712 : i32
      %get3A_714 = arith.constant 0 : i32
      %get3A_715 = arith.index_cast %get3A_714 : i32 to index
      %get3A_716 = arith.index_cast %add3A_713 : i32 to index
      %get3A_717 = arith.constant 48 : index
      %get3A_718 = tpu.vector_load %arg9[%get3A_715, %get3A_716, %get3A_717] {strides = array<i32>} : memref<2x640x64xf32, #tpu.memory_space<vmem>>, vector<1x1x16xf32>,
      %get3A_719 = vector.shape_cast %get3A_718 : vector<1x1x16xf32> to vector<16xf32>
      %add3A_720 = arith.addf %add3A_711, %get3A_719 : vector<16xf32>
      %add3A_721 = arith.constant 5 : i32
      %add3A_722 = arith.addi %mul3A_128, %add3A_721 : i32
      %get3A_723 = arith.constant 0 : i32
      %get3A_724 = arith.index_cast %get3A_723 : i32 to index
      %get3A_725 = arith.index_cast %add3A_722 : i32 to index
      %get3A_726 = arith.constant 48 : index
      %get3A_727 = tpu.vector_load %arg9[%get3A_724, %get3A_725, %get3A_726] {strides = array<i32>} : memref<2x640x64xf32, #tpu.memory_space<vmem>>, vector<1x1x16xf32>,
      %get3A_728 = vector.shape_cast %get3A_727 : vector<1x1x16xf32> to vector<16xf32>
      %add3A_729 = arith.addf %add3A_720, %get3A_728 : vector<16xf32>
      %add3A_730 = arith.constant 6 : i32
      %add3A_731 = arith.addi %mul3A_128, %add3A_730 : i32
      %get3A_732 = arith.constant 0 : i32
      %get3A_733 = arith.index_cast %get3A_732 : i32 to index
      %get3A_734 = arith.index_cast %add3A_731 : i32 to index
      %get3A_735 = arith.constant 48 : index
      %get3A_736 = tpu.vector_load %arg9[%get3A_733, %get3A_734, %get3A_735] {strides = array<i32>} : memref<2x640x64xf32, #tpu.memory_space<vmem>>, vector<1x1x16xf32>,
      %get3A_737 = vector.shape_cast %get3A_736 : vector<1x1x16xf32> to vector<16xf32>
      %add3A_738 = arith.addf %add3A_729, %get3A_737 : vector<16xf32>
      %add3A_739 = arith.constant 7 : i32
      %add3A_740 = arith.addi %mul3A_128, %add3A_739 : i32
      %get3A_741 = arith.constant 0 : i32
      %get3A_742 = arith.index_cast %get3A_741 : i32 to index
      %get3A_743 = arith.index_cast %add3A_740 : i32 to index
      %get3A_744 = arith.constant 48 : index
      %get3A_745 = tpu.vector_load %arg9[%get3A_742, %get3A_743, %get3A_744] {strides = array<i32>} : memref<2x640x64xf32, #tpu.memory_space<vmem>>, vector<1x1x16xf32>,
      %get3A_746 = vector.shape_cast %get3A_745 : vector<1x1x16xf32> to vector<16xf32>
      %add3A_747 = arith.addf %add3A_738, %get3A_746 : vector<16xf32>
      %add3A_748 = arith.constant 8 : i32
      %add3A_749 = arith.addi %mul3A_128, %add3A_748 : i32
      %get3A_750 = arith.constant 0 : i32
      %get3A_751 = arith.index_cast %get3A_750 : i32 to index
      %get3A_752 = arith.index_cast %add3A_749 : i32 to index
      %get3A_753 = arith.constant 48 : index
      %get3A_754 = tpu.vector_load %arg9[%get3A_751, %get3A_752, %get3A_753] {strides = array<i32>} : memref<2x640x64xf32, #tpu.memory_space<vmem>>, vector<1x1x16xf32>,
      %get3A_755 = vector.shape_cast %get3A_754 : vector<1x1x16xf32> to vector<16xf32>
      %add3A_756 = arith.addf %add3A_747, %get3A_755 : vector<16xf32>
      %add3A_757 = arith.constant 9 : i32
      %add3A_758 = arith.addi %mul3A_128, %add3A_757 : i32
      %get3A_759 = arith.constant 0 : i32
      %get3A_760 = arith.index_cast %get3A_759 : i32 to index
      %get3A_761 = arith.index_cast %add3A_758 : i32 to index
      %get3A_762 = arith.constant 48 : index
      %get3A_763 = tpu.vector_load %arg9[%get3A_760, %get3A_761, %get3A_762] {strides = array<i32>} : memref<2x640x64xf32, #tpu.memory_space<vmem>>, vector<1x1x16xf32>,
      %get3A_764 = vector.shape_cast %get3A_763 : vector<1x1x16xf32> to vector<16xf32>
      %add3A_765 = arith.addf %add3A_756, %get3A_764 : vector<16xf32>
      %add3A_766 = arith.constant 10 : i32
      %add3A_767 = arith.addi %mul3A_128, %add3A_766 : i32
      %get3A_768 = arith.constant 0 : i32
      %get3A_769 = arith.index_cast %get3A_768 : i32 to index
      %get3A_770 = arith.index_cast %add3A_767 : i32 to index
      %get3A_771 = arith.constant 48 : index
      %get3A_772 = tpu.vector_load %arg9[%get3A_769, %get3A_770, %get3A_771] {strides = array<i32>} : memref<2x640x64xf32, #tpu.memory_space<vmem>>, vector<1x1x16xf32>,
      %get3A_773 = vector.shape_cast %get3A_772 : vector<1x1x16xf32> to vector<16xf32>
      %add3A_774 = arith.addf %add3A_765, %get3A_773 : vector<16xf32>
      %add3A_775 = arith.constant 11 : i32
      %add3A_776 = arith.addi %mul3A_128, %add3A_775 : i32
      %get3A_777 = arith.constant 0 : i32
      %get3A_778 = arith.index_cast %get3A_777 : i32 to index
      %get3A_779 = arith.index_cast %add3A_776 : i32 to index
      %get3A_780 = arith.constant 48 : index
      %get3A_781 = tpu.vector_load %arg9[%get3A_778, %get3A_779, %get3A_780] {strides = array<i32>} : memref<2x640x64xf32, #tpu.memory_space<vmem>>, vector<1x1x16xf32>,
      %get3A_782 = vector.shape_cast %get3A_781 : vector<1x1x16xf32> to vector<16xf32>
      %add3A_783 = arith.addf %add3A_774, %get3A_782 : vector<16xf32>
      %add3A_784 = arith.constant 12 : i32
      %add3A_785 = arith.addi %mul3A_128, %add3A_784 : i32
      %get3A_786 = arith.constant 0 : i32
      %get3A_787 = arith.index_cast %get3A_786 : i32 to index
      %get3A_788 = arith.index_cast %add3A_785 : i32 to index
      %get3A_789 = arith.constant 48 : index
      %get3A_790 = tpu.vector_load %arg9[%get3A_787, %get3A_788, %get3A_789] {strides = array<i32>} : memref<2x640x64xf32, #tpu.memory_space<vmem>>, vector<1x1x16xf32>,
      %get3A_791 = vector.shape_cast %get3A_790 : vector<1x1x16xf32> to vector<16xf32>
      %add3A_792 = arith.addf %add3A_783, %get3A_791 : vector<16xf32>
      %add3A_793 = arith.constant 13 : i32
      %add3A_794 = arith.addi %mul3A_128, %add3A_793 : i32
      %get3A_795 = arith.constant 0 : i32
      %get3A_796 = arith.index_cast %get3A_795 : i32 to index
      %get3A_797 = arith.index_cast %add3A_794 : i32 to index
      %get3A_798 = arith.constant 48 : index
      %get3A_799 = tpu.vector_load %arg9[%get3A_796, %get3A_797, %get3A_798] {strides = array<i32>} : memref<2x640x64xf32, #tpu.memory_space<vmem>>, vector<1x1x16xf32>,
      %get3A_800 = vector.shape_cast %get3A_799 : vector<1x1x16xf32> to vector<16xf32>
      %add3A_801 = arith.addf %add3A_792, %get3A_800 : vector<16xf32>
      %add3A_802 = arith.constant 14 : i32
      %add3A_803 = arith.addi %mul3A_128, %add3A_802 : i32
      %get3A_804 = arith.constant 0 : i32
      %get3A_805 = arith.index_cast %get3A_804 : i32 to index
      %get3A_806 = arith.index_cast %add3A_803 : i32 to index
      %get3A_807 = arith.constant 48 : index
      %get3A_808 = tpu.vector_load %arg9[%get3A_805, %get3A_806, %get3A_807] {strides = array<i32>} : memref<2x640x64xf32, #tpu.memory_space<vmem>>, vector<1x1x16xf32>,
      %get3A_809 = vector.shape_cast %get3A_808 : vector<1x1x16xf32> to vector<16xf32>
      %add3A_810 = arith.addf %add3A_801, %get3A_809 : vector<16xf32>
      %add3A_811 = arith.constant 15 : i32
      %add3A_812 = arith.addi %mul3A_128, %add3A_811 : i32
      %get3A_813 = arith.constant 0 : i32
      %get3A_814 = arith.index_cast %get3A_813 : i32 to index
      %get3A_815 = arith.index_cast %add3A_812 : i32 to index
      %get3A_816 = arith.constant 48 : index
      %get3A_817 = tpu.vector_load %arg9[%get3A_814, %get3A_815, %get3A_816] {strides = array<i32>} : memref<2x640x64xf32, #tpu.memory_space<vmem>>, vector<1x1x16xf32>,
      %get3A_818 = vector.shape_cast %get3A_817 : vector<1x1x16xf32> to vector<16xf32>
      %add3A_819 = arith.addf %add3A_810, %get3A_818 : vector<16xf32>
      %add3A_820 = arith.constant 16 : i32
      %add3A_821 = arith.addi %mul3A_128, %add3A_820 : i32
      %get3A_822 = arith.constant 0 : i32
      %get3A_823 = arith.index_cast %get3A_822 : i32 to index
      %get3A_824 = arith.index_cast %add3A_821 : i32 to index
      %get3A_825 = arith.constant 48 : index
      %get3A_826 = tpu.vector_load %arg9[%get3A_823, %get3A_824, %get3A_825] {strides = array<i32>} : memref<2x640x64xf32, #tpu.memory_space<vmem>>, vector<1x1x16xf32>,
      %get3A_827 = vector.shape_cast %get3A_826 : vector<1x1x16xf32> to vector<16xf32>
      %add3A_828 = arith.addf %add3A_819, %get3A_827 : vector<16xf32>
      %add3A_829 = arith.constant 17 : i32
      %add3A_830 = arith.addi %mul3A_128, %add3A_829 : i32
      %get3A_831 = arith.constant 0 : i32
      %get3A_832 = arith.index_cast %get3A_831 : i32 to index
      %get3A_833 = arith.index_cast %add3A_830 : i32 to index
      %get3A_834 = arith.constant 48 : index
      %get3A_835 = tpu.vector_load %arg9[%get3A_832, %get3A_833, %get3A_834] {strides = array<i32>} : memref<2x640x64xf32, #tpu.memory_space<vmem>>, vector<1x1x16xf32>,
      %get3A_836 = vector.shape_cast %get3A_835 : vector<1x1x16xf32> to vector<16xf32>
      %add3A_837 = arith.addf %add3A_828, %get3A_836 : vector<16xf32>
      %add3A_838 = arith.constant 18 : i32
      %add3A_839 = arith.addi %mul3A_128, %add3A_838 : i32
      %get3A_840 = arith.constant 0 : i32
      %get3A_841 = arith.index_cast %get3A_840 : i32 to index
      %get3A_842 = arith.index_cast %add3A_839 : i32 to index
      %get3A_843 = arith.constant 48 : index
      %get3A_844 = tpu.vector_load %arg9[%get3A_841, %get3A_842, %get3A_843] {strides = array<i32>} : memref<2x640x64xf32, #tpu.memory_space<vmem>>, vector<1x1x16xf32>,
      %get3A_845 = vector.shape_cast %get3A_844 : vector<1x1x16xf32> to vector<16xf32>
      %add3A_846 = arith.addf %add3A_837, %get3A_845 : vector<16xf32>
      %add3A_847 = arith.constant 19 : i32
      %add3A_848 = arith.addi %mul3A_128, %add3A_847 : i32
      %get3A_849 = arith.constant 0 : i32
      %get3A_850 = arith.index_cast %get3A_849 : i32 to index
      %get3A_851 = arith.index_cast %add3A_848 : i32 to index
      %get3A_852 = arith.constant 48 : index
      %get3A_853 = tpu.vector_load %arg9[%get3A_850, %get3A_851, %get3A_852] {strides = array<i32>} : memref<2x640x64xf32, #tpu.memory_space<vmem>>, vector<1x1x16xf32>,
      %get3A_854 = vector.shape_cast %get3A_853 : vector<1x1x16xf32> to vector<16xf32>
      %add3A_855 = arith.addf %add3A_846, %get3A_854 : vector<16xf32>
      %add3A_856 = arith.constant 64 : i32
      %add3A_857 = arith.addi %add3A_856, %add3A_126 : i32
      %swap3A_858 = arith.index_cast %add3A_857 : i32 to index
      %swap3A_859 = arith.constant 48 : index
      %swap3A_860 = tpu.vector_load %arg10[%swap3A_858, %swap3A_859] {strides = array<i32>} : memref<128x64xf32, #tpu.memory_space<vmem>>, vector<1x16xf32>,
      %swap3A_861 = vector.shape_cast %swap3A_860 : vector<1x16xf32> to vector<16xf32>
      %swap3A_862 = vector.shape_cast %add3A_855 : vector<16xf32> to vector<1x16xf32>
      tpu.vector_store %arg10[%swap3A_858, %swap3A_859], %swap3A_862 {strides = array<i32>} : memref<128x64xf32, #tpu.memory_space<vmem>>, vector<1x16xf32>,
    }
    %scan3A_101 = arith.constant 32 : i32
    %dma_wait3A_102 = arith.constant 3 : i32
    %dma_wait3A_103 = arith.constant 1 : i32
    %dma_wait3A_104 = arith.constant 0 : i32
    %dma_wait3A_105 = arith.constant 0 : i32
    %dma_wait3A_106 = tpu.memref_slice %arg9[%dma_wait3A_103, %dma_wait3A_104, %dma_wait3A_105] : memref<2x640x64xf32, #tpu.memory_space<vmem>> -> memref<1x640x64xf32, #tpu.memory_space<vmem>>
    %dma_wait3A_107 = tpu.memref_squeeze %dma_wait3A_106 : memref<1x640x64xf32, #tpu.memory_space<vmem>> -> memref<640x64xf32, #tpu.memory_space<vmem>>
    %dma_wait3A_108 = arith.constant 0 : i32
    %dma_wait3A_109 = tpu.memref_slice %arg7[%dma_wait3A_102, %dma_wait3A_108] : memref<4x640xi32, #tpu.memory_space<vmem>> -> memref<1x640xi32, #tpu.memory_space<vmem>>
    %dma_wait3A_110 = tpu.memref_squeeze %dma_wait3A_109 : memref<1x640xi32, #tpu.memory_space<vmem>> -> memref<640xi32, #tpu.memory_space<vmem>>
    %dma_wait3A_111 = arith.constant 0 : i32
    %dma_wait3A_112 = arith.constant 0 : i32
    %dma_wait3A_113 = tpu.memref_slice %arg2[%dma_wait3A_111, %dma_wait3A_112] : memref<1000000x64xf32, #tpu.memory_space<hbm>> -> memref<1000000x64xf32, #tpu.memory_space<hbm>>
    tpu.wait_indirect_dma semaphore(%arg13 : memref<!tpu.dma_semaphore, #tpu.memory_space<semaphore_mem>>) src(%dma_wait3A_113 : memref<1000000x64xf32, #tpu.memory_space<hbm>>) dst(%dma_wait3A_107 : memref<640x64xf32, #tpu.memory_space<vmem>>)
    %scan3A_114 = arith.constant 0 : i32
    %scan3A_115 = arith.constant 32 : i32
    %scan3A_116 = arith.addi %scan3A_114, %scan3A_115 : i32
    %scan3A_117 = arith.constant 1 : i32
    scf.for %scan3A_122 = %scan3A_114 to %scan3A_116 step %scan3A_117  : i32 {
      %mul3A_123 = arith.constant 1 : i32
      %mul3A_124 = arith.muli %scan3A_122, %mul3A_123 : i32
      %add3A_125 = arith.constant 0 : i32
      %add3A_126 = arith.addi %add3A_125, %mul3A_124 : i32
      %mul3A_127 = arith.constant 20 : i32
      %mul3A_128 = arith.muli %add3A_126, %mul3A_127 : i32
      %get3A = arith.constant 1 : i32
      %get3A_129 = arith.index_cast %get3A : i32 to index
      %get3A_130 = arith.index_cast %mul3A_128 : i32 to index
      %get3A_131 = arith.constant 0 : index
      %get3A_132 = tpu.vector_load %arg9[%get3A_129, %get3A_130, %get3A_131] {strides = array<i32>} : memref<2x640x64xf32, #tpu.memory_space<vmem>>, vector<1x1x16xf32>,
      %get3A_133 = vector.shape_cast %get3A_132 : vector<1x1x16xf32> to vector<16xf32>
      %add3A_134 = arith.constant 1 : i32
      %add3A_135 = arith.addi %mul3A_128, %add3A_134 : i32
      %get3A_136 = arith.constant 1 : i32
      %get3A_137 = arith.index_cast %get3A_136 : i32 to index
      %get3A_138 = arith.index_cast %add3A_135 : i32 to index
      %get3A_139 = arith.constant 0 : index
      %get3A_140 = tpu.vector_load %arg9[%get3A_137, %get3A_138, %get3A_139] {strides = array<i32>} : memref<2x640x64xf32, #tpu.memory_space<vmem>>, vector<1x1x16xf32>,
      %get3A_141 = vector.shape_cast %get3A_140 : vector<1x1x16xf32> to vector<16xf32>
      %add3A_142 = arith.addf %get3A_133, %get3A_141 : vector<16xf32>
      %add3A_143 = arith.constant 2 : i32
      %add3A_144 = arith.addi %mul3A_128, %add3A_143 : i32
      %get3A_145 = arith.constant 1 : i32
      %get3A_146 = arith.index_cast %get3A_145 : i32 to index
      %get3A_147 = arith.index_cast %add3A_144 : i32 to index
      %get3A_148 = arith.constant 0 : index
      %get3A_149 = tpu.vector_load %arg9[%get3A_146, %get3A_147, %get3A_148] {strides = array<i32>} : memref<2x640x64xf32, #tpu.memory_space<vmem>>, vector<1x1x16xf32>,
      %get3A_150 = vector.shape_cast %get3A_149 : vector<1x1x16xf32> to vector<16xf32>
      %add3A_151 = arith.addf %add3A_142, %get3A_150 : vector<16xf32>
      %add3A_152 = arith.constant 3 : i32
      %add3A_153 = arith.addi %mul3A_128, %add3A_152 : i32
      %get3A_154 = arith.constant 1 : i32
      %get3A_155 = arith.index_cast %get3A_154 : i32 to index
      %get3A_156 = arith.index_cast %add3A_153 : i32 to index
      %get3A_157 = arith.constant 0 : index
      %get3A_158 = tpu.vector_load %arg9[%get3A_155, %get3A_156, %get3A_157] {strides = array<i32>} : memref<2x640x64xf32, #tpu.memory_space<vmem>>, vector<1x1x16xf32>,
      %get3A_159 = vector.shape_cast %get3A_158 : vector<1x1x16xf32> to vector<16xf32>
      %add3A_160 = arith.addf %add3A_151, %get3A_159 : vector<16xf32>
      %add3A_161 = arith.constant 4 : i32
      %add3A_162 = arith.addi %mul3A_128, %add3A_161 : i32
      %get3A_163 = arith.constant 1 : i32
      %get3A_164 = arith.index_cast %get3A_163 : i32 to index
      %get3A_165 = arith.index_cast %add3A_162 : i32 to index
      %get3A_166 = arith.constant 0 : index
      %get3A_167 = tpu.vector_load %arg9[%get3A_164, %get3A_165, %get3A_166] {strides = array<i32>} : memref<2x640x64xf32, #tpu.memory_space<vmem>>, vector<1x1x16xf32>,
      %get3A_168 = vector.shape_cast %get3A_167 : vector<1x1x16xf32> to vector<16xf32>
      %add3A_169 = arith.addf %add3A_160, %get3A_168 : vector<16xf32>
      %add3A_170 = arith.constant 5 : i32
      %add3A_171 = arith.addi %mul3A_128, %add3A_170 : i32
      %get3A_172 = arith.constant 1 : i32
      %get3A_173 = arith.index_cast %get3A_172 : i32 to index
      %get3A_174 = arith.index_cast %add3A_171 : i32 to index
      %get3A_175 = arith.constant 0 : index
      %get3A_176 = tpu.vector_load %arg9[%get3A_173, %get3A_174, %get3A_175] {strides = array<i32>} : memref<2x640x64xf32, #tpu.memory_space<vmem>>, vector<1x1x16xf32>,
      %get3A_177 = vector.shape_cast %get3A_176 : vector<1x1x16xf32> to vector<16xf32>
      %add3A_178 = arith.addf %add3A_169, %get3A_177 : vector<16xf32>
      %add3A_179 = arith.constant 6 : i32
      %add3A_180 = arith.addi %mul3A_128, %add3A_179 : i32
      %get3A_181 = arith.constant 1 : i32
      %get3A_182 = arith.index_cast %get3A_181 : i32 to index
      %get3A_183 = arith.index_cast %add3A_180 : i32 to index
      %get3A_184 = arith.constant 0 : index
      %get3A_185 = tpu.vector_load %arg9[%get3A_182, %get3A_183, %get3A_184] {strides = array<i32>} : memref<2x640x64xf32, #tpu.memory_space<vmem>>, vector<1x1x16xf32>,
      %get3A_186 = vector.shape_cast %get3A_185 : vector<1x1x16xf32> to vector<16xf32>
      %add3A_187 = arith.addf %add3A_178, %get3A_186 : vector<16xf32>
      %add3A_188 = arith.constant 7 : i32
      %add3A_189 = arith.addi %mul3A_128, %add3A_188 : i32
      %get3A_190 = arith.constant 1 : i32
      %get3A_191 = arith.index_cast %get3A_190 : i32 to index
      %get3A_192 = arith.index_cast %add3A_189 : i32 to index
      %get3A_193 = arith.constant 0 : index
      %get3A_194 = tpu.vector_load %arg9[%get3A_191, %get3A_192, %get3A_193] {strides = array<i32>} : memref<2x640x64xf32, #tpu.memory_space<vmem>>, vector<1x1x16xf32>,
      %get3A_195 = vector.shape_cast %get3A_194 : vector<1x1x16xf32> to vector<16xf32>
      %add3A_196 = arith.addf %add3A_187, %get3A_195 : vector<16xf32>
      %add3A_197 = arith.constant 8 : i32
      %add3A_198 = arith.addi %mul3A_128, %add3A_197 : i32
      %get3A_199 = arith.constant 1 : i32
      %get3A_200 = arith.index_cast %get3A_199 : i32 to index
      %get3A_201 = arith.index_cast %add3A_198 : i32 to index
      %get3A_202 = arith.constant 0 : index
      %get3A_203 = tpu.vector_load %arg9[%get3A_200, %get3A_201, %get3A_202] {strides = array<i32>} : memref<2x640x64xf32, #tpu.memory_space<vmem>>, vector<1x1x16xf32>,
      %get3A_204 = vector.shape_cast %get3A_203 : vector<1x1x16xf32> to vector<16xf32>
      %add3A_205 = arith.addf %add3A_196, %get3A_204 : vector<16xf32>
      %add3A_206 = arith.constant 9 : i32
      %add3A_207 = arith.addi %mul3A_128, %add3A_206 : i32
      %get3A_208 = arith.constant 1 : i32
      %get3A_209 = arith.index_cast %get3A_208 : i32 to index
      %get3A_210 = arith.index_cast %add3A_207 : i32 to index
      %get3A_211 = arith.constant 0 : index
      %get3A_212 = tpu.vector_load %arg9[%get3A_209, %get3A_210, %get3A_211] {strides = array<i32>} : memref<2x640x64xf32, #tpu.memory_space<vmem>>, vector<1x1x16xf32>,
      %get3A_213 = vector.shape_cast %get3A_212 : vector<1x1x16xf32> to vector<16xf32>
      %add3A_214 = arith.addf %add3A_205, %get3A_213 : vector<16xf32>
      %add3A_215 = arith.constant 10 : i32
      %add3A_216 = arith.addi %mul3A_128, %add3A_215 : i32
      %get3A_217 = arith.constant 1 : i32
      %get3A_218 = arith.index_cast %get3A_217 : i32 to index
      %get3A_219 = arith.index_cast %add3A_216 : i32 to index
      %get3A_220 = arith.constant 0 : index
      %get3A_221 = tpu.vector_load %arg9[%get3A_218, %get3A_219, %get3A_220] {strides = array<i32>} : memref<2x640x64xf32, #tpu.memory_space<vmem>>, vector<1x1x16xf32>,
      %get3A_222 = vector.shape_cast %get3A_221 : vector<1x1x16xf32> to vector<16xf32>
      %add3A_223 = arith.addf %add3A_214, %get3A_222 : vector<16xf32>
      %add3A_224 = arith.constant 11 : i32
      %add3A_225 = arith.addi %mul3A_128, %add3A_224 : i32
      %get3A_226 = arith.constant 1 : i32
      %get3A_227 = arith.index_cast %get3A_226 : i32 to index
      %get3A_228 = arith.index_cast %add3A_225 : i32 to index
      %get3A_229 = arith.constant 0 : index
      %get3A_230 = tpu.vector_load %arg9[%get3A_227, %get3A_228, %get3A_229] {strides = array<i32>} : memref<2x640x64xf32, #tpu.memory_space<vmem>>, vector<1x1x16xf32>,
      %get3A_231 = vector.shape_cast %get3A_230 : vector<1x1x16xf32> to vector<16xf32>
      %add3A_232 = arith.addf %add3A_223, %get3A_231 : vector<16xf32>
      %add3A_233 = arith.constant 12 : i32
      %add3A_234 = arith.addi %mul3A_128, %add3A_233 : i32
      %get3A_235 = arith.constant 1 : i32
      %get3A_236 = arith.index_cast %get3A_235 : i32 to index
      %get3A_237 = arith.index_cast %add3A_234 : i32 to index
      %get3A_238 = arith.constant 0 : index
      %get3A_239 = tpu.vector_load %arg9[%get3A_236, %get3A_237, %get3A_238] {strides = array<i32>} : memref<2x640x64xf32, #tpu.memory_space<vmem>>, vector<1x1x16xf32>,
      %get3A_240 = vector.shape_cast %get3A_239 : vector<1x1x16xf32> to vector<16xf32>
      %add3A_241 = arith.addf %add3A_232, %get3A_240 : vector<16xf32>
      %add3A_242 = arith.constant 13 : i32
      %add3A_243 = arith.addi %mul3A_128, %add3A_242 : i32
      %get3A_244 = arith.constant 1 : i32
      %get3A_245 = arith.index_cast %get3A_244 : i32 to index
      %get3A_246 = arith.index_cast %add3A_243 : i32 to index
      %get3A_247 = arith.constant 0 : index
      %get3A_248 = tpu.vector_load %arg9[%get3A_245, %get3A_246, %get3A_247] {strides = array<i32>} : memref<2x640x64xf32, #tpu.memory_space<vmem>>, vector<1x1x16xf32>,
      %get3A_249 = vector.shape_cast %get3A_248 : vector<1x1x16xf32> to vector<16xf32>
      %add3A_250 = arith.addf %add3A_241, %get3A_249 : vector<16xf32>
      %add3A_251 = arith.constant 14 : i32
      %add3A_252 = arith.addi %mul3A_128, %add3A_251 : i32
      %get3A_253 = arith.constant 1 : i32
      %get3A_254 = arith.index_cast %get3A_253 : i32 to index
      %get3A_255 = arith.index_cast %add3A_252 : i32 to index
      %get3A_256 = arith.constant 0 : index
      %get3A_257 = tpu.vector_load %arg9[%get3A_254, %get3A_255, %get3A_256] {strides = array<i32>} : memref<2x640x64xf32, #tpu.memory_space<vmem>>, vector<1x1x16xf32>,
      %get3A_258 = vector.shape_cast %get3A_257 : vector<1x1x16xf32> to vector<16xf32>
      %add3A_259 = arith.addf %add3A_250, %get3A_258 : vector<16xf32>
      %add3A_260 = arith.constant 15 : i32
      %add3A_261 = arith.addi %mul3A_128, %add3A_260 : i32
      %get3A_262 = arith.constant 1 : i32
      %get3A_263 = arith.index_cast %get3A_262 : i32 to index
      %get3A_264 = arith.index_cast %add3A_261 : i32 to index
      %get3A_265 = arith.constant 0 : index
      %get3A_266 = tpu.vector_load %arg9[%get3A_263, %get3A_264, %get3A_265] {strides = array<i32>} : memref<2x640x64xf32, #tpu.memory_space<vmem>>, vector<1x1x16xf32>,
      %get3A_267 = vector.shape_cast %get3A_266 : vector<1x1x16xf32> to vector<16xf32>
      %add3A_268 = arith.addf %add3A_259, %get3A_267 : vector<16xf32>
      %add3A_269 = arith.constant 16 : i32
      %add3A_270 = arith.addi %mul3A_128, %add3A_269 : i32
      %get3A_271 = arith.constant 1 : i32
      %get3A_272 = arith.index_cast %get3A_271 : i32 to index
      %get3A_273 = arith.index_cast %add3A_270 : i32 to index
      %get3A_274 = arith.constant 0 : index
      %get3A_275 = tpu.vector_load %arg9[%get3A_272, %get3A_273, %get3A_274] {strides = array<i32>} : memref<2x640x64xf32, #tpu.memory_space<vmem>>, vector<1x1x16xf32>,
      %get3A_276 = vector.shape_cast %get3A_275 : vector<1x1x16xf32> to vector<16xf32>
      %add3A_277 = arith.addf %add3A_268, %get3A_276 : vector<16xf32>
      %add3A_278 = arith.constant 17 : i32
      %add3A_279 = arith.addi %mul3A_128, %add3A_278 : i32
      %get3A_280 = arith.constant 1 : i32
      %get3A_281 = arith.index_cast %get3A_280 : i32 to index
      %get3A_282 = arith.index_cast %add3A_279 : i32 to index
      %get3A_283 = arith.constant 0 : index
      %get3A_284 = tpu.vector_load %arg9[%get3A_281, %get3A_282, %get3A_283] {strides = array<i32>} : memref<2x640x64xf32, #tpu.memory_space<vmem>>, vector<1x1x16xf32>,
      %get3A_285 = vector.shape_cast %get3A_284 : vector<1x1x16xf32> to vector<16xf32>
      %add3A_286 = arith.addf %add3A_277, %get3A_285 : vector<16xf32>
      %add3A_287 = arith.constant 18 : i32
      %add3A_288 = arith.addi %mul3A_128, %add3A_287 : i32
      %get3A_289 = arith.constant 1 : i32
      %get3A_290 = arith.index_cast %get3A_289 : i32 to index
      %get3A_291 = arith.index_cast %add3A_288 : i32 to index
      %get3A_292 = arith.constant 0 : index
      %get3A_293 = tpu.vector_load %arg9[%get3A_290, %get3A_291, %get3A_292] {strides = array<i32>} : memref<2x640x64xf32, #tpu.memory_space<vmem>>, vector<1x1x16xf32>,
      %get3A_294 = vector.shape_cast %get3A_293 : vector<1x1x16xf32> to vector<16xf32>
      %add3A_295 = arith.addf %add3A_286, %get3A_294 : vector<16xf32>
      %add3A_296 = arith.constant 19 : i32
      %add3A_297 = arith.addi %mul3A_128, %add3A_296 : i32
      %get3A_298 = arith.constant 1 : i32
      %get3A_299 = arith.index_cast %get3A_298 : i32 to index
      %get3A_300 = arith.index_cast %add3A_297 : i32 to index
      %get3A_301 = arith.constant 0 : index
      %get3A_302 = tpu.vector_load %arg9[%get3A_299, %get3A_300, %get3A_301] {strides = array<i32>} : memref<2x640x64xf32, #tpu.memory_space<vmem>>, vector<1x1x16xf32>,
      %get3A_303 = vector.shape_cast %get3A_302 : vector<1x1x16xf32> to vector<16xf32>
      %add3A_304 = arith.addf %add3A_295, %get3A_303 : vector<16xf32>
      %add3A_305 = arith.constant 96 : i32
      %add3A_306 = arith.addi %add3A_305, %add3A_126 : i32
      %swap3A = arith.index_cast %add3A_306 : i32 to index
      %swap3A_307 = arith.constant 0 : index
      %swap3A_308 = tpu.vector_load %arg10[%swap3A, %swap3A_307] {strides = array<i32>} : memref<128x64xf32, #tpu.memory_space<vmem>>, vector<1x16xf32>,
      %swap3A_309 = vector.shape_cast %swap3A_308 : vector<1x16xf32> to vector<16xf32>
      %swap3A_310 = vector.shape_cast %add3A_304 : vector<16xf32> to vector<1x16xf32>
      tpu.vector_store %arg10[%swap3A, %swap3A_307], %swap3A_310 {strides = array<i32>} : memref<128x64xf32, #tpu.memory_space<vmem>>, vector<1x16xf32>,
      %get3A_311 = arith.constant 1 : i32
      %get3A_312 = arith.index_cast %get3A_311 : i32 to index
      %get3A_313 = arith.index_cast %mul3A_128 : i32 to index
      %get3A_314 = arith.constant 16 : index
      %get3A_315 = tpu.vector_load %arg9[%get3A_312, %get3A_313, %get3A_314] {strides = array<i32>} : memref<2x640x64xf32, #tpu.memory_space<vmem>>, vector<1x1x16xf32>,
      %get3A_316 = vector.shape_cast %get3A_315 : vector<1x1x16xf32> to vector<16xf32>
      %add3A_317 = arith.constant 1 : i32
      %add3A_318 = arith.addi %mul3A_128, %add3A_317 : i32
      %get3A_319 = arith.constant 1 : i32
      %get3A_320 = arith.index_cast %get3A_319 : i32 to index
      %get3A_321 = arith.index_cast %add3A_318 : i32 to index
      %get3A_322 = arith.constant 16 : index
      %get3A_323 = tpu.vector_load %arg9[%get3A_320, %get3A_321, %get3A_322] {strides = array<i32>} : memref<2x640x64xf32, #tpu.memory_space<vmem>>, vector<1x1x16xf32>,
      %get3A_324 = vector.shape_cast %get3A_323 : vector<1x1x16xf32> to vector<16xf32>
      %add3A_325 = arith.addf %get3A_316, %get3A_324 : vector<16xf32>
      %add3A_326 = arith.constant 2 : i32
      %add3A_327 = arith.addi %mul3A_128, %add3A_326 : i32
      %get3A_328 = arith.constant 1 : i32
      %get3A_329 = arith.index_cast %get3A_328 : i32 to index
      %get3A_330 = arith.index_cast %add3A_327 : i32 to index
      %get3A_331 = arith.constant 16 : index
      %get3A_332 = tpu.vector_load %arg9[%get3A_329, %get3A_330, %get3A_331] {strides = array<i32>} : memref<2x640x64xf32, #tpu.memory_space<vmem>>, vector<1x1x16xf32>,
      %get3A_333 = vector.shape_cast %get3A_332 : vector<1x1x16xf32> to vector<16xf32>
      %add3A_334 = arith.addf %add3A_325, %get3A_333 : vector<16xf32>
      %add3A_335 = arith.constant 3 : i32
      %add3A_336 = arith.addi %mul3A_128, %add3A_335 : i32
      %get3A_337 = arith.constant 1 : i32
      %get3A_338 = arith.index_cast %get3A_337 : i32 to index
      %get3A_339 = arith.index_cast %add3A_336 : i32 to index
      %get3A_340 = arith.constant 16 : index
      %get3A_341 = tpu.vector_load %arg9[%get3A_338, %get3A_339, %get3A_340] {strides = array<i32>} : memref<2x640x64xf32, #tpu.memory_space<vmem>>, vector<1x1x16xf32>,
      %get3A_342 = vector.shape_cast %get3A_341 : vector<1x1x16xf32> to vector<16xf32>
      %add3A_343 = arith.addf %add3A_334, %get3A_342 : vector<16xf32>
      %add3A_344 = arith.constant 4 : i32
      %add3A_345 = arith.addi %mul3A_128, %add3A_344 : i32
      %get3A_346 = arith.constant 1 : i32
      %get3A_347 = arith.index_cast %get3A_346 : i32 to index
      %get3A_348 = arith.index_cast %add3A_345 : i32 to index
      %get3A_349 = arith.constant 16 : index
      %get3A_350 = tpu.vector_load %arg9[%get3A_347, %get3A_348, %get3A_349] {strides = array<i32>} : memref<2x640x64xf32, #tpu.memory_space<vmem>>, vector<1x1x16xf32>,
      %get3A_351 = vector.shape_cast %get3A_350 : vector<1x1x16xf32> to vector<16xf32>
      %add3A_352 = arith.addf %add3A_343, %get3A_351 : vector<16xf32>
      %add3A_353 = arith.constant 5 : i32
      %add3A_354 = arith.addi %mul3A_128, %add3A_353 : i32
      %get3A_355 = arith.constant 1 : i32
      %get3A_356 = arith.index_cast %get3A_355 : i32 to index
      %get3A_357 = arith.index_cast %add3A_354 : i32 to index
      %get3A_358 = arith.constant 16 : index
      %get3A_359 = tpu.vector_load %arg9[%get3A_356, %get3A_357, %get3A_358] {strides = array<i32>} : memref<2x640x64xf32, #tpu.memory_space<vmem>>, vector<1x1x16xf32>,
      %get3A_360 = vector.shape_cast %get3A_359 : vector<1x1x16xf32> to vector<16xf32>
      %add3A_361 = arith.addf %add3A_352, %get3A_360 : vector<16xf32>
      %add3A_362 = arith.constant 6 : i32
      %add3A_363 = arith.addi %mul3A_128, %add3A_362 : i32
      %get3A_364 = arith.constant 1 : i32
      %get3A_365 = arith.index_cast %get3A_364 : i32 to index
      %get3A_366 = arith.index_cast %add3A_363 : i32 to index
      %get3A_367 = arith.constant 16 : index
      %get3A_368 = tpu.vector_load %arg9[%get3A_365, %get3A_366, %get3A_367] {strides = array<i32>} : memref<2x640x64xf32, #tpu.memory_space<vmem>>, vector<1x1x16xf32>,
      %get3A_369 = vector.shape_cast %get3A_368 : vector<1x1x16xf32> to vector<16xf32>
      %add3A_370 = arith.addf %add3A_361, %get3A_369 : vector<16xf32>
      %add3A_371 = arith.constant 7 : i32
      %add3A_372 = arith.addi %mul3A_128, %add3A_371 : i32
      %get3A_373 = arith.constant 1 : i32
      %get3A_374 = arith.index_cast %get3A_373 : i32 to index
      %get3A_375 = arith.index_cast %add3A_372 : i32 to index
      %get3A_376 = arith.constant 16 : index
      %get3A_377 = tpu.vector_load %arg9[%get3A_374, %get3A_375, %get3A_376] {strides = array<i32>} : memref<2x640x64xf32, #tpu.memory_space<vmem>>, vector<1x1x16xf32>,
      %get3A_378 = vector.shape_cast %get3A_377 : vector<1x1x16xf32> to vector<16xf32>
      %add3A_379 = arith.addf %add3A_370, %get3A_378 : vector<16xf32>
      %add3A_380 = arith.constant 8 : i32
      %add3A_381 = arith.addi %mul3A_128, %add3A_380 : i32
      %get3A_382 = arith.constant 1 : i32
      %get3A_383 = arith.index_cast %get3A_382 : i32 to index
      %get3A_384 = arith.index_cast %add3A_381 : i32 to index
      %get3A_385 = arith.constant 16 : index
      %get3A_386 = tpu.vector_load %arg9[%get3A_383, %get3A_384, %get3A_385] {strides = array<i32>} : memref<2x640x64xf32, #tpu.memory_space<vmem>>, vector<1x1x16xf32>,
      %get3A_387 = vector.shape_cast %get3A_386 : vector<1x1x16xf32> to vector<16xf32>
      %add3A_388 = arith.addf %add3A_379, %get3A_387 : vector<16xf32>
      %add3A_389 = arith.constant 9 : i32
      %add3A_390 = arith.addi %mul3A_128, %add3A_389 : i32
      %get3A_391 = arith.constant 1 : i32
      %get3A_392 = arith.index_cast %get3A_391 : i32 to index
      %get3A_393 = arith.index_cast %add3A_390 : i32 to index
      %get3A_394 = arith.constant 16 : index
      %get3A_395 = tpu.vector_load %arg9[%get3A_392, %get3A_393, %get3A_394] {strides = array<i32>} : memref<2x640x64xf32, #tpu.memory_space<vmem>>, vector<1x1x16xf32>,
      %get3A_396 = vector.shape_cast %get3A_395 : vector<1x1x16xf32> to vector<16xf32>
      %add3A_397 = arith.addf %add3A_388, %get3A_396 : vector<16xf32>
      %add3A_398 = arith.constant 10 : i32
      %add3A_399 = arith.addi %mul3A_128, %add3A_398 : i32
      %get3A_400 = arith.constant 1 : i32
      %get3A_401 = arith.index_cast %get3A_400 : i32 to index
      %get3A_402 = arith.index_cast %add3A_399 : i32 to index
      %get3A_403 = arith.constant 16 : index
      %get3A_404 = tpu.vector_load %arg9[%get3A_401, %get3A_402, %get3A_403] {strides = array<i32>} : memref<2x640x64xf32, #tpu.memory_space<vmem>>, vector<1x1x16xf32>,
      %get3A_405 = vector.shape_cast %get3A_404 : vector<1x1x16xf32> to vector<16xf32>
      %add3A_406 = arith.addf %add3A_397, %get3A_405 : vector<16xf32>
      %add3A_407 = arith.constant 11 : i32
      %add3A_408 = arith.addi %mul3A_128, %add3A_407 : i32
      %get3A_409 = arith.constant 1 : i32
      %get3A_410 = arith.index_cast %get3A_409 : i32 to index
      %get3A_411 = arith.index_cast %add3A_408 : i32 to index
      %get3A_412 = arith.constant 16 : index
      %get3A_413 = tpu.vector_load %arg9[%get3A_410, %get3A_411, %get3A_412] {strides = array<i32>} : memref<2x640x64xf32, #tpu.memory_space<vmem>>, vector<1x1x16xf32>,
      %get3A_414 = vector.shape_cast %get3A_413 : vector<1x1x16xf32> to vector<16xf32>
      %add3A_415 = arith.addf %add3A_406, %get3A_414 : vector<16xf32>
      %add3A_416 = arith.constant 12 : i32
      %add3A_417 = arith.addi %mul3A_128, %add3A_416 : i32
      %get3A_418 = arith.constant 1 : i32
      %get3A_419 = arith.index_cast %get3A_418 : i32 to index
      %get3A_420 = arith.index_cast %add3A_417 : i32 to index
      %get3A_421 = arith.constant 16 : index
      %get3A_422 = tpu.vector_load %arg9[%get3A_419, %get3A_420, %get3A_421] {strides = array<i32>} : memref<2x640x64xf32, #tpu.memory_space<vmem>>, vector<1x1x16xf32>,
      %get3A_423 = vector.shape_cast %get3A_422 : vector<1x1x16xf32> to vector<16xf32>
      %add3A_424 = arith.addf %add3A_415, %get3A_423 : vector<16xf32>
      %add3A_425 = arith.constant 13 : i32
      %add3A_426 = arith.addi %mul3A_128, %add3A_425 : i32
      %get3A_427 = arith.constant 1 : i32
      %get3A_428 = arith.index_cast %get3A_427 : i32 to index
      %get3A_429 = arith.index_cast %add3A_426 : i32 to index
      %get3A_430 = arith.constant 16 : index
      %get3A_431 = tpu.vector_load %arg9[%get3A_428, %get3A_429, %get3A_430] {strides = array<i32>} : memref<2x640x64xf32, #tpu.memory_space<vmem>>, vector<1x1x16xf32>,
      %get3A_432 = vector.shape_cast %get3A_431 : vector<1x1x16xf32> to vector<16xf32>
      %add3A_433 = arith.addf %add3A_424, %get3A_432 : vector<16xf32>
      %add3A_434 = arith.constant 14 : i32
      %add3A_435 = arith.addi %mul3A_128, %add3A_434 : i32
      %get3A_436 = arith.constant 1 : i32
      %get3A_437 = arith.index_cast %get3A_436 : i32 to index
      %get3A_438 = arith.index_cast %add3A_435 : i32 to index
      %get3A_439 = arith.constant 16 : index
      %get3A_440 = tpu.vector_load %arg9[%get3A_437, %get3A_438, %get3A_439] {strides = array<i32>} : memref<2x640x64xf32, #tpu.memory_space<vmem>>, vector<1x1x16xf32>,
      %get3A_441 = vector.shape_cast %get3A_440 : vector<1x1x16xf32> to vector<16xf32>
      %add3A_442 = arith.addf %add3A_433, %get3A_441 : vector<16xf32>
      %add3A_443 = arith.constant 15 : i32
      %add3A_444 = arith.addi %mul3A_128, %add3A_443 : i32
      %get3A_445 = arith.constant 1 : i32
      %get3A_446 = arith.index_cast %get3A_445 : i32 to index
      %get3A_447 = arith.index_cast %add3A_444 : i32 to index
      %get3A_448 = arith.constant 16 : index
      %get3A_449 = tpu.vector_load %arg9[%get3A_446, %get3A_447, %get3A_448] {strides = array<i32>} : memref<2x640x64xf32, #tpu.memory_space<vmem>>, vector<1x1x16xf32>,
      %get3A_450 = vector.shape_cast %get3A_449 : vector<1x1x16xf32> to vector<16xf32>
      %add3A_451 = arith.addf %add3A_442, %get3A_450 : vector<16xf32>
      %add3A_452 = arith.constant 16 : i32
      %add3A_453 = arith.addi %mul3A_128, %add3A_452 : i32
      %get3A_454 = arith.constant 1 : i32
      %get3A_455 = arith.index_cast %get3A_454 : i32 to index
      %get3A_456 = arith.index_cast %add3A_453 : i32 to index
      %get3A_457 = arith.constant 16 : index
      %get3A_458 = tpu.vector_load %arg9[%get3A_455, %get3A_456, %get3A_457] {strides = array<i32>} : memref<2x640x64xf32, #tpu.memory_space<vmem>>, vector<1x1x16xf32>,
      %get3A_459 = vector.shape_cast %get3A_458 : vector<1x1x16xf32> to vector<16xf32>
      %add3A_460 = arith.addf %add3A_451, %get3A_459 : vector<16xf32>
      %add3A_461 = arith.constant 17 : i32
      %add3A_462 = arith.addi %mul3A_128, %add3A_461 : i32
      %get3A_463 = arith.constant 1 : i32
      %get3A_464 = arith.index_cast %get3A_463 : i32 to index
      %get3A_465 = arith.index_cast %add3A_462 : i32 to index
      %get3A_466 = arith.constant 16 : index
      %get3A_467 = tpu.vector_load %arg9[%get3A_464, %get3A_465, %get3A_466] {strides = array<i32>} : memref<2x640x64xf32, #tpu.memory_space<vmem>>, vector<1x1x16xf32>,
      %get3A_468 = vector.shape_cast %get3A_467 : vector<1x1x16xf32> to vector<16xf32>
      %add3A_469 = arith.addf %add3A_460, %get3A_468 : vector<16xf32>
      %add3A_470 = arith.constant 18 : i32
      %add3A_471 = arith.addi %mul3A_128, %add3A_470 : i32
      %get3A_472 = arith.constant 1 : i32
      %get3A_473 = arith.index_cast %get3A_472 : i32 to index
      %get3A_474 = arith.index_cast %add3A_471 : i32 to index
      %get3A_475 = arith.constant 16 : index
      %get3A_476 = tpu.vector_load %arg9[%get3A_473, %get3A_474, %get3A_475] {strides = array<i32>} : memref<2x640x64xf32, #tpu.memory_space<vmem>>, vector<1x1x16xf32>,
      %get3A_477 = vector.shape_cast %get3A_476 : vector<1x1x16xf32> to vector<16xf32>
      %add3A_478 = arith.addf %add3A_469, %get3A_477 : vector<16xf32>
      %add3A_479 = arith.constant 19 : i32
      %add3A_480 = arith.addi %mul3A_128, %add3A_479 : i32
      %get3A_481 = arith.constant 1 : i32
      %get3A_482 = arith.index_cast %get3A_481 : i32 to index
      %get3A_483 = arith.index_cast %add3A_480 : i32 to index
      %get3A_484 = arith.constant 16 : index
      %get3A_485 = tpu.vector_load %arg9[%get3A_482, %get3A_483, %get3A_484] {strides = array<i32>} : memref<2x640x64xf32, #tpu.memory_space<vmem>>, vector<1x1x16xf32>,
      %get3A_486 = vector.shape_cast %get3A_485 : vector<1x1x16xf32> to vector<16xf32>
      %add3A_487 = arith.addf %add3A_478, %get3A_486 : vector<16xf32>
      %add3A_488 = arith.constant 96 : i32
      %add3A_489 = arith.addi %add3A_488, %add3A_126 : i32
      %swap3A_490 = arith.index_cast %add3A_489 : i32 to index
      %swap3A_491 = arith.constant 16 : index
      %swap3A_492 = tpu.vector_load %arg10[%swap3A_490, %swap3A_491] {strides = array<i32>} : memref<128x64xf32, #tpu.memory_space<vmem>>, vector<1x16xf32>,
      %swap3A_493 = vector.shape_cast %swap3A_492 : vector<1x16xf32> to vector<16xf32>
      %swap3A_494 = vector.shape_cast %add3A_487 : vector<16xf32> to vector<1x16xf32>
      tpu.vector_store %arg10[%swap3A_490, %swap3A_491], %swap3A_494 {strides = array<i32>} : memref<128x64xf32, #tpu.memory_space<vmem>>, vector<1x16xf32>,
      %get3A_495 = arith.constant 1 : i32
      %get3A_496 = arith.index_cast %get3A_495 : i32 to index
      %get3A_497 = arith.index_cast %mul3A_128 : i32 to index
      %get3A_498 = arith.constant 32 : index
      %get3A_499 = tpu.vector_load %arg9[%get3A_496, %get3A_497, %get3A_498] {strides = array<i32>} : memref<2x640x64xf32, #tpu.memory_space<vmem>>, vector<1x1x16xf32>,
      %get3A_500 = vector.shape_cast %get3A_499 : vector<1x1x16xf32> to vector<16xf32>
      %add3A_501 = arith.constant 1 : i32
      %add3A_502 = arith.addi %mul3A_128, %add3A_501 : i32
      %get3A_503 = arith.constant 1 : i32
      %get3A_504 = arith.index_cast %get3A_503 : i32 to index
      %get3A_505 = arith.index_cast %add3A_502 : i32 to index
      %get3A_506 = arith.constant 32 : index
      %get3A_507 = tpu.vector_load %arg9[%get3A_504, %get3A_505, %get3A_506] {strides = array<i32>} : memref<2x640x64xf32, #tpu.memory_space<vmem>>, vector<1x1x16xf32>,
      %get3A_508 = vector.shape_cast %get3A_507 : vector<1x1x16xf32> to vector<16xf32>
      %add3A_509 = arith.addf %get3A_500, %get3A_508 : vector<16xf32>
      %add3A_510 = arith.constant 2 : i32
      %add3A_511 = arith.addi %mul3A_128, %add3A_510 : i32
      %get3A_512 = arith.constant 1 : i32
      %get3A_513 = arith.index_cast %get3A_512 : i32 to index
      %get3A_514 = arith.index_cast %add3A_511 : i32 to index
      %get3A_515 = arith.constant 32 : index
      %get3A_516 = tpu.vector_load %arg9[%get3A_513, %get3A_514, %get3A_515] {strides = array<i32>} : memref<2x640x64xf32, #tpu.memory_space<vmem>>, vector<1x1x16xf32>,
      %get3A_517 = vector.shape_cast %get3A_516 : vector<1x1x16xf32> to vector<16xf32>
      %add3A_518 = arith.addf %add3A_509, %get3A_517 : vector<16xf32>
      %add3A_519 = arith.constant 3 : i32
      %add3A_520 = arith.addi %mul3A_128, %add3A_519 : i32
      %get3A_521 = arith.constant 1 : i32
      %get3A_522 = arith.index_cast %get3A_521 : i32 to index
      %get3A_523 = arith.index_cast %add3A_520 : i32 to index
      %get3A_524 = arith.constant 32 : index
      %get3A_525 = tpu.vector_load %arg9[%get3A_522, %get3A_523, %get3A_524] {strides = array<i32>} : memref<2x640x64xf32, #tpu.memory_space<vmem>>, vector<1x1x16xf32>,
      %get3A_526 = vector.shape_cast %get3A_525 : vector<1x1x16xf32> to vector<16xf32>
      %add3A_527 = arith.addf %add3A_518, %get3A_526 : vector<16xf32>
      %add3A_528 = arith.constant 4 : i32
      %add3A_529 = arith.addi %mul3A_128, %add3A_528 : i32
      %get3A_530 = arith.constant 1 : i32
      %get3A_531 = arith.index_cast %get3A_530 : i32 to index
      %get3A_532 = arith.index_cast %add3A_529 : i32 to index
      %get3A_533 = arith.constant 32 : index
      %get3A_534 = tpu.vector_load %arg9[%get3A_531, %get3A_532, %get3A_533] {strides = array<i32>} : memref<2x640x64xf32, #tpu.memory_space<vmem>>, vector<1x1x16xf32>,
      %get3A_535 = vector.shape_cast %get3A_534 : vector<1x1x16xf32> to vector<16xf32>
      %add3A_536 = arith.addf %add3A_527, %get3A_535 : vector<16xf32>
      %add3A_537 = arith.constant 5 : i32
      %add3A_538 = arith.addi %mul3A_128, %add3A_537 : i32
      %get3A_539 = arith.constant 1 : i32
      %get3A_540 = arith.index_cast %get3A_539 : i32 to index
      %get3A_541 = arith.index_cast %add3A_538 : i32 to index
      %get3A_542 = arith.constant 32 : index
      %get3A_543 = tpu.vector_load %arg9[%get3A_540, %get3A_541, %get3A_542] {strides = array<i32>} : memref<2x640x64xf32, #tpu.memory_space<vmem>>, vector<1x1x16xf32>,
      %get3A_544 = vector.shape_cast %get3A_543 : vector<1x1x16xf32> to vector<16xf32>
      %add3A_545 = arith.addf %add3A_536, %get3A_544 : vector<16xf32>
      %add3A_546 = arith.constant 6 : i32
      %add3A_547 = arith.addi %mul3A_128, %add3A_546 : i32
      %get3A_548 = arith.constant 1 : i32
      %get3A_549 = arith.index_cast %get3A_548 : i32 to index
      %get3A_550 = arith.index_cast %add3A_547 : i32 to index
      %get3A_551 = arith.constant 32 : index
      %get3A_552 = tpu.vector_load %arg9[%get3A_549, %get3A_550, %get3A_551] {strides = array<i32>} : memref<2x640x64xf32, #tpu.memory_space<vmem>>, vector<1x1x16xf32>,
      %get3A_553 = vector.shape_cast %get3A_552 : vector<1x1x16xf32> to vector<16xf32>
      %add3A_554 = arith.addf %add3A_545, %get3A_553 : vector<16xf32>
      %add3A_555 = arith.constant 7 : i32
      %add3A_556 = arith.addi %mul3A_128, %add3A_555 : i32
      %get3A_557 = arith.constant 1 : i32
      %get3A_558 = arith.index_cast %get3A_557 : i32 to index
      %get3A_559 = arith.index_cast %add3A_556 : i32 to index
      %get3A_560 = arith.constant 32 : index
      %get3A_561 = tpu.vector_load %arg9[%get3A_558, %get3A_559, %get3A_560] {strides = array<i32>} : memref<2x640x64xf32, #tpu.memory_space<vmem>>, vector<1x1x16xf32>,
      %get3A_562 = vector.shape_cast %get3A_561 : vector<1x1x16xf32> to vector<16xf32>
      %add3A_563 = arith.addf %add3A_554, %get3A_562 : vector<16xf32>
      %add3A_564 = arith.constant 8 : i32
      %add3A_565 = arith.addi %mul3A_128, %add3A_564 : i32
      %get3A_566 = arith.constant 1 : i32
      %get3A_567 = arith.index_cast %get3A_566 : i32 to index
      %get3A_568 = arith.index_cast %add3A_565 : i32 to index
      %get3A_569 = arith.constant 32 : index
      %get3A_570 = tpu.vector_load %arg9[%get3A_567, %get3A_568, %get3A_569] {strides = array<i32>} : memref<2x640x64xf32, #tpu.memory_space<vmem>>, vector<1x1x16xf32>,
      %get3A_571 = vector.shape_cast %get3A_570 : vector<1x1x16xf32> to vector<16xf32>
      %add3A_572 = arith.addf %add3A_563, %get3A_571 : vector<16xf32>
      %add3A_573 = arith.constant 9 : i32
      %add3A_574 = arith.addi %mul3A_128, %add3A_573 : i32
      %get3A_575 = arith.constant 1 : i32
      %get3A_576 = arith.index_cast %get3A_575 : i32 to index
      %get3A_577 = arith.index_cast %add3A_574 : i32 to index
      %get3A_578 = arith.constant 32 : index
      %get3A_579 = tpu.vector_load %arg9[%get3A_576, %get3A_577, %get3A_578] {strides = array<i32>} : memref<2x640x64xf32, #tpu.memory_space<vmem>>, vector<1x1x16xf32>,
      %get3A_580 = vector.shape_cast %get3A_579 : vector<1x1x16xf32> to vector<16xf32>
      %add3A_581 = arith.addf %add3A_572, %get3A_580 : vector<16xf32>
      %add3A_582 = arith.constant 10 : i32
      %add3A_583 = arith.addi %mul3A_128, %add3A_582 : i32
      %get3A_584 = arith.constant 1 : i32
      %get3A_585 = arith.index_cast %get3A_584 : i32 to index
      %get3A_586 = arith.index_cast %add3A_583 : i32 to index
      %get3A_587 = arith.constant 32 : index
      %get3A_588 = tpu.vector_load %arg9[%get3A_585, %get3A_586, %get3A_587] {strides = array<i32>} : memref<2x640x64xf32, #tpu.memory_space<vmem>>, vector<1x1x16xf32>,
      %get3A_589 = vector.shape_cast %get3A_588 : vector<1x1x16xf32> to vector<16xf32>
      %add3A_590 = arith.addf %add3A_581, %get3A_589 : vector<16xf32>
      %add3A_591 = arith.constant 11 : i32
      %add3A_592 = arith.addi %mul3A_128, %add3A_591 : i32
      %get3A_593 = arith.constant 1 : i32
      %get3A_594 = arith.index_cast %get3A_593 : i32 to index
      %get3A_595 = arith.index_cast %add3A_592 : i32 to index
      %get3A_596 = arith.constant 32 : index
      %get3A_597 = tpu.vector_load %arg9[%get3A_594, %get3A_595, %get3A_596] {strides = array<i32>} : memref<2x640x64xf32, #tpu.memory_space<vmem>>, vector<1x1x16xf32>,
      %get3A_598 = vector.shape_cast %get3A_597 : vector<1x1x16xf32> to vector<16xf32>
      %add3A_599 = arith.addf %add3A_590, %get3A_598 : vector<16xf32>
      %add3A_600 = arith.constant 12 : i32
      %add3A_601 = arith.addi %mul3A_128, %add3A_600 : i32
      %get3A_602 = arith.constant 1 : i32
      %get3A_603 = arith.index_cast %get3A_602 : i32 to index
      %get3A_604 = arith.index_cast %add3A_601 : i32 to index
      %get3A_605 = arith.constant 32 : index
      %get3A_606 = tpu.vector_load %arg9[%get3A_603, %get3A_604, %get3A_605] {strides = array<i32>} : memref<2x640x64xf32, #tpu.memory_space<vmem>>, vector<1x1x16xf32>,
      %get3A_607 = vector.shape_cast %get3A_606 : vector<1x1x16xf32> to vector<16xf32>
      %add3A_608 = arith.addf %add3A_599, %get3A_607 : vector<16xf32>
      %add3A_609 = arith.constant 13 : i32
      %add3A_610 = arith.addi %mul3A_128, %add3A_609 : i32
      %get3A_611 = arith.constant 1 : i32
      %get3A_612 = arith.index_cast %get3A_611 : i32 to index
      %get3A_613 = arith.index_cast %add3A_610 : i32 to index
      %get3A_614 = arith.constant 32 : index
      %get3A_615 = tpu.vector_load %arg9[%get3A_612, %get3A_613, %get3A_614] {strides = array<i32>} : memref<2x640x64xf32, #tpu.memory_space<vmem>>, vector<1x1x16xf32>,
      %get3A_616 = vector.shape_cast %get3A_615 : vector<1x1x16xf32> to vector<16xf32>
      %add3A_617 = arith.addf %add3A_608, %get3A_616 : vector<16xf32>
      %add3A_618 = arith.constant 14 : i32
      %add3A_619 = arith.addi %mul3A_128, %add3A_618 : i32
      %get3A_620 = arith.constant 1 : i32
      %get3A_621 = arith.index_cast %get3A_620 : i32 to index
      %get3A_622 = arith.index_cast %add3A_619 : i32 to index
      %get3A_623 = arith.constant 32 : index
      %get3A_624 = tpu.vector_load %arg9[%get3A_621, %get3A_622, %get3A_623] {strides = array<i32>} : memref<2x640x64xf32, #tpu.memory_space<vmem>>, vector<1x1x16xf32>,
      %get3A_625 = vector.shape_cast %get3A_624 : vector<1x1x16xf32> to vector<16xf32>
      %add3A_626 = arith.addf %add3A_617, %get3A_625 : vector<16xf32>
      %add3A_627 = arith.constant 15 : i32
      %add3A_628 = arith.addi %mul3A_128, %add3A_627 : i32
      %get3A_629 = arith.constant 1 : i32
      %get3A_630 = arith.index_cast %get3A_629 : i32 to index
      %get3A_631 = arith.index_cast %add3A_628 : i32 to index
      %get3A_632 = arith.constant 32 : index
      %get3A_633 = tpu.vector_load %arg9[%get3A_630, %get3A_631, %get3A_632] {strides = array<i32>} : memref<2x640x64xf32, #tpu.memory_space<vmem>>, vector<1x1x16xf32>,
      %get3A_634 = vector.shape_cast %get3A_633 : vector<1x1x16xf32> to vector<16xf32>
      %add3A_635 = arith.addf %add3A_626, %get3A_634 : vector<16xf32>
      %add3A_636 = arith.constant 16 : i32
      %add3A_637 = arith.addi %mul3A_128, %add3A_636 : i32
      %get3A_638 = arith.constant 1 : i32
      %get3A_639 = arith.index_cast %get3A_638 : i32 to index
      %get3A_640 = arith.index_cast %add3A_637 : i32 to index
      %get3A_641 = arith.constant 32 : index
      %get3A_642 = tpu.vector_load %arg9[%get3A_639, %get3A_640, %get3A_641] {strides = array<i32>} : memref<2x640x64xf32, #tpu.memory_space<vmem>>, vector<1x1x16xf32>,
      %get3A_643 = vector.shape_cast %get3A_642 : vector<1x1x16xf32> to vector<16xf32>
      %add3A_644 = arith.addf %add3A_635, %get3A_643 : vector<16xf32>
      %add3A_645 = arith.constant 17 : i32
      %add3A_646 = arith.addi %mul3A_128, %add3A_645 : i32
      %get3A_647 = arith.constant 1 : i32
      %get3A_648 = arith.index_cast %get3A_647 : i32 to index
      %get3A_649 = arith.index_cast %add3A_646 : i32 to index
      %get3A_650 = arith.constant 32 : index
      %get3A_651 = tpu.vector_load %arg9[%get3A_648, %get3A_649, %get3A_650] {strides = array<i32>} : memref<2x640x64xf32, #tpu.memory_space<vmem>>, vector<1x1x16xf32>,
      %get3A_652 = vector.shape_cast %get3A_651 : vector<1x1x16xf32> to vector<16xf32>
      %add3A_653 = arith.addf %add3A_644, %get3A_652 : vector<16xf32>
      %add3A_654 = arith.constant 18 : i32
      %add3A_655 = arith.addi %mul3A_128, %add3A_654 : i32
      %get3A_656 = arith.constant 1 : i32
      %get3A_657 = arith.index_cast %get3A_656 : i32 to index
      %get3A_658 = arith.index_cast %add3A_655 : i32 to index
      %get3A_659 = arith.constant 32 : index
      %get3A_660 = tpu.vector_load %arg9[%get3A_657, %get3A_658, %get3A_659] {strides = array<i32>} : memref<2x640x64xf32, #tpu.memory_space<vmem>>, vector<1x1x16xf32>,
      %get3A_661 = vector.shape_cast %get3A_660 : vector<1x1x16xf32> to vector<16xf32>
      %add3A_662 = arith.addf %add3A_653, %get3A_661 : vector<16xf32>
      %add3A_663 = arith.constant 19 : i32
      %add3A_664 = arith.addi %mul3A_128, %add3A_663 : i32
      %get3A_665 = arith.constant 1 : i32
      %get3A_666 = arith.index_cast %get3A_665 : i32 to index
      %get3A_667 = arith.index_cast %add3A_664 : i32 to index
      %get3A_668 = arith.constant 32 : index
      %get3A_669 = tpu.vector_load %arg9[%get3A_666, %get3A_667, %get3A_668] {strides = array<i32>} : memref<2x640x64xf32, #tpu.memory_space<vmem>>, vector<1x1x16xf32>,
      %get3A_670 = vector.shape_cast %get3A_669 : vector<1x1x16xf32> to vector<16xf32>
      %add3A_671 = arith.addf %add3A_662, %get3A_670 : vector<16xf32>
      %add3A_672 = arith.constant 96 : i32
      %add3A_673 = arith.addi %add3A_672, %add3A_126 : i32
      %swap3A_674 = arith.index_cast %add3A_673 : i32 to index
      %swap3A_675 = arith.constant 32 : index
      %swap3A_676 = tpu.vector_load %arg10[%swap3A_674, %swap3A_675] {strides = array<i32>} : memref<128x64xf32, #tpu.memory_space<vmem>>, vector<1x16xf32>,
      %swap3A_677 = vector.shape_cast %swap3A_676 : vector<1x16xf32> to vector<16xf32>
      %swap3A_678 = vector.shape_cast %add3A_671 : vector<16xf32> to vector<1x16xf32>
      tpu.vector_store %arg10[%swap3A_674, %swap3A_675], %swap3A_678 {strides = array<i32>} : memref<128x64xf32, #tpu.memory_space<vmem>>, vector<1x16xf32>,
      %get3A_679 = arith.constant 1 : i32
      %get3A_680 = arith.index_cast %get3A_679 : i32 to index
      %get3A_681 = arith.index_cast %mul3A_128 : i32 to index
      %get3A_682 = arith.constant 48 : index
      %get3A_683 = tpu.vector_load %arg9[%get3A_680, %get3A_681, %get3A_682] {strides = array<i32>} : memref<2x640x64xf32, #tpu.memory_space<vmem>>, vector<1x1x16xf32>,
      %get3A_684 = vector.shape_cast %get3A_683 : vector<1x1x16xf32> to vector<16xf32>
      %add3A_685 = arith.constant 1 : i32
      %add3A_686 = arith.addi %mul3A_128, %add3A_685 : i32
      %get3A_687 = arith.constant 1 : i32
      %get3A_688 = arith.index_cast %get3A_687 : i32 to index
      %get3A_689 = arith.index_cast %add3A_686 : i32 to index
      %get3A_690 = arith.constant 48 : index
      %get3A_691 = tpu.vector_load %arg9[%get3A_688, %get3A_689, %get3A_690] {strides = array<i32>} : memref<2x640x64xf32, #tpu.memory_space<vmem>>, vector<1x1x16xf32>,
      %get3A_692 = vector.shape_cast %get3A_691 : vector<1x1x16xf32> to vector<16xf32>
      %add3A_693 = arith.addf %get3A_684, %get3A_692 : vector<16xf32>
      %add3A_694 = arith.constant 2 : i32
      %add3A_695 = arith.addi %mul3A_128, %add3A_694 : i32
      %get3A_696 = arith.constant 1 : i32
      %get3A_697 = arith.index_cast %get3A_696 : i32 to index
      %get3A_698 = arith.index_cast %add3A_695 : i32 to index
      %get3A_699 = arith.constant 48 : index
      %get3A_700 = tpu.vector_load %arg9[%get3A_697, %get3A_698, %get3A_699] {strides = array<i32>} : memref<2x640x64xf32, #tpu.memory_space<vmem>>, vector<1x1x16xf32>,
      %get3A_701 = vector.shape_cast %get3A_700 : vector<1x1x16xf32> to vector<16xf32>
      %add3A_702 = arith.addf %add3A_693, %get3A_701 : vector<16xf32>
      %add3A_703 = arith.constant 3 : i32
      %add3A_704 = arith.addi %mul3A_128, %add3A_703 : i32
      %get3A_705 = arith.constant 1 : i32
      %get3A_706 = arith.index_cast %get3A_705 : i32 to index
      %get3A_707 = arith.index_cast %add3A_704 : i32 to index
      %get3A_708 = arith.constant 48 : index
      %get3A_709 = tpu.vector_load %arg9[%get3A_706, %get3A_707, %get3A_708] {strides = array<i32>} : memref<2x640x64xf32, #tpu.memory_space<vmem>>, vector<1x1x16xf32>,
      %get3A_710 = vector.shape_cast %get3A_709 : vector<1x1x16xf32> to vector<16xf32>
      %add3A_711 = arith.addf %add3A_702, %get3A_710 : vector<16xf32>
      %add3A_712 = arith.constant 4 : i32
      %add3A_713 = arith.addi %mul3A_128, %add3A_712 : i32
      %get3A_714 = arith.constant 1 : i32
      %get3A_715 = arith.index_cast %get3A_714 : i32 to index
      %get3A_716 = arith.index_cast %add3A_713 : i32 to index
      %get3A_717 = arith.constant 48 : index
      %get3A_718 = tpu.vector_load %arg9[%get3A_715, %get3A_716, %get3A_717] {strides = array<i32>} : memref<2x640x64xf32, #tpu.memory_space<vmem>>, vector<1x1x16xf32>,
      %get3A_719 = vector.shape_cast %get3A_718 : vector<1x1x16xf32> to vector<16xf32>
      %add3A_720 = arith.addf %add3A_711, %get3A_719 : vector<16xf32>
      %add3A_721 = arith.constant 5 : i32
      %add3A_722 = arith.addi %mul3A_128, %add3A_721 : i32
      %get3A_723 = arith.constant 1 : i32
      %get3A_724 = arith.index_cast %get3A_723 : i32 to index
      %get3A_725 = arith.index_cast %add3A_722 : i32 to index
      %get3A_726 = arith.constant 48 : index
      %get3A_727 = tpu.vector_load %arg9[%get3A_724, %get3A_725, %get3A_726] {strides = array<i32>} : memref<2x640x64xf32, #tpu.memory_space<vmem>>, vector<1x1x16xf32>,
      %get3A_728 = vector.shape_cast %get3A_727 : vector<1x1x16xf32> to vector<16xf32>
      %add3A_729 = arith.addf %add3A_720, %get3A_728 : vector<16xf32>
      %add3A_730 = arith.constant 6 : i32
      %add3A_731 = arith.addi %mul3A_128, %add3A_730 : i32
      %get3A_732 = arith.constant 1 : i32
      %get3A_733 = arith.index_cast %get3A_732 : i32 to index
      %get3A_734 = arith.index_cast %add3A_731 : i32 to index
      %get3A_735 = arith.constant 48 : index
      %get3A_736 = tpu.vector_load %arg9[%get3A_733, %get3A_734, %get3A_735] {strides = array<i32>} : memref<2x640x64xf32, #tpu.memory_space<vmem>>, vector<1x1x16xf32>,
      %get3A_737 = vector.shape_cast %get3A_736 : vector<1x1x16xf32> to vector<16xf32>
      %add3A_738 = arith.addf %add3A_729, %get3A_737 : vector<16xf32>
      %add3A_739 = arith.constant 7 : i32
      %add3A_740 = arith.addi %mul3A_128, %add3A_739 : i32
      %get3A_741 = arith.constant 1 : i32
      %get3A_742 = arith.index_cast %get3A_741 : i32 to index
      %get3A_743 = arith.index_cast %add3A_740 : i32 to index
      %get3A_744 = arith.constant 48 : index
      %get3A_745 = tpu.vector_load %arg9[%get3A_742, %get3A_743, %get3A_744] {strides = array<i32>} : memref<2x640x64xf32, #tpu.memory_space<vmem>>, vector<1x1x16xf32>,
      %get3A_746 = vector.shape_cast %get3A_745 : vector<1x1x16xf32> to vector<16xf32>
      %add3A_747 = arith.addf %add3A_738, %get3A_746 : vector<16xf32>
      %add3A_748 = arith.constant 8 : i32
      %add3A_749 = arith.addi %mul3A_128, %add3A_748 : i32
      %get3A_750 = arith.constant 1 : i32
      %get3A_751 = arith.index_cast %get3A_750 : i32 to index
      %get3A_752 = arith.index_cast %add3A_749 : i32 to index
      %get3A_753 = arith.constant 48 : index
      %get3A_754 = tpu.vector_load %arg9[%get3A_751, %get3A_752, %get3A_753] {strides = array<i32>} : memref<2x640x64xf32, #tpu.memory_space<vmem>>, vector<1x1x16xf32>,
      %get3A_755 = vector.shape_cast %get3A_754 : vector<1x1x16xf32> to vector<16xf32>
      %add3A_756 = arith.addf %add3A_747, %get3A_755 : vector<16xf32>
      %add3A_757 = arith.constant 9 : i32
      %add3A_758 = arith.addi %mul3A_128, %add3A_757 : i32
      %get3A_759 = arith.constant 1 : i32
      %get3A_760 = arith.index_cast %get3A_759 : i32 to index
      %get3A_761 = arith.index_cast %add3A_758 : i32 to index
      %get3A_762 = arith.constant 48 : index
      %get3A_763 = tpu.vector_load %arg9[%get3A_760, %get3A_761, %get3A_762] {strides = array<i32>} : memref<2x640x64xf32, #tpu.memory_space<vmem>>, vector<1x1x16xf32>,
      %get3A_764 = vector.shape_cast %get3A_763 : vector<1x1x16xf32> to vector<16xf32>
      %add3A_765 = arith.addf %add3A_756, %get3A_764 : vector<16xf32>
      %add3A_766 = arith.constant 10 : i32
      %add3A_767 = arith.addi %mul3A_128, %add3A_766 : i32
      %get3A_768 = arith.constant 1 : i32
      %get3A_769 = arith.index_cast %get3A_768 : i32 to index
      %get3A_770 = arith.index_cast %add3A_767 : i32 to index
      %get3A_771 = arith.constant 48 : index
      %get3A_772 = tpu.vector_load %arg9[%get3A_769, %get3A_770, %get3A_771] {strides = array<i32>} : memref<2x640x64xf32, #tpu.memory_space<vmem>>, vector<1x1x16xf32>,
      %get3A_773 = vector.shape_cast %get3A_772 : vector<1x1x16xf32> to vector<16xf32>
      %add3A_774 = arith.addf %add3A_765, %get3A_773 : vector<16xf32>
      %add3A_775 = arith.constant 11 : i32
      %add3A_776 = arith.addi %mul3A_128, %add3A_775 : i32
      %get3A_777 = arith.constant 1 : i32
      %get3A_778 = arith.index_cast %get3A_777 : i32 to index
      %get3A_779 = arith.index_cast %add3A_776 : i32 to index
      %get3A_780 = arith.constant 48 : index
      %get3A_781 = tpu.vector_load %arg9[%get3A_778, %get3A_779, %get3A_780] {strides = array<i32>} : memref<2x640x64xf32, #tpu.memory_space<vmem>>, vector<1x1x16xf32>,
      %get3A_782 = vector.shape_cast %get3A_781 : vector<1x1x16xf32> to vector<16xf32>
      %add3A_783 = arith.addf %add3A_774, %get3A_782 : vector<16xf32>
      %add3A_784 = arith.constant 12 : i32
      %add3A_785 = arith.addi %mul3A_128, %add3A_784 : i32
      %get3A_786 = arith.constant 1 : i32
      %get3A_787 = arith.index_cast %get3A_786 : i32 to index
      %get3A_788 = arith.index_cast %add3A_785 : i32 to index
      %get3A_789 = arith.constant 48 : index
      %get3A_790 = tpu.vector_load %arg9[%get3A_787, %get3A_788, %get3A_789] {strides = array<i32>} : memref<2x640x64xf32, #tpu.memory_space<vmem>>, vector<1x1x16xf32>,
      %get3A_791 = vector.shape_cast %get3A_790 : vector<1x1x16xf32> to vector<16xf32>
      %add3A_792 = arith.addf %add3A_783, %get3A_791 : vector<16xf32>
      %add3A_793 = arith.constant 13 : i32
      %add3A_794 = arith.addi %mul3A_128, %add3A_793 : i32
      %get3A_795 = arith.constant 1 : i32
      %get3A_796 = arith.index_cast %get3A_795 : i32 to index
      %get3A_797 = arith.index_cast %add3A_794 : i32 to index
      %get3A_798 = arith.constant 48 : index
      %get3A_799 = tpu.vector_load %arg9[%get3A_796, %get3A_797, %get3A_798] {strides = array<i32>} : memref<2x640x64xf32, #tpu.memory_space<vmem>>, vector<1x1x16xf32>,
      %get3A_800 = vector.shape_cast %get3A_799 : vector<1x1x16xf32> to vector<16xf32>
      %add3A_801 = arith.addf %add3A_792, %get3A_800 : vector<16xf32>
      %add3A_802 = arith.constant 14 : i32
      %add3A_803 = arith.addi %mul3A_128, %add3A_802 : i32
      %get3A_804 = arith.constant 1 : i32
      %get3A_805 = arith.index_cast %get3A_804 : i32 to index
      %get3A_806 = arith.index_cast %add3A_803 : i32 to index
      %get3A_807 = arith.constant 48 : index
      %get3A_808 = tpu.vector_load %arg9[%get3A_805, %get3A_806, %get3A_807] {strides = array<i32>} : memref<2x640x64xf32, #tpu.memory_space<vmem>>, vector<1x1x16xf32>,
      %get3A_809 = vector.shape_cast %get3A_808 : vector<1x1x16xf32> to vector<16xf32>
      %add3A_810 = arith.addf %add3A_801, %get3A_809 : vector<16xf32>
      %add3A_811 = arith.constant 15 : i32
      %add3A_812 = arith.addi %mul3A_128, %add3A_811 : i32
      %get3A_813 = arith.constant 1 : i32
      %get3A_814 = arith.index_cast %get3A_813 : i32 to index
      %get3A_815 = arith.index_cast %add3A_812 : i32 to index
      %get3A_816 = arith.constant 48 : index
      %get3A_817 = tpu.vector_load %arg9[%get3A_814, %get3A_815, %get3A_816] {strides = array<i32>} : memref<2x640x64xf32, #tpu.memory_space<vmem>>, vector<1x1x16xf32>,
      %get3A_818 = vector.shape_cast %get3A_817 : vector<1x1x16xf32> to vector<16xf32>
      %add3A_819 = arith.addf %add3A_810, %get3A_818 : vector<16xf32>
      %add3A_820 = arith.constant 16 : i32
      %add3A_821 = arith.addi %mul3A_128, %add3A_820 : i32
      %get3A_822 = arith.constant 1 : i32
      %get3A_823 = arith.index_cast %get3A_822 : i32 to index
      %get3A_824 = arith.index_cast %add3A_821 : i32 to index
      %get3A_825 = arith.constant 48 : index
      %get3A_826 = tpu.vector_load %arg9[%get3A_823, %get3A_824, %get3A_825] {strides = array<i32>} : memref<2x640x64xf32, #tpu.memory_space<vmem>>, vector<1x1x16xf32>,
      %get3A_827 = vector.shape_cast %get3A_826 : vector<1x1x16xf32> to vector<16xf32>
      %add3A_828 = arith.addf %add3A_819, %get3A_827 : vector<16xf32>
      %add3A_829 = arith.constant 17 : i32
      %add3A_830 = arith.addi %mul3A_128, %add3A_829 : i32
      %get3A_831 = arith.constant 1 : i32
      %get3A_832 = arith.index_cast %get3A_831 : i32 to index
      %get3A_833 = arith.index_cast %add3A_830 : i32 to index
      %get3A_834 = arith.constant 48 : index
      %get3A_835 = tpu.vector_load %arg9[%get3A_832, %get3A_833, %get3A_834] {strides = array<i32>} : memref<2x640x64xf32, #tpu.memory_space<vmem>>, vector<1x1x16xf32>,
      %get3A_836 = vector.shape_cast %get3A_835 : vector<1x1x16xf32> to vector<16xf32>
      %add3A_837 = arith.addf %add3A_828, %get3A_836 : vector<16xf32>
      %add3A_838 = arith.constant 18 : i32
      %add3A_839 = arith.addi %mul3A_128, %add3A_838 : i32
      %get3A_840 = arith.constant 1 : i32
      %get3A_841 = arith.index_cast %get3A_840 : i32 to index
      %get3A_842 = arith.index_cast %add3A_839 : i32 to index
      %get3A_843 = arith.constant 48 : index
      %get3A_844 = tpu.vector_load %arg9[%get3A_841, %get3A_842, %get3A_843] {strides = array<i32>} : memref<2x640x64xf32, #tpu.memory_space<vmem>>, vector<1x1x16xf32>,
      %get3A_845 = vector.shape_cast %get3A_844 : vector<1x1x16xf32> to vector<16xf32>
      %add3A_846 = arith.addf %add3A_837, %get3A_845 : vector<16xf32>
      %add3A_847 = arith.constant 19 : i32
      %add3A_848 = arith.addi %mul3A_128, %add3A_847 : i32
      %get3A_849 = arith.constant 1 : i32
      %get3A_850 = arith.index_cast %get3A_849 : i32 to index
      %get3A_851 = arith.index_cast %add3A_848 : i32 to index
      %get3A_852 = arith.constant 48 : index
      %get3A_853 = tpu.vector_load %arg9[%get3A_850, %get3A_851, %get3A_852] {strides = array<i32>} : memref<2x640x64xf32, #tpu.memory_space<vmem>>, vector<1x1x16xf32>,
      %get3A_854 = vector.shape_cast %get3A_853 : vector<1x1x16xf32> to vector<16xf32>
      %add3A_855 = arith.addf %add3A_846, %get3A_854 : vector<16xf32>
      %add3A_856 = arith.constant 96 : i32
      %add3A_857 = arith.addi %add3A_856, %add3A_126 : i32
      %swap3A_858 = arith.index_cast %add3A_857 : i32 to index
      %swap3A_859 = arith.constant 48 : index
      %swap3A_860 = tpu.vector_load %arg10[%swap3A_858, %swap3A_859] {strides = array<i32>} : memref<128x64xf32, #tpu.memory_space<vmem>>, vector<1x16xf32>,
      %swap3A_861 = vector.shape_cast %swap3A_860 : vector<1x16xf32> to vector<16xf32>
      %swap3A_862 = vector.shape_cast %add3A_855 : vector<16xf32> to vector<1x16xf32>
      tpu.vector_store %arg10[%swap3A_858, %swap3A_859], %swap3A_862 {strides = array<i32>} : memref<128x64xf32, #tpu.memory_space<vmem>>, vector<1x16xf32>,
    }
    %scan3A_118 = arith.constant 32 : i32
    "tpu.region"() ({
      %run_scoped3A = tpu.sem_alloc : memref<!tpu.dma_semaphore, #tpu.memory_space<semaphore_mem>>
      %dma_start3A_122 = arith.constant 0 : i32
      %dma_start3A_123 = tpu.memref_slice %arg5[%mul3A_2, %dma_start3A_122] : memref<4096x64xf32, #tpu.memory_space<hbm>> -> memref<128x64xf32, #tpu.memory_space<hbm>>
      %dma_start3A_124 = arith.constant 0 : i32
      %dma_start3A_125 = tpu.memref_slice %arg5[%mul3A_2, %dma_start3A_124] : memref<4096x64xf32, #tpu.memory_space<hbm>> -> memref<128x64xf32, #tpu.memory_space<hbm>>
      tpu.enqueue_dma source(%arg10 : memref<128x64xf32, #tpu.memory_space<vmem>>) target(%dma_start3A_125 : memref<128x64xf32, #tpu.memory_space<hbm>>) target_semaphore(%run_scoped3A : memref<!tpu.dma_semaphore, #tpu.memory_space<semaphore_mem>>)
      %dma_wait3A_126 = arith.constant 0 : i32
      %dma_wait3A_127 = tpu.memref_slice %arg5[%mul3A_2, %dma_wait3A_126] : memref<4096x64xf32, #tpu.memory_space<hbm>> -> memref<128x64xf32, #tpu.memory_space<hbm>>
      %dma_wait3A_128 = arith.constant 0 : i32
      %dma_wait3A_129 = tpu.memref_slice %arg5[%mul3A_2, %dma_wait3A_128] : memref<4096x64xf32, #tpu.memory_space<hbm>> -> memref<128x64xf32, #tpu.memory_space<hbm>>
      tpu.wait_dma2 semaphore(%run_scoped3A : memref<!tpu.dma_semaphore, #tpu.memory_space<semaphore_mem>>) src(%arg10 : memref<128x64xf32, #tpu.memory_space<vmem>>) dst(%dma_wait3A_129 : memref<128x64xf32, #tpu.memory_space<hbm>>)
      tpu.yield
    }) : () -> ()
    %dma_wait3A_119 = arith.constant 0 : i32
    %dma_wait3A_120 = arith.constant 0 : i32
    %dma_wait3A_121 = tpu.memref_slice %arg2[%dma_wait3A_119, %dma_wait3A_120] : memref<1000000x64xf32, #tpu.memory_space<hbm>> -> memref<1000000x64xf32, #tpu.memory_space<hbm>>
    tpu.wait_indirect_dma semaphore(%arg14 : memref<!tpu.dma_semaphore, #tpu.memory_space<semaphore_mem>>) src(%dma_wait3A_121 : memref<1000000x64xf32, #tpu.memory_space<hbm>>) dst(%arg11 : memref<128x64xf32, #tpu.memory_space<vmem>>)
    "tpu.region"() ({
      %run_scoped3A = tpu.sem_alloc : memref<!tpu.dma_semaphore, #tpu.memory_space<semaphore_mem>>
      %dma_start3A_122 = arith.constant 0 : i32
      %dma_start3A_123 = tpu.memref_slice %arg6[%mul3A_2, %dma_start3A_122] : memref<4096x64xf32, #tpu.memory_space<hbm>> -> memref<128x64xf32, #tpu.memory_space<hbm>>
      %dma_start3A_124 = arith.constant 0 : i32
      %dma_start3A_125 = tpu.memref_slice %arg6[%mul3A_2, %dma_start3A_124] : memref<4096x64xf32, #tpu.memory_space<hbm>> -> memref<128x64xf32, #tpu.memory_space<hbm>>
      tpu.enqueue_dma source(%arg11 : memref<128x64xf32, #tpu.memory_space<vmem>>) target(%dma_start3A_125 : memref<128x64xf32, #tpu.memory_space<hbm>>) target_semaphore(%run_scoped3A : memref<!tpu.dma_semaphore, #tpu.memory_space<semaphore_mem>>)
      %dma_wait3A_126 = arith.constant 0 : i32
      %dma_wait3A_127 = tpu.memref_slice %arg6[%mul3A_2, %dma_wait3A_126] : memref<4096x64xf32, #tpu.memory_space<hbm>> -> memref<128x64xf32, #tpu.memory_space<hbm>>
      %dma_wait3A_128 = arith.constant 0 : i32
      %dma_wait3A_129 = tpu.memref_slice %arg6[%mul3A_2, %dma_wait3A_128] : memref<4096x64xf32, #tpu.memory_space<hbm>> -> memref<128x64xf32, #tpu.memory_space<hbm>>
      tpu.wait_dma2 semaphore(%run_scoped3A : memref<!tpu.dma_semaphore, #tpu.memory_space<semaphore_mem>>) src(%arg11 : memref<128x64xf32, #tpu.memory_space<vmem>>) dst(%dma_wait3A_129 : memref<128x64xf32, #tpu.memory_space<hbm>>)
      tpu.yield
    }) : () -> ()
    return
  }
}

module attributes {stable_mosaic.version = 14 : i64} {
  func.func @_tc_score_body(%arg0: i32, %arg1: memref<512x64xf32, #tpu.memory_space<vmem>>, %arg2: memref<4096x64xf32, #tpu.memory_space<vmem>>, %arg3: memref<512x4096xf32, #tpu.memory_space<vmem>>) attributes {dimension_semantics = [#tpu.dimension_semantics<arbitrary>], iteration_bounds = array<i64: 8>, scalar_prefetch = 0 : i64, scratch_operands = 0 : i64, tpu.core_type = #tpu.core_type<tc>, window_params = [{transform_indices = @transform_0, window_bounds = array<i64: 512, 64>}, {pipeline_mode = #tpu.pipeline_mode<synchronous>, transform_indices = @transform_1, window_bounds = array<i64: 4096, 64>}, {transform_indices = @transform_2, window_bounds = array<i64: 512, 4096>}]} {
    %get3A = arith.constant 0 : index
    %get3A_0 = arith.constant 0 : index
    %get3A_1 = vector.load %arg1[%get3A, %get3A_0] : memref<512x64xf32, #tpu.memory_space<vmem>>, vector<512x64xf32>
    %mul3A = arith.constant 5.000000e-02 : f32
    %mul3A_2 = vector.broadcast %mul3A : f32 to vector<512x64xf32>
    %mul3A_3 = arith.mulf %get3A_1, %mul3A_2 : vector<512x64xf32>
    %get3A_4 = arith.constant 0 : index
    %get3A_5 = arith.constant 0 : index
    %get3A_6 = vector.load %arg2[%get3A_4, %get3A_5] : memref<4096x64xf32, #tpu.memory_space<vmem>>, vector<4096x64xf32>
    %dot_general3A = arith.constant dense<0.000000e+00> : vector<512x4096xf32>
    %dot_general3A_7 = tpu.matmul %mul3A_3, %get3A_6, %dot_general3A {dimension_numbers = #tpu.dot_dimension_numbers<[1], [1], [0], [0], [0, 0, 1, 0], [], []>, transpose_lhs_hint = false} : vector<512x64xf32>, vector<4096x64xf32>, vector<512x4096xf32> -> vector<512x4096xf32>
    %min3A = arith.constant 0.000000e+00 : f32
    %min3A_8 = vector.broadcast %min3A : f32 to vector<512x4096xf32>
    %min3A_9 = arith.minimumf %dot_general3A_7, %min3A_8 : vector<512x4096xf32>
    %abs3A = math.absf %dot_general3A_7 : vector<512x4096xf32>
    %neg3A = arith.constant 0.000000e+00 : f32
    %neg3A_10 = vector.broadcast %neg3A : f32 to vector<512x4096xf32>
    %neg3A_11 = arith.subf %neg3A_10, %abs3A : vector<512x4096xf32>
    %exp3A = math.exp %neg3A_11 : vector<512x4096xf32>
    %log1p3A = math.log1p %exp3A : vector<512x4096xf32>
    %sub3A = arith.subf %min3A_9, %log1p3A : vector<512x4096xf32>
    %swap3A = arith.constant 0 : index
    %swap3A_12 = arith.constant 0 : index
    %swap3A_13 = vector.load %arg3[%swap3A, %swap3A_12] : memref<512x4096xf32, #tpu.memory_space<vmem>>, vector<512x4096xf32>
    tpu.vector_store %arg3[%swap3A, %swap3A_12], %sub3A {strides = array<i32>} : memref<512x4096xf32, #tpu.memory_space<vmem>>, vector<512x4096xf32>,
    return
  }
  func.func @transform_0(%arg0: i32) -> (i32, i32) {
    %c0_i32 = arith.constant 0 : i32
    %c0_i32_0 = arith.constant 0 : i32
    return %arg0, %c0_i32 : i32, i32
  }
  func.func @transform_1(%arg0: i32) -> (i32, i32) {
    %c0_i32 = arith.constant 0 : i32
    %c0_i32_0 = arith.constant 0 : i32
    %c0_i32_1 = arith.constant 0 : i32
    return %c0_i32, %c0_i32_0 : i32, i32
  }
  func.func @transform_2(%arg0: i32) -> (i32, i32) {
    %c0_i32 = arith.constant 0 : i32
    %c0_i32_0 = arith.constant 0 : i32
    return %arg0, %c0_i32 : i32, i32
  }
}

</mosaic_0001>

<sc_bundles>
// kernel: kernel.4.cloned.1.call-start
scs
__scs_entry_jumppad:
0x0: {  	(pc) =	sbr.rel $0x88, $3  }
0x1: {  	(tag) =	ssettag $0x0;
	lr =	simm.s32 $0x1  }
0x2: {  	[smem:$0x3F9E] =	sst lr;
	_ =	strace $0xD0000000  }
0x3: {  	_ = 	snop  }
0x4: {  	_ = 	snop  }
0x5: {  	_ = 	snop  }
0x6: {  	_ = 	snop  }
0x7: {  	_ = 	snop  }
__scs_overlays_trampoline_lowered:
0x8: {  	[smem:$0x3FAD] =	sst s0  }
0x9: {  	[smem:$0x3FAE] =	sst s1  }
0xa: {  	[smem:$0x3FAF] =	sst s2  }
0xb: {  	[smem:$0x3FB0] =	sst s3  }
0xc: {  	[smem:$0x3FB1] =	sst s4  }
0xd: {  	[smem:$0x3FB2] =	sst s5  }
0xe: {  	[smem:$0x3FB3] =	sst s6  }
0xf: {  	[smem:$0x3FB4] =	sst s7  }
0x10: {  	[smem:$0x3FB5] =	sst s8  }
0x11: {  	[smem:$0x3FB6] =	sst s9;
	s0 =	simm.s32 @!p0 $0x0  }
0x12: {  	s1 =	sld [smem:$0x3F9C];
	s0 =	simm.s32 @p0 $0x1  }
0x13: {  	[smem:$0x3FB7] =	sst s0;
	s0 =	simm.s32 @!p1 $0x0  }
0x14: {  	s2 =	sld [smem:$0x3F9B];
	s0 =	simm.s32 @p1 $0x1  }
0x15: {  	[smem:$0x3FB8] =	sst s0;
	s0 =	simm.s32 @!p2 $0x0  }
0x16: {  	s3 =	sld [smem:$0x3FDB];
	s0 =	simm.s32 @p2 $0x1  }
0x17: {  	s4 =	simm.s32 $0x1BF5;
	[smem:$0x3FBA] =	sst s0  }
0x18: {  	s0 =	sld [smem:$0x3F9D];
	_ =	swait.ge [sflag:s4], $0x0  }
0x19: {  	s7 =	sld [smem:$0x3F9E]  }
0x1a: {  	s8 =	sadd.s32 $0xFFFFE003, lr  }
0x1b: {  	s9 =	sadd.s32 $0xFFFFFEF7, lr;
	s5 =	simm.s32 $0xFFFFFFFF;
	p2 =	slt.u32 s8, $0xFFFFF086  }
0x1c: {  	p1 =	slt.u32 s9, $0xF7A;
	s5 =	simm.s32 @!p2 $0x0  }
0x1d: {  	s5 =	simm.s32 @p1 $0x1;
	p0 =	seq.s32 s7, s2  }
0x1e: {  	s7 =	smul.u32 @!p0 $0xF7A, s2;
	p2 =	seq.s32 @!p0 s5, $0x0  }
0x1f: {  	s9 =	smul.u32 $0xF7A, s1;
	s8 =	simm.s32 @!p0 $0x1BF5;
	p2 =	por !p2, p0  }
0x20: {  	[sflag:s8] =	ssyncset.s32 @!p0 $0xFFFFF086;
	s6 =	sadd.s32 @!p0 s3, s7;
	s7 =	simm.s32 @!p0 $0x108  }
0x21: {  	s3 =	sadd.s32 s3, s9;
	s6 =	sadd.s32 @!p0 $0x88, s6;
	s7 =	simm.s32 @p2 $0x1082  }
0x22: {  	[simem:s7], [sflag:s8] =	dma.local @!p0 [hbm:s6], $0xF7A  }
0x23: {  	s9 =	sor.u32 $0xD0000000, s2;
	s6 =	simm.s32 $0x108;
	_ =	swait.ge @!p0 [sflag:s8], $0x0  }
0x24: {  	s3 =	sadd.s32 $0x88, s3;
	s6 =	simm.s32 @!p1 $0x1082;
	[sflag:s4] =	ssyncset.s32 $0xFFFFF086  }
0x25: {  	[simem:s6], [sflag:s4] =	dma.local [hbm:s3], $0xF7A  }
0x26: {  	[smem:$0x3F9E] =	sst s1;
	(tag) =	ssettag s2;
	_ =	strace s9  }
0x27: {  	s1 =	sld [smem:$0x3FAE]  }
0x28: {  	s2 =	sld [smem:$0x3FAF]  }
0x29: {  	s4 =	sld [smem:$0x3FB1]  }
0x2a: {  	p0 =	seq.s32 s5, $0x0;
	s5 =	sld [smem:$0x3FB2]  }
0x2b: {  	s6 =	sld [smem:$0x3FB3]  }
0x2c: {  	s7 =	sld [smem:$0x3FB4]  }
0x2d: {  	s3 =	simm.s32 $0x108;
	s8 =	sld [smem:$0x3FB5]  }
0x2e: {  	s3 =	simm.s32 @!p0 $0x1082;
	s9 =	sld [smem:$0x3FB6]  }
0x2f: {  	lr =	sadd.s32 s0, s3;
	s0 =	sld [smem:$0x3FAD]  }
0x30: {  	s3 =	sld [smem:$0x3FB0]  }
0x31: {  	[smem:$0x3FB9] =	sst s10  }
0x32: {  	s10 =	sld [smem:$0x3FB7];
	_ =	sdelay $0x3  }
0x33: {  	p0 =	seq.s32 s10, $0x1;
	s10 =	sld [smem:$0x3FB9];
	_ =	sdelay $0x3  }
0x34: {  	[smem:$0x3FB9] =	sst s10  }
0x35: {  	s10 =	sld [smem:$0x3FB8];
	_ =	sdelay $0x3  }
0x36: {  	p1 =	seq.s32 s10, $0x1;
	s10 =	sld [smem:$0x3FB9];
	_ =	sdelay $0x3  }
0x37: {  	[smem:$0x3FB9] =	sst s10  }
0x38: {  	s10 =	sld [smem:$0x3FBA]  }
0x39: {  	_ = 	snop;
	(pc) =	sbr.ind lr, $3  }
0x3a: {  	_ = 	snop  }
0x3b: {  	_ = 	snop  }
0x3c: {  	p2 =	seq.s32 s10, $0x1;
	s10 =	sld [smem:$0x3FB9]  }
0x3d: {  	_ =	shalt  }
0x3e: {  	_ =	shalt  }
0x3f: {  	_ =	shalt  }
0x40: {  	_ =	shalt  }
0x41: {  	_ =	shalt  }
0x42: {  	_ =	shalt  }
0x43: {  	_ =	shalt  }
0x44: {  	_ =	shalt  }
0x45: {  	_ =	shalt  }
0x46: {  	_ =	shalt  }
0x47: {  	_ =	shalt  }
0x48: {  	_ =	shalt  }
0x49: {  	_ =	shalt  }
0x4a: {  	_ =	shalt  }
0x4b: {  	_ =	shalt  }
0x4c: {  	_ =	shalt  }
0x4d: {  	_ =	shalt  }
0x4e: {  	_ =	shalt  }
0x4f: {  	_ =	shalt  }
0x50: {  	_ =	shalt  }
0x51: {  	_ =	shalt  }
0x52: {  	_ =	shalt  }
0x53: {  	_ =	shalt  }
0x54: {  	_ =	shalt  }
0x55: {  	_ =	shalt  }
0x56: {  	_ =	shalt  }
0x57: {  	_ =	shalt  }
0x58: {  	_ =	shalt  }
0x59: {  	_ =	shalt  }
0x5a: {  	_ =	shalt  }
0x5b: {  	_ =	shalt  }
0x5c: {  	_ =	shalt  }
0x5d: {  	_ =	shalt  }
0x5e: {  	_ =	shalt  }
0x5f: {  	_ =	shalt  }
0x60: {  	_ =	shalt  }
0x61: {  	_ =	shalt  }
0x62: {  	_ =	shalt  }
0x63: {  	_ =	shalt  }
0x64: {  	_ =	shalt  }
0x65: {  	_ =	shalt  }
0x66: {  	_ =	shalt  }
0x67: {  	_ =	shalt  }
0x68: {  	_ =	shalt  }
0x69: {  	_ =	shalt  }
0x6a: {  	_ =	shalt  }
0x6b: {  	_ =	shalt  }
0x6c: {  	_ =	shalt  }
0x6d: {  	_ =	shalt  }
0x6e: {  	_ =	shalt  }
0x6f: {  	_ =	shalt  }
0x70: {  	_ =	shalt  }
0x71: {  	_ =	shalt  }
0x72: {  	_ =	shalt  }
0x73: {  	_ =	shalt  }
0x74: {  	_ =	shalt  }
0x75: {  	_ =	shalt  }
0x76: {  	_ =	shalt  }
0x77: {  	_ =	shalt  }
0x78: {  	_ =	shalt  }
0x79: {  	_ =	shalt  }
0x7a: {  	_ =	shalt  }
0x7b: {  	_ =	shalt  }
0x7c: {  	_ =	shalt  }
0x7d: {  	_ =	shalt  }
0x7e: {  	_ =	shalt  }
0x7f: {  	_ =	shalt  }
0x80: {  	_ =	shalt  }
0x81: {  	_ =	shalt  }
0x82: {  	_ =	shalt  }
0x83: {  	_ =	shalt  }
0x84: {  	_ =	shalt  }
0x85: {  	_ =	shalt  }
0x86: {  	_ =	shalt  }
0x87: {  	_ =	shalt  }
.Lfunc_end0:
.L_simem_size_0:
called_computation_lowered:
.L_overlay_start_0:
0x88: {  	s2 =	sld [smem:$0x3FD9]  }
0x89: {  	s3 =	sld [smem:$0x3FFE];
	_ =	sdelay $0x1  }
0x8a: {  	s1 =	srdreg.scid  }
0x8b: {  	s0 =	sand.u32 $0x1, s1  }
0x8c: {  	s17 =	sshll.u32 s0, $0xA;
	s2 =	sadd.s32 s3, s2  }
0x8d: {  	s2 =	sadd.s32 s2, s17  }
0x8e: {  	[smem:$0x3FC5] =	sst s2  }
0x8f: {  	_ = 	snop  }
0x90: {  	s2 =	sld [smem:$0x3FC8]  }
0x91: {  	s18 =	sld [smem:$0x3FD0];
	(tm) =	ssettm $0x1  }
0x92: {  	s4 =	sld [smem:$0x3FFB];
	_ =	sdelay $0x3  }
0x93: {  	_ =	strace s4  }
0x94: {  	s4 =	sld [smem:$0x3FFC];
	_ =	sdelay $0x3  }
0x95: {  	_ =	strace s4  }
0x96: {  	s4 =	sld [smem:$0x3FFD];
	_ =	sdelay $0x3  }
0x97: {  	_ =	strace s4  }
0x98: {  	_ =	strace $0x8FFFFFFF  }
0x99: {  	s19 =	sld [smem:$0x3FDB];
	_ =	sdelay $0x1  }
0x9a: {  	s5 =	simm.s32 $_scs_section_size  }
0x9b: {  	s6 =	simm.s32 $_size__tile_overlayer_lowered;
	s7 =	simm.s32 $_tile_overlayer_lowered  }
0x9c: {  	s22 =	simm.s32 $0x1BFF;
	s21 =	sshll.u32 s7, $0x1;
	s4 =	sadd.s32 s5, s19  }
0x9d: {  	s8 =	simm.s32 $0x0;
	s20 =	sshll.u32 s6, $0x1;
	s6 =	sadd.s32 s21, s4  }
0x9e: {  	[timem:s8], [sflag:s22] =	dma.local [hbm:s6], s20  }
0x9f: {  	_ =	swait.ge [sflag:s22], s20  }
0xa0: {  	s5 =	ssub.s32 $0x0, s20;
	[sflag:s22] =	ssyncset.done $0x0  }
0xa1: {  	[sflag:s22] =	ssyncadd.s32 s5;
	_ =	sdelay $0x1  }
0xa2: {  	s23 =	simm.s32 $0x1B8B  }
0xa3: {  	_ =	swait.ge [sflag:s23], $0x1  }
0xa4: {  	[sflag:s23] =	ssyncset.done $0x0  }
0xa5: {  	s25 =	simm.s32 $0x1B8E;
	s24 =	sld [smem:$0x3FFE];
	[sflag:s23] =	ssyncadd.s32 $0xFFFFFFFF  }
0xa6: {  	s26 =	simm.s32 $execute0_lowered;
	[smem:$0x3FD2] =	sst s25  }
0xa7: {  	s6 =	sshll.u32 s26, $0x1;
	_ =	strace $0x80000046;
	[dreg:$0x1] =	wrdreg $0xFFFFFFFF  }
0xa8: {  	s28 =	simm.s32 $_size_execute0_lowered;
	s4 =	sadd.s32 s4, s6;
	[dreg:$0x0] =	wrdreg $0x0  }
0xa9: {  	s6 =	sshll.u32 s28, $0x1;
	[dreg:$0x2] =	wrdreg s4  }
0xaa: {  	[dreg:$0x3] =	wrdreg s6  }
0xab: {  	[dreg:$0x4] =	wrdreg $0xC0  }
0xac: {  	_ =	task [dreg:s8], $0x5FFFF  }
0xad: {  	[dreg:$0x1] =	wrdreg $0xFFFFFFFF  }
0xae: {  	[dreg:$0x0] =	wrdreg $0x60  }
0xaf: {  	[dreg:$0x2] =	wrdreg s24  }
0xb0: {  	[dreg:$0x3] =	wrdreg s2  }
0xb1: {  	[dreg:$0x4] =	wrdreg s18  }
0xb2: {  	[dreg:$0x5] =	wrdreg $0x9  }
0xb3: {  	_ =	task.clear_ibuf [dreg:s8], $0x6FFFF;
	_ =	strace $0x90000046  }
0xb4: {  	s29 =	simm.s32 $0x9;
	_ =	strace $0x80000048  }
0xb5: {  	_ =	swait.ge [sflag:s29], $0x1  }
0xb6: {  	[sflag:s29] =	ssyncadd.s32 $0xFFFFFFFF  }
0xb7: {  	_ =	strace $0x90000048  }
0xb8: {  	_ =	sfence  }
0xb9: {  	s30 =	sld [smem:$0x0];
	_ =	sdelay $0x2  }
0xba: {  	s31 =	sshll.u32 s1, $0xD;
	s1 =	sshrl.u32 s1, $0x2  }
0xbb: {  	s3 =	sand.u32 $0x4000, s31;
	s1 =	sadd.s32 s1, s30  }
0xbc: {  	s0 =	sor.u32 s3, s0;
	s1 =	sshll.u32 s1, $0x11  }
0xbd: {  	s0 =	sor.u32 s1, s0  }
0xbe: {  	s0 =	sadd.s32 $0x8F2B, s0  }
0xbf: {  	[sflag:s0] =	ssyncadd.remote.s32 $0x1  }
0xc0: {  	_ =	sfence.sel $0xFFFF  }
0xc1: {  	[dreg:$0x0] =	wrdreg $0xFFFFFFFF;
	(pc) =	sbr.abs _section_cstart, $3  }
0xc2: {  	[dreg:$0x1] =	wrdreg $0xFFFFFFFF  }
0xc3: {  	_ =	task.clear_ibuf [dreg:s8], $0x2FFFF;
	_ =	strace $0x9FFFFFFF  }
0xc4: {  	(tm) =	ssettm $0x7FFFFFFF  }
0xc5: {  	_ =	shalt  }
tec
execute0_lowered:
.L_overlay_start_1:
0x0: {  	(tag) =	ssettag $0x1  }
0x1: {  	s4 =	rddreg [dreg:$0x0]  }
0x2: {  	s5 =	rddreg [dreg:$0x1]  }
0x3: {  	s6 =	rddreg [dreg:$0x2]  }
0x4: {  	s0 =	rddreg [dreg:$0x3]  }
0x5: {  	s3 =	srdreg.scid;
	s1 =	stileid.u32;
	s2 =	simm.s32 $0x0  }
0x6: {  	s13 =	simm.s32 $0x280;
	s14 =	simm.s32 $0xA80;
	s15 =	simm.s32 $0x1  }
0x7: {  	s16 =	simm.s32 $0xAA80;
	s17 =	simm.s32 $0x2;
	s18 =	simm.s32 $0x500  }
0x8: {  	s19 =	simm.s32 $0x780;
	s20 =	simm.s32 $0x14A80;
	s21 =	simm.s32 $0x3  }
0x9: {  	s22 =	simm.s32 $0x0;
	s7 =	sand.u32 $0x1, s3;
	s29 =	sshll.u32 s1, $0x1  }
0xa: {  	[smem:$0x7FF] =	sst s2;
	s3 =	sadd.s32 $0xF42E00, s4;
	s8 =	sor.u32 s7, s29  }
0xb: {  	_ =	strace $0x80000047;
	s7 =	ssub.s32 $0x2, s7;
	s9 =	smul.u32 $0x140, s8  }
0xc: {  	s10 =	sshll.u32 s8, $0xA;
	s30 =	sshrl.u32 s7, $0x1;
	s31 =	sshll.u32 s8, $0x4  }
0xd: {  	s11 =	sadd.s32 s10, s4;
	s12 =	ssub.s32 s7, s30;
	s5 =	sadd.s32 s5, s31  }
0xe: {  	s6 =	sadd.s32 s6, s10;
	s10 =	simm.s32 $0xA00;
	s9 =	sadd.s32 s9, s4  }
0xf: {  	s7 =	sadd.s32 $0x3200, s11;
	s8 =	smax.u32 s12, $0x1;
	s11 =	simm.s32 $0x80  }
0x10: {  	s12 =	simm.s32 $0x16A80;
	s4 =	sadd.s32 $0xA00, s9;
	s9 =	simm.s32 $0x4  }
.LBB2_1:
0x11: {  	[tilespmem:s2], [sflag:$0x4] =	stream.linear.gather [hbm4b:s4+s2], $0xA00, $0x38;
	[tilespmem:$0x18A80] =	vst v63  }
0x12: {  	_ =	swait.ge [sflag:s9], $0xA00  }
0x13: {  	[sflag:s9] =	ssyncset.done $0x0  }
0x14: {  	[sflag:s9] =	ssyncadd.s32 $0xFFFFF600  }
0x15: {  	[tilespmem:s10], [sflag:$0x4] =	stream.linear.gather [hbm4b:s5+s2], $0x80, $0x38;
	[tilespmem:$0x18A80] =	vst v63  }
0x16: {  	_ =	swait.ge [sflag:s9], $0x80  }
0x17: {  	[sflag:s9] =	ssyncset.done $0x0  }
0x18: {  	[sflag:s9] =	ssyncadd.s32 $0xFFFFFF80  }
0x19: {  	[tilespmem:s12], [sflag:$0x3] =	stream.indirect.gather [hbm4b:s3+s11], $0x40, s10, s11, $0xb8;
	[tilespmem:$0x18A80] =	vst v63  }
0x1a: {  	_ = 	snop  }
0x1b: {  	[tilespmem:s14], [sflag:$0x1] =	stream.indirect.gather [hbm4b:s3+s13], $0x40, s2, s13, $0xb8;
	[tilespmem:$0x18A80] =	vst v63  }
0x1c: {  	_ =	swait.ge [sflag:s15], $0xA000  }
0x1d: {  	[sflag:s15] =	ssyncset.done $0x0  }
0x1e: {  	s23 =	simm.s32 $0xD00;
	[sflag:s15] =	ssyncadd.s32 $0xFFFF6000  }
0x1f: {  	[tilespmem:s16], [sflag:$0x2] =	stream.indirect.gather [hbm4b:s3+s13], $0x40, s13, s13, $0xb8;
	[tilespmem:$0x18A80] =	vst v63  }
0x20: {  	v0 =	vld [tilespmem:s23+$0xFFFFFDC0]  }
0x21: {  	v1 =	vld [tilespmem:s23+$0xFFFFFD80];
	_ =	sdelay $0x1  }
0x22: {  	v2 =	vld [tilespmem:s23+$0xFFFFFE00];
	_ =	sdelay $0x1  }
0x23: {  	v3 =	vld [tilespmem:s23+$0xFFFFFE40]  }
0x24: {  	v0 =	vadd.f32 v0, v1  }
0x25: {  	v1 =	vld [tilespmem:s23+$0xFFFFFE80]  }
0x26: {  	v0 =	vadd.f32 v2, v0  }
0x27: {  	v2 =	vld [tilespmem:s23+$0xFFFFFEC0]  }
0x28: {  	v0 =	vadd.f32 v3, v0  }
0x29: {  	v3 =	vld [tilespmem:s23+$0xFFFFFF00]  }
0x2a: {  	v0 =	vadd.f32 v1, v0  }
0x2b: {  	v1 =	vld [tilespmem:s23+$0xFFFFFF40]  }
0x2c: {  	v0 =	vadd.f32 v2, v0  }
0x2d: {  	v2 =	vld [tilespmem:s23+$0xFFFFFF80]  }
0x2e: {  	v0 =	vadd.f32 v3, v0  }
0x2f: {  	v3 =	vld [tilespmem:s23+$0xFFFFFFC0]  }
0x30: {  	v0 =	vadd.f32 v1, v0  }
0x31: {  	v1 =	vld [tilespmem:s23+$0x0]  }
0x32: {  	v0 =	vadd.f32 v2, v0  }
0x33: {  	v2 =	vld [tilespmem:s23+$0x40]  }
0x34: {  	v0 =	vadd.f32 v3, v0  }
0x35: {  	v3 =	vld [tilespmem:s23+$0x80]  }
0x36: {  	v0 =	vadd.f32 v1, v0  }
0x37: {  	v1 =	vld [tilespmem:s23+$0xC0]  }
0x38: {  	v0 =	vadd.f32 v2, v0  }
0x39: {  	v2 =	vld [tilespmem:s23+$0x100]  }
0x3a: {  	v0 =	vadd.f32 v3, v0  }
0x3b: {  	v3 =	vld [tilespmem:s23+$0x140]  }
0x3c: {  	v0 =	vadd.f32 v1, v0  }
0x3d: {  	v1 =	vld [tilespmem:s23+$0x180]  }
0x3e: {  	v0 =	vadd.f32 v2, v0  }
0x3f: {  	v2 =	vld [tilespmem:s23+$0x1C0]  }
0x40: {  	v0 =	vadd.f32 v3, v0  }
0x41: {  	v3 =	vld [tilespmem:s23+$0x200]  }
0x42: {  	v0 =	vadd.f32 v1, v0  }
0x43: {  	v1 =	vld [tilespmem:s23+$0x240]  }
0x44: {  	v0 =	vadd.f32 v2, v0;
	_ =	sdelay $0x1  }
0x45: {  	v0 =	vadd.f32 v3, v0;
	_ =	sdelay $0x1  }
0x46: {  	v0 =	vadd.f32 v1, v0  }
0x47: {  	s24 =	simm.s32 $0x0  }
0x48: {  	[tilespmem:s24+$0x14A80] =	vst v0  }
0x49: {  	v0 =	vld [tilespmem:s23+$0xFFFFFD90]  }
0x4a: {  	v1 =	vld [tilespmem:s23+$0xFFFFFDD0];
	_ =	sdelay $0x1  }
0x4b: {  	v2 =	vld [tilespmem:s23+$0xFFFFFE10];
	_ =	sdelay $0x1  }
0x4c: {  	v3 =	vld [tilespmem:s23+$0xFFFFFE50]  }
0x4d: {  	v0 =	vadd.f32 v1, v0  }
0x4e: {  	v1 =	vld [tilespmem:s23+$0xFFFFFE90]  }
0x4f: {  	v0 =	vadd.f32 v2, v0  }
0x50: {  	v2 =	vld [tilespmem:s23+$0xFFFFFED0]  }
0x51: {  	v0 =	vadd.f32 v3, v0  }
0x52: {  	v3 =	vld [tilespmem:s23+$0xFFFFFF10]  }
0x53: {  	v0 =	vadd.f32 v1, v0  }
0x54: {  	v1 =	vld [tilespmem:s23+$0xFFFFFF50]  }
0x55: {  	v0 =	vadd.f32 v2, v0  }
0x56: {  	v2 =	vld [tilespmem:s23+$0xFFFFFF90]  }
0x57: {  	v0 =	vadd.f32 v3, v0  }
0x58: {  	v3 =	vld [tilespmem:s23+$0xFFFFFFD0]  }
0x59: {  	v0 =	vadd.f32 v1, v0  }
0x5a: {  	v1 =	vld [tilespmem:s23+$0x10]  }
0x5b: {  	v0 =	vadd.f32 v2, v0  }
0x5c: {  	v2 =	vld [tilespmem:s23+$0x50]  }
0x5d: {  	v0 =	vadd.f32 v3, v0  }
0x5e: {  	v3 =	vld [tilespmem:s23+$0x90]  }
0x5f: {  	v0 =	vadd.f32 v1, v0  }
0x60: {  	v1 =	vld [tilespmem:s23+$0xD0]  }
0x61: {  	v0 =	vadd.f32 v2, v0  }
0x62: {  	v2 =	vld [tilespmem:s23+$0x110]  }
0x63: {  	v0 =	vadd.f32 v3, v0  }
0x64: {  	v3 =	vld [tilespmem:s23+$0x150]  }
0x65: {  	v0 =	vadd.f32 v1, v0  }
0x66: {  	v1 =	vld [tilespmem:s23+$0x190]  }
0x67: {  	v0 =	vadd.f32 v2, v0  }
0x68: {  	v2 =	vld [tilespmem:s23+$0x1D0]  }
0x69: {  	v0 =	vadd.f32 v3, v0  }
0x6a: {  	v3 =	vld [tilespmem:s23+$0x210]  }
0x6b: {  	v0 =	vadd.f32 v1, v0  }
0x6c: {  	v1 =	vld [tilespmem:s23+$0x250]  }
0x6d: {  	v0 =	vadd.f32 v2, v0;
	_ =	sdelay $0x1  }
0x6e: {  	v0 =	vadd.f32 v3, v0;
	_ =	sdelay $0x1  }
0x6f: {  	v0 =	vadd.f32 v1, v0;
	_ =	sdelay $0x1  }
0x70: {  	[tilespmem:s24+$0x14A90] =	vst v0  }
0x71: {  	v0 =	vld [tilespmem:s23+$0xFFFFFDA0]  }
0x72: {  	v1 =	vld [tilespmem:s23+$0xFFFFFDE0];
	_ =	sdelay $0x1  }
0x73: {  	v2 =	vld [tilespmem:s23+$0xFFFFFE20];
	_ =	sdelay $0x1  }
0x74: {  	v3 =	vld [tilespmem:s23+$0xFFFFFE60]  }
0x75: {  	v0 =	vadd.f32 v1, v0  }
0x76: {  	v1 =	vld [tilespmem:s23+$0xFFFFFEA0]  }
0x77: {  	v0 =	vadd.f32 v2, v0  }
0x78: {  	v2 =	vld [tilespmem:s23+$0xFFFFFEE0]  }
0x79: {  	v0 =	vadd.f32 v3, v0  }
0x7a: {  	v3 =	vld [tilespmem:s23+$0xFFFFFF20]  }
0x7b: {  	v0 =	vadd.f32 v1, v0  }
0x7c: {  	v1 =	vld [tilespmem:s23+$0xFFFFFF60]  }
0x7d: {  	v0 =	vadd.f32 v2, v0  }
0x7e: {  	v2 =	vld [tilespmem:s23+$0xFFFFFFA0]  }
0x7f: {  	v0 =	vadd.f32 v3, v0  }
0x80: {  	v3 =	vld [tilespmem:s23+$0xFFFFFFE0]  }
0x81: {  	v0 =	vadd.f32 v1, v0  }
0x82: {  	v1 =	vld [tilespmem:s23+$0x20]  }
0x83: {  	v0 =	vadd.f32 v2, v0  }
0x84: {  	v2 =	vld [tilespmem:s23+$0x60]  }
0x85: {  	v0 =	vadd.f32 v3, v0  }
0x86: {  	v3 =	vld [tilespmem:s23+$0xA0]  }
0x87: {  	v0 =	vadd.f32 v1, v0  }
0x88: {  	v1 =	vld [tilespmem:s23+$0xE0]  }
0x89: {  	v0 =	vadd.f32 v2, v0  }
0x8a: {  	v2 =	vld [tilespmem:s23+$0x120]  }
0x8b: {  	v0 =	vadd.f32 v3, v0  }
0x8c: {  	v3 =	vld [tilespmem:s23+$0x160]  }
0x8d: {  	v0 =	vadd.f32 v1, v0  }
0x8e: {  	v1 =	vld [tilespmem:s23+$0x1A0]  }
0x8f: {  	v0 =	vadd.f32 v2, v0  }
0x90: {  	v2 =	vld [tilespmem:s23+$0x1E0]  }
0x91: {  	v0 =	vadd.f32 v3, v0  }
0x92: {  	v3 =	vld [tilespmem:s23+$0x220]  }
0x93: {  	v0 =	vadd.f32 v1, v0  }
0x94: {  	v1 =	vld [tilespmem:s23+$0x260]  }
0x95: {  	v0 =	vadd.f32 v2, v0;
	_ =	sdelay $0x1  }
0x96: {  	v0 =	vadd.f32 v3, v0;
	_ =	sdelay $0x1  }
0x97: {  	v0 =	vadd.f32 v1, v0;
	_ =	sdelay $0x1  }
0x98: {  	[tilespmem:s24+$0x14AA0] =	vst v0  }
0x99: {  	v0 =	vld [tilespmem:s23+$0xFFFFFDB0]  }
0x9a: {  	v1 =	vld [tilespmem:s23+$0xFFFFFDF0];
	_ =	sdelay $0x1  }
0x9b: {  	v2 =	vld [tilespmem:s23+$0xFFFFFE30];
	_ =	sdelay $0x1  }
0x9c: {  	v3 =	vld [tilespmem:s23+$0xFFFFFE70]  }
0x9d: {  	v0 =	vadd.f32 v1, v0  }
0x9e: {  	v1 =	vld [tilespmem:s23+$0xFFFFFEB0]  }
0x9f: {  	v0 =	vadd.f32 v2, v0  }
0xa0: {  	v2 =	vld [tilespmem:s23+$0xFFFFFEF0]  }
0xa1: {  	v0 =	vadd.f32 v3, v0  }
0xa2: {  	v3 =	vld [tilespmem:s23+$0xFFFFFF30]  }
0xa3: {  	v0 =	vadd.f32 v1, v0  }
0xa4: {  	v1 =	vld [tilespmem:s23+$0xFFFFFF70]  }
0xa5: {  	v0 =	vadd.f32 v2, v0  }
0xa6: {  	v2 =	vld [tilespmem:s23+$0xFFFFFFB0]  }
0xa7: {  	v0 =	vadd.f32 v3, v0  }
0xa8: {  	v3 =	vld [tilespmem:s23+$0xFFFFFFF0]  }
0xa9: {  	v0 =	vadd.f32 v1, v0  }
0xaa: {  	v1 =	vld [tilespmem:s23+$0x30]  }
0xab: {  	v0 =	vadd.f32 v2, v0  }
0xac: {  	v2 =	vld [tilespmem:s23+$0x70]  }
0xad: {  	v0 =	vadd.f32 v3, v0  }
0xae: {  	v3 =	vld [tilespmem:s23+$0xB0]  }
0xaf: {  	v0 =	vadd.f32 v1, v0  }
0xb0: {  	v1 =	vld [tilespmem:s23+$0xF0]  }
0xb1: {  	v0 =	vadd.f32 v2, v0  }
0xb2: {  	v2 =	vld [tilespmem:s23+$0x130]  }
0xb3: {  	v0 =	vadd.f32 v3, v0  }
0xb4: {  	v3 =	vld [tilespmem:s23+$0x170]  }
0xb5: {  	v0 =	vadd.f32 v1, v0  }
0xb6: {  	v1 =	vld [tilespmem:s23+$0x1B0]  }
0xb7: {  	v0 =	vadd.f32 v2, v0;
	_ =	sdelay $0x1  }
0xb8: {  	v2 =	vld [tilespmem:s23+$0x1F0];
	v0 =	vadd.f32 v3, v0;
	_ =	sdelay $0x1  }
0xb9: {  	v3 =	vadd.f32 v1, v0;
	v1 =	vld [tilespmem:s23+$0x230];
	_ =	sdelay $0x1  }
0xba: {  	v0 =	vld [tilespmem:s23+$0x270]  }
0xbb: {  	s25 =	simm.s32 $0x100;
	v2 =	vadd.f32 v2, v3  }
.LBB2_2:
0xbc: {  	p0 =	sne.s32 s25, $0x1F00  }
0xbd: {  	s23 =	sadd.s32 $0x500, s23;
	s26 =	smov.u32 s25;
	s25 =	sadd.s32 $0x100, s25;
	v1 =	vadd.f32 v1, v2  }
0xbe: {  	_ = 	snop  }
0xbf: {  	v0 =	vadd.f32 v0, v1;
	_ =	sdelay $0x1  }
0xc0: {  	[tilespmem:s24+$0x14AB0] =	vst v0  }
0xc1: {  	v0 =	vld [tilespmem:s23+$0xFFFFFDC0]  }
0xc2: {  	v1 =	vld [tilespmem:s23+$0xFFFFFD80];
	_ =	sdelay $0x1  }
0xc3: {  	v2 =	vld [tilespmem:s23+$0xFFFFFE00];
	_ =	sdelay $0x1  }
0xc4: {  	v3 =	vld [tilespmem:s23+$0xFFFFFE40]  }
0xc5: {  	v0 =	vadd.f32 v0, v1  }
0xc6: {  	v1 =	vld [tilespmem:s23+$0xFFFFFE80]  }
0xc7: {  	v0 =	vadd.f32 v2, v0  }
0xc8: {  	v2 =	vld [tilespmem:s23+$0xFFFFFEC0]  }
0xc9: {  	v0 =	vadd.f32 v3, v0  }
0xca: {  	v3 =	vld [tilespmem:s23+$0xFFFFFF00]  }
0xcb: {  	v0 =	vadd.f32 v1, v0  }
0xcc: {  	v1 =	vld [tilespmem:s23+$0xFFFFFF40]  }
0xcd: {  	v0 =	vadd.f32 v2, v0  }
0xce: {  	v2 =	vld [tilespmem:s23+$0xFFFFFF80]  }
0xcf: {  	v0 =	vadd.f32 v3, v0  }
0xd0: {  	v3 =	vld [tilespmem:s23+$0xFFFFFFC0]  }
0xd1: {  	v0 =	vadd.f32 v1, v0  }
0xd2: {  	v1 =	vld [tilespmem:s23+$0x0]  }
0xd3: {  	v0 =	vadd.f32 v2, v0  }
0xd4: {  	v2 =	vld [tilespmem:s23+$0x40]  }
0xd5: {  	v0 =	vadd.f32 v3, v0  }
0xd6: {  	v3 =	vld [tilespmem:s23+$0x80]  }
0xd7: {  	v0 =	vadd.f32 v1, v0  }
0xd8: {  	v1 =	vld [tilespmem:s23+$0xC0]  }
0xd9: {  	v0 =	vadd.f32 v2, v0  }
0xda: {  	v2 =	vld [tilespmem:s23+$0x100]  }
0xdb: {  	v0 =	vadd.f32 v3, v0  }
0xdc: {  	v3 =	vld [tilespmem:s23+$0x140]  }
0xdd: {  	v0 =	vadd.f32 v1, v0  }
0xde: {  	v1 =	vld [tilespmem:s23+$0x180]  }
0xdf: {  	v0 =	vadd.f32 v2, v0  }
0xe0: {  	v2 =	vld [tilespmem:s23+$0x1C0]  }
0xe1: {  	v0 =	vadd.f32 v3, v0  }
0xe2: {  	v3 =	vld [tilespmem:s23+$0x200]  }
0xe3: {  	v0 =	vadd.f32 v1, v0  }
0xe4: {  	v1 =	vld [tilespmem:s23+$0x240]  }
0xe5: {  	v0 =	vadd.f32 v2, v0;
	_ =	sdelay $0x1  }
0xe6: {  	v0 =	vadd.f32 v3, v0;
	_ =	sdelay $0x1  }
0xe7: {  	v0 =	vadd.f32 v1, v0  }
0xe8: {  	s24 =	sshra.s32 s26, $0x2  }
0xe9: {  	[tilespmem:s24+$0x14A80] =	vst v0  }
0xea: {  	v0 =	vld [tilespmem:s23+$0xFFFFFD90]  }
0xeb: {  	v1 =	vld [tilespmem:s23+$0xFFFFFDD0];
	_ =	sdelay $0x1  }
0xec: {  	v2 =	vld [tilespmem:s23+$0xFFFFFE10];
	_ =	sdelay $0x1  }
0xed: {  	v3 =	vld [tilespmem:s23+$0xFFFFFE50]  }
0xee: {  	v0 =	vadd.f32 v1, v0  }
0xef: {  	v1 =	vld [tilespmem:s23+$0xFFFFFE90]  }
0xf0: {  	v0 =	vadd.f32 v2, v0  }
0xf1: {  	v2 =	vld [tilespmem:s23+$0xFFFFFED0]  }
0xf2: {  	v0 =	vadd.f32 v3, v0  }
0xf3: {  	v3 =	vld [tilespmem:s23+$0xFFFFFF10]  }
0xf4: {  	v0 =	vadd.f32 v1, v0  }
0xf5: {  	v1 =	vld [tilespmem:s23+$0xFFFFFF50]  }
0xf6: {  	v0 =	vadd.f32 v2, v0  }
0xf7: {  	v2 =	vld [tilespmem:s23+$0xFFFFFF90]  }
0xf8: {  	v0 =	vadd.f32 v3, v0  }
0xf9: {  	v3 =	vld [tilespmem:s23+$0xFFFFFFD0]  }
0xfa: {  	v0 =	vadd.f32 v1, v0  }
0xfb: {  	v1 =	vld [tilespmem:s23+$0x10]  }
0xfc: {  	v0 =	vadd.f32 v2, v0  }
0xfd: {  	v2 =	vld [tilespmem:s23+$0x50]  }
0xfe: {  	v0 =	vadd.f32 v3, v0  }
0xff: {  	v3 =	vld [tilespmem:s23+$0x90]  }
0x100: {  	v0 =	vadd.f32 v1, v0  }
0x101: {  	v1 =	vld [tilespmem:s23+$0xD0]  }
0x102: {  	v0 =	vadd.f32 v2, v0  }
0x103: {  	v2 =	vld [tilespmem:s23+$0x110]  }
0x104: {  	v0 =	vadd.f32 v3, v0  }
0x105: {  	v3 =	vld [tilespmem:s23+$0x150]  }
0x106: {  	v0 =	vadd.f32 v1, v0  }
0x107: {  	v1 =	vld [tilespmem:s23+$0x190]  }
0x108: {  	v0 =	vadd.f32 v2, v0  }
0x109: {  	v2 =	vld [tilespmem:s23+$0x1D0]  }
0x10a: {  	v0 =	vadd.f32 v3, v0  }
0x10b: {  	v3 =	vld [tilespmem:s23+$0x210]  }
0x10c: {  	v0 =	vadd.f32 v1, v0  }
0x10d: {  	v1 =	vld [tilespmem:s23+$0x250]  }
0x10e: {  	v0 =	vadd.f32 v2, v0;
	_ =	sdelay $0x1  }
0x10f: {  	v0 =	vadd.f32 v3, v0;
	_ =	sdelay $0x1  }
0x110: {  	v0 =	vadd.f32 v1, v0;
	_ =	sdelay $0x1  }
0x111: {  	[tilespmem:s24+$0x14A90] =	vst v0  }
0x112: {  	v0 =	vld [tilespmem:s23+$0xFFFFFDA0]  }
0x113: {  	v1 =	vld [tilespmem:s23+$0xFFFFFDE0];
	_ =	sdelay $0x1  }
0x114: {  	v2 =	vld [tilespmem:s23+$0xFFFFFE20];
	_ =	sdelay $0x1  }
0x115: {  	v3 =	vld [tilespmem:s23+$0xFFFFFE60]  }
0x116: {  	v0 =	vadd.f32 v1, v0  }
0x117: {  	v1 =	vld [tilespmem:s23+$0xFFFFFEA0]  }
0x118: {  	v0 =	vadd.f32 v2, v0  }
0x119: {  	v2 =	vld [tilespmem:s23+$0xFFFFFEE0]  }
0x11a: {  	v0 =	vadd.f32 v3, v0  }
0x11b: {  	v3 =	vld [tilespmem:s23+$0xFFFFFF20]  }
0x11c: {  	v0 =	vadd.f32 v1, v0  }
0x11d: {  	v1 =	vld [tilespmem:s23+$0xFFFFFF60]  }
0x11e: {  	v0 =	vadd.f32 v2, v0  }
0x11f: {  	v2 =	vld [tilespmem:s23+$0xFFFFFFA0]  }
0x120: {  	v0 =	vadd.f32 v3, v0  }
0x121: {  	v3 =	vld [tilespmem:s23+$0xFFFFFFE0]  }
0x122: {  	v0 =	vadd.f32 v1, v0  }
0x123: {  	v1 =	vld [tilespmem:s23+$0x20]  }
0x124: {  	v0 =	vadd.f32 v2, v0  }
0x125: {  	v2 =	vld [tilespmem:s23+$0x60]  }
0x126: {  	v0 =	vadd.f32 v3, v0  }
0x127: {  	v3 =	vld [tilespmem:s23+$0xA0]  }
0x128: {  	v0 =	vadd.f32 v1, v0  }
0x129: {  	v1 =	vld [tilespmem:s23+$0xE0]  }
0x12a: {  	v0 =	vadd.f32 v2, v0  }
0x12b: {  	v2 =	vld [tilespmem:s23+$0x120]  }
0x12c: {  	v0 =	vadd.f32 v3, v0  }
0x12d: {  	v3 =	vld [tilespmem:s23+$0x160]  }
0x12e: {  	v0 =	vadd.f32 v1, v0  }
0x12f: {  	v1 =	vld [tilespmem:s23+$0x1A0]  }
0x130: {  	v0 =	vadd.f32 v2, v0  }
0x131: {  	v2 =	vld [tilespmem:s23+$0x1E0]  }
0x132: {  	v0 =	vadd.f32 v3, v0  }
0x133: {  	v3 =	vld [tilespmem:s23+$0x220]  }
0x134: {  	v0 =	vadd.f32 v1, v0  }
0x135: {  	v1 =	vld [tilespmem:s23+$0x260]  }
0x136: {  	v0 =	vadd.f32 v2, v0;
	_ =	sdelay $0x1  }
0x137: {  	v0 =	vadd.f32 v3, v0;
	_ =	sdelay $0x1  }
0x138: {  	v0 =	vadd.f32 v1, v0;
	_ =	sdelay $0x1  }
0x139: {  	[tilespmem:s24+$0x14AA0] =	vst v0  }
0x13a: {  	v0 =	vld [tilespmem:s23+$0xFFFFFDB0]  }
0x13b: {  	v1 =	vld [tilespmem:s23+$0xFFFFFDF0]  }
0x13c: {  	v2 =	vld [tilespmem:s23+$0xFFFFFE30]  }
0x13d: {  	v3 =	vld [tilespmem:s23+$0xFFFFFE70]  }
0x13e: {  	v4 =	vld [tilespmem:s23+$0xFFFFFEB0]  }
0x13f: {  	v5 =	vld [tilespmem:s23+$0xFFFFFEF0]  }
0x140: {  	v0 =	vadd.f32 v1, v0;
	v1 =	vld [tilespmem:s23+$0xFFFFFF30]  }
0x141: {  	v6 =	vld [tilespmem:s23+$0xFFFFFF70]  }
0x142: {  	v0 =	vadd.f32 v2, v0;
	v2 =	vld [tilespmem:s23+$0xFFFFFFB0]  }
0x143: {  	v7 =	vld [tilespmem:s23+$0xFFFFFFF0]  }
0x144: {  	v0 =	vadd.f32 v3, v0;
	v3 =	vld [tilespmem:s23+$0x30]  }
0x145: {  	v8 =	vld [tilespmem:s23+$0x70]  }
0x146: {  	v0 =	vadd.f32 v4, v0;
	v4 =	vld [tilespmem:s23+$0xB0]  }
0x147: {  	v9 =	vld [tilespmem:s23+$0xF0]  }
0x148: {  	v0 =	vadd.f32 v5, v0;
	v5 =	vld [tilespmem:s23+$0x130]  }
0x149: {  	v10 =	vld [tilespmem:s23+$0x170]  }
0x14a: {  	v0 =	vadd.f32 v1, v0;
	v11 =	vld [tilespmem:s23+$0x1B0]  }
0x14b: {  	v12 =	vld [tilespmem:s23+$0x1F0]  }
0x14c: {  	v6 =	vadd.f32 v6, v0;
	v1 =	vld [tilespmem:s23+$0x230]  }
0x14d: {  	v0 =	vld [tilespmem:s23+$0x270]  }
0x14e: {  	v2 =	vadd.f32 v2, v6;
	_ =	sdelay $0x1  }
0x14f: {  	v2 =	vadd.f32 v7, v2;
	_ =	sdelay $0x1  }
0x150: {  	v2 =	vadd.f32 v3, v2;
	_ =	sdelay $0x1  }
0x151: {  	v2 =	vadd.f32 v8, v2;
	_ =	sdelay $0x1  }
0x152: {  	v2 =	vadd.f32 v4, v2;
	_ =	sdelay $0x1  }
0x153: {  	v2 =	vadd.f32 v9, v2;
	_ =	sdelay $0x1  }
0x154: {  	v2 =	vadd.f32 v5, v2;
	_ =	sdelay $0x1  }
.Ltmp0:
0x155: {  	v2 =	vadd.f32 v10, v2;
	(pc) =	sbr.rel @p0 .LBB2_2-.Ltmp0, $3  }
0x156: {  	_ = 	snop  }
0x157: {  	v2 =	vadd.f32 v11, v2;
	_ =	sdelay $0x1  }
0x158: {  	v2 =	vadd.f32 v12, v2  }
0x159: {  	_ = 	snop  }
0x15a: {  	v1 =	vadd.f32 v1, v2;
	_ =	sdelay $0x1  }
0x15b: {  	v0 =	vadd.f32 v0, v1;
	_ =	sdelay $0x1  }
0x15c: {  	[tilespmem:s24+$0x14AB0] =	vst v0  }
0x15d: {  	_ =	swait.ge [sflag:s17], $0xA000  }
0x15e: {  	[sflag:s17] =	ssyncset.done $0x0  }
0x15f: {  	s25 =	simm.s32 $0x0;
	[sflag:s17] =	ssyncadd.s32 $0xFFFF6000  }
0x160: {  	[tilespmem:s14], [sflag:$0x1] =	stream.indirect.gather [hbm4b:s3+s13], $0x40, s18, s13, $0xb8;
	[tilespmem:$0x18A80] =	vst v63  }
0x161: {  	v0 =	vld [tilespmem:s25+$0xAA80]  }
0x162: {  	v1 =	vld [tilespmem:s25+$0xAAC0];
	_ =	sdelay $0x1  }
0x163: {  	v2 =	vld [tilespmem:s25+$0xAB00];
	_ =	sdelay $0x1  }
0x164: {  	v3 =	vld [tilespmem:s25+$0xAB40]  }
0x165: {  	v0 =	vadd.f32 v1, v0  }
0x166: {  	v1 =	vld [tilespmem:s25+$0xAB80]  }
0x167: {  	v0 =	vadd.f32 v2, v0  }
0x168: {  	v2 =	vld [tilespmem:s25+$0xABC0]  }
0x169: {  	v0 =	vadd.f32 v3, v0  }
0x16a: {  	v3 =	vld [tilespmem:s25+$0xAC00]  }
0x16b: {  	v0 =	vadd.f32 v1, v0  }
0x16c: {  	v1 =	vld [tilespmem:s25+$0xAC40]  }
0x16d: {  	v0 =	vadd.f32 v2, v0  }
0x16e: {  	v2 =	vld [tilespmem:s25+$0xAC80]  }
0x16f: {  	v0 =	vadd.f32 v3, v0  }
0x170: {  	v3 =	vld [tilespmem:s25+$0xACC0]  }
0x171: {  	v0 =	vadd.f32 v1, v0  }
0x172: {  	v1 =	vld [tilespmem:s25+$0xAD00]  }
0x173: {  	v0 =	vadd.f32 v2, v0  }
0x174: {  	v2 =	vld [tilespmem:s25+$0xAD40]  }
0x175: {  	v0 =	vadd.f32 v3, v0  }
0x176: {  	v3 =	vld [tilespmem:s25+$0xAD80]  }
0x177: {  	v0 =	vadd.f32 v1, v0  }
0x178: {  	v1 =	vld [tilespmem:s25+$0xADC0]  }
0x179: {  	v0 =	vadd.f32 v2, v0  }
0x17a: {  	v2 =	vld [tilespmem:s25+$0xAE00]  }
0x17b: {  	v0 =	vadd.f32 v3, v0  }
0x17c: {  	v3 =	vld [tilespmem:s25+$0xAE40]  }
0x17d: {  	v0 =	vadd.f32 v1, v0  }
0x17e: {  	v1 =	vld [tilespmem:s25+$0xAE80]  }
0x17f: {  	v0 =	vadd.f32 v2, v0  }
0x180: {  	v2 =	vld [tilespmem:s25+$0xAEC0]  }
0x181: {  	v0 =	vadd.f32 v3, v0  }
0x182: {  	v3 =	vld [tilespmem:s25+$0xAF00]  }
0x183: {  	v0 =	vadd.f32 v1, v0  }
0x184: {  	v1 =	vld [tilespmem:s25+$0xAF40]  }
0x185: {  	v0 =	vadd.f32 v2, v0;
	_ =	sdelay $0x1  }
0x186: {  	v0 =	vadd.f32 v3, v0;
	_ =	sdelay $0x1  }
0x187: {  	v0 =	vadd.f32 v1, v0  }
0x188: {  	s23 =	simm.s32 $0x152B0  }
0x189: {  	[tilespmem:s23+$0xFFFFFFD0] =	vst v0  }
0x18a: {  	v0 =	vld [tilespmem:s25+$0xAA90]  }
0x18b: {  	v1 =	vld [tilespmem:s25+$0xAAD0];
	_ =	sdelay $0x1  }
0x18c: {  	v2 =	vld [tilespmem:s25+$0xAB10];
	_ =	sdelay $0x1  }
0x18d: {  	v3 =	vld [tilespmem:s25+$0xAB50]  }
0x18e: {  	v0 =	vadd.f32 v1, v0  }
0x18f: {  	v1 =	vld [tilespmem:s25+$0xAB90]  }
0x190: {  	v0 =	vadd.f32 v2, v0  }
0x191: {  	v2 =	vld [tilespmem:s25+$0xABD0]  }
0x192: {  	v0 =	vadd.f32 v3, v0  }
0x193: {  	v3 =	vld [tilespmem:s25+$0xAC10]  }
0x194: {  	v0 =	vadd.f32 v1, v0  }
0x195: {  	v1 =	vld [tilespmem:s25+$0xAC50]  }
0x196: {  	v0 =	vadd.f32 v2, v0  }
0x197: {  	v2 =	vld [tilespmem:s25+$0xAC90]  }
0x198: {  	v0 =	vadd.f32 v3, v0  }
0x199: {  	v3 =	vld [tilespmem:s25+$0xACD0]  }
0x19a: {  	v0 =	vadd.f32 v1, v0  }
0x19b: {  	v1 =	vld [tilespmem:s25+$0xAD10]  }
0x19c: {  	v0 =	vadd.f32 v2, v0  }
0x19d: {  	v2 =	vld [tilespmem:s25+$0xAD50]  }
0x19e: {  	v0 =	vadd.f32 v3, v0  }
0x19f: {  	v3 =	vld [tilespmem:s25+$0xAD90]  }
0x1a0: {  	v0 =	vadd.f32 v1, v0  }
0x1a1: {  	v1 =	vld [tilespmem:s25+$0xADD0]  }
0x1a2: {  	v0 =	vadd.f32 v2, v0  }
0x1a3: {  	v2 =	vld [tilespmem:s25+$0xAE10]  }
0x1a4: {  	v0 =	vadd.f32 v3, v0  }
0x1a5: {  	v3 =	vld [tilespmem:s25+$0xAE50]  }
0x1a6: {  	v0 =	vadd.f32 v1, v0  }
0x1a7: {  	v1 =	vld [tilespmem:s25+$0xAE90]  }
0x1a8: {  	v0 =	vadd.f32 v2, v0  }
0x1a9: {  	v2 =	vld [tilespmem:s25+$0xAED0]  }
0x1aa: {  	v0 =	vadd.f32 v3, v0  }
0x1ab: {  	v3 =	vld [tilespmem:s25+$0xAF10]  }
0x1ac: {  	v0 =	vadd.f32 v1, v0  }
0x1ad: {  	v1 =	vld [tilespmem:s25+$0xAF50]  }
0x1ae: {  	v0 =	vadd.f32 v2, v0;
	_ =	sdelay $0x1  }
0x1af: {  	v0 =	vadd.f32 v3, v0;
	_ =	sdelay $0x1  }
0x1b0: {  	v0 =	vadd.f32 v1, v0;
	_ =	sdelay $0x1  }
0x1b1: {  	[tilespmem:s23+$0xFFFFFFE0] =	vst v0  }
0x1b2: {  	v0 =	vld [tilespmem:s25+$0xAAA0]  }
0x1b3: {  	v1 =	vld [tilespmem:s25+$0xAAE0];
	_ =	sdelay $0x1  }
0x1b4: {  	v2 =	vld [tilespmem:s25+$0xAB20];
	_ =	sdelay $0x1  }
0x1b5: {  	v3 =	vld [tilespmem:s25+$0xAB60]  }
0x1b6: {  	v0 =	vadd.f32 v1, v0  }
0x1b7: {  	v1 =	vld [tilespmem:s25+$0xABA0]  }
0x1b8: {  	v0 =	vadd.f32 v2, v0  }
0x1b9: {  	v2 =	vld [tilespmem:s25+$0xABE0]  }
0x1ba: {  	v0 =	vadd.f32 v3, v0  }
0x1bb: {  	v3 =	vld [tilespmem:s25+$0xAC20]  }
0x1bc: {  	v0 =	vadd.f32 v1, v0  }
0x1bd: {  	v1 =	vld [tilespmem:s25+$0xAC60]  }
0x1be: {  	v0 =	vadd.f32 v2, v0  }
0x1bf: {  	v2 =	vld [tilespmem:s25+$0xACA0]  }
0x1c0: {  	v0 =	vadd.f32 v3, v0  }
0x1c1: {  	v3 =	vld [tilespmem:s25+$0xACE0]  }
0x1c2: {  	v0 =	vadd.f32 v1, v0  }
0x1c3: {  	v1 =	vld [tilespmem:s25+$0xAD20]  }
0x1c4: {  	v0 =	vadd.f32 v2, v0  }
0x1c5: {  	v2 =	vld [tilespmem:s25+$0xAD60]  }
0x1c6: {  	v0 =	vadd.f32 v3, v0  }
0x1c7: {  	v3 =	vld [tilespmem:s25+$0xADA0]  }
0x1c8: {  	v0 =	vadd.f32 v1, v0  }
0x1c9: {  	v1 =	vld [tilespmem:s25+$0xADE0]  }
0x1ca: {  	v0 =	vadd.f32 v2, v0  }
0x1cb: {  	v2 =	vld [tilespmem:s25+$0xAE20]  }
0x1cc: {  	v0 =	vadd.f32 v3, v0  }
0x1cd: {  	v3 =	vld [tilespmem:s25+$0xAE60]  }
0x1ce: {  	v0 =	vadd.f32 v1, v0  }
0x1cf: {  	v1 =	vld [tilespmem:s25+$0xAEA0]  }
0x1d0: {  	v0 =	vadd.f32 v2, v0  }
0x1d1: {  	v2 =	vld [tilespmem:s25+$0xAEE0]  }
0x1d2: {  	v0 =	vadd.f32 v3, v0  }
0x1d3: {  	v3 =	vld [tilespmem:s25+$0xAF20]  }
0x1d4: {  	v0 =	vadd.f32 v1, v0  }
0x1d5: {  	v1 =	vld [tilespmem:s25+$0xAF60]  }
0x1d6: {  	v0 =	vadd.f32 v2, v0;
	_ =	sdelay $0x1  }
0x1d7: {  	v0 =	vadd.f32 v3, v0;
	_ =	sdelay $0x1  }
0x1d8: {  	v0 =	vadd.f32 v1, v0;
	_ =	sdelay $0x1  }
0x1d9: {  	[tilespmem:s23+$0xFFFFFFF0] =	vst v0  }
0x1da: {  	v0 =	vld [tilespmem:s25+$0xAAB0]  }
0x1db: {  	v1 =	vld [tilespmem:s25+$0xAAF0];
	_ =	sdelay $0x1  }
0x1dc: {  	v2 =	vld [tilespmem:s25+$0xAB30];
	_ =	sdelay $0x1  }
0x1dd: {  	v3 =	vld [tilespmem:s25+$0xAB70]  }
0x1de: {  	v0 =	vadd.f32 v1, v0  }
0x1df: {  	v1 =	vld [tilespmem:s25+$0xABB0]  }
0x1e0: {  	v0 =	vadd.f32 v2, v0  }
0x1e1: {  	v2 =	vld [tilespmem:s25+$0xABF0]  }
0x1e2: {  	v0 =	vadd.f32 v3, v0  }
0x1e3: {  	v3 =	vld [tilespmem:s25+$0xAC30]  }
0x1e4: {  	v0 =	vadd.f32 v1, v0  }
0x1e5: {  	v1 =	vld [tilespmem:s25+$0xAC70]  }
0x1e6: {  	v0 =	vadd.f32 v2, v0  }
0x1e7: {  	v2 =	vld [tilespmem:s25+$0xACB0]  }
0x1e8: {  	v0 =	vadd.f32 v3, v0  }
0x1e9: {  	v3 =	vld [tilespmem:s25+$0xACF0]  }
0x1ea: {  	v0 =	vadd.f32 v1, v0  }
0x1eb: {  	v1 =	vld [tilespmem:s25+$0xAD30]  }
0x1ec: {  	v0 =	vadd.f32 v2, v0  }
0x1ed: {  	v2 =	vld [tilespmem:s25+$0xAD70]  }
0x1ee: {  	v0 =	vadd.f32 v3, v0  }
0x1ef: {  	v3 =	vld [tilespmem:s25+$0xADB0]  }
0x1f0: {  	v0 =	vadd.f32 v1, v0  }
0x1f1: {  	v1 =	vld [tilespmem:s25+$0xADF0]  }
0x1f2: {  	v0 =	vadd.f32 v2, v0  }
0x1f3: {  	v2 =	vld [tilespmem:s25+$0xAE30]  }
0x1f4: {  	v0 =	vadd.f32 v3, v0  }
0x1f5: {  	v3 =	vld [tilespmem:s25+$0xAE70]  }
0x1f6: {  	v0 =	vadd.f32 v1, v0  }
0x1f7: {  	v1 =	vld [tilespmem:s25+$0xAEB0]  }
0x1f8: {  	v0 =	vadd.f32 v2, v0  }
0x1f9: {  	v2 =	vld [tilespmem:s25+$0xAEF0]  }
0x1fa: {  	v0 =	vadd.f32 v3, v0;
	_ =	sdelay $0x1  }
0x1fb: {  	v3 =	vadd.f32 v1, v0;
	v0 =	vld [tilespmem:s25+$0xAF30];
	_ =	sdelay $0x1  }
0x1fc: {  	s24 =	simm.s32 $0x1400;
	v1 =	vld [tilespmem:s25+$0xAF70];
	s25 =	simm.s32 $0x152B0;
	v2 =	vadd.f32 v2, v3  }
.LBB2_4:
0x1fd: {  	p0 =	sne.s32 s24, $0x26C00  }
0x1fe: {  	s23 =	sadd.s32 $0x40, s23;
	s26 =	smov.u32 s24;
	s24 =	sadd.s32 $0x1400, s24  }
0x1ff: {  	v0 =	vadd.f32 v0, v2;
	_ =	sdelay $0x1  }
0x200: {  	v0 =	vadd.f32 v1, v0  }
0x201: {  	s26 =	sshra.s32 s26, $0x2  }
0x202: {  	[tilespmem:s25+$0x0] =	vst v0;
	s25 =	smov.u32 s23  }
0x203: {  	v0 =	vld [tilespmem:s26+$0xAA80]  }
0x204: {  	v1 =	vld [tilespmem:s26+$0xAAC0];
	_ =	sdelay $0x1  }
0x205: {  	v2 =	vld [tilespmem:s26+$0xAB00];
	_ =	sdelay $0x1  }
0x206: {  	v3 =	vld [tilespmem:s26+$0xAB40]  }
0x207: {  	v0 =	vadd.f32 v1, v0  }
0x208: {  	v1 =	vld [tilespmem:s26+$0xAB80]  }
0x209: {  	v0 =	vadd.f32 v2, v0  }
0x20a: {  	v2 =	vld [tilespmem:s26+$0xABC0]  }
0x20b: {  	v0 =	vadd.f32 v3, v0  }
0x20c: {  	v3 =	vld [tilespmem:s26+$0xAC00]  }
0x20d: {  	v0 =	vadd.f32 v1, v0  }
0x20e: {  	v1 =	vld [tilespmem:s26+$0xAC40]  }
0x20f: {  	v0 =	vadd.f32 v2, v0  }
0x210: {  	v2 =	vld [tilespmem:s26+$0xAC80]  }
0x211: {  	v0 =	vadd.f32 v3, v0  }
0x212: {  	v3 =	vld [tilespmem:s26+$0xACC0]  }
0x213: {  	v0 =	vadd.f32 v1, v0  }
0x214: {  	v1 =	vld [tilespmem:s26+$0xAD00]  }
0x215: {  	v0 =	vadd.f32 v2, v0  }
0x216: {  	v2 =	vld [tilespmem:s26+$0xAD40]  }
0x217: {  	v0 =	vadd.f32 v3, v0  }
0x218: {  	v3 =	vld [tilespmem:s26+$0xAD80]  }
0x219: {  	v0 =	vadd.f32 v1, v0  }
0x21a: {  	v1 =	vld [tilespmem:s26+$0xADC0]  }
0x21b: {  	v0 =	vadd.f32 v2, v0  }
0x21c: {  	v2 =	vld [tilespmem:s26+$0xAE00]  }
0x21d: {  	v0 =	vadd.f32 v3, v0  }
0x21e: {  	v3 =	vld [tilespmem:s26+$0xAE40]  }
0x21f: {  	v0 =	vadd.f32 v1, v0  }
0x220: {  	v1 =	vld [tilespmem:s26+$0xAE80]  }
0x221: {  	v0 =	vadd.f32 v2, v0  }
0x222: {  	v2 =	vld [tilespmem:s26+$0xAEC0]  }
0x223: {  	v0 =	vadd.f32 v3, v0  }
0x224: {  	v3 =	vld [tilespmem:s26+$0xAF00]  }
0x225: {  	v0 =	vadd.f32 v1, v0  }
0x226: {  	v1 =	vld [tilespmem:s26+$0xAF40]  }
0x227: {  	v0 =	vadd.f32 v2, v0;
	_ =	sdelay $0x1  }
0x228: {  	v0 =	vadd.f32 v3, v0;
	_ =	sdelay $0x1  }
0x229: {  	v0 =	vadd.f32 v1, v0;
	_ =	sdelay $0x1  }
0x22a: {  	[tilespmem:s23+$0xFFFFFFD0] =	vst v0  }
0x22b: {  	v0 =	vld [tilespmem:s26+$0xAA90]  }
0x22c: {  	v1 =	vld [tilespmem:s26+$0xAAD0];
	_ =	sdelay $0x1  }
0x22d: {  	v2 =	vld [tilespmem:s26+$0xAB10];
	_ =	sdelay $0x1  }
0x22e: {  	v3 =	vld [tilespmem:s26+$0xAB50]  }
0x22f: {  	v0 =	vadd.f32 v1, v0  }
0x230: {  	v1 =	vld [tilespmem:s26+$0xAB90]  }
0x231: {  	v0 =	vadd.f32 v2, v0  }
0x232: {  	v2 =	vld [tilespmem:s26+$0xABD0]  }
0x233: {  	v0 =	vadd.f32 v3, v0  }
0x234: {  	v3 =	vld [tilespmem:s26+$0xAC10]  }
0x235: {  	v0 =	vadd.f32 v1, v0  }
0x236: {  	v1 =	vld [tilespmem:s26+$0xAC50]  }
0x237: {  	v0 =	vadd.f32 v2, v0  }
0x238: {  	v2 =	vld [tilespmem:s26+$0xAC90]  }
0x239: {  	v0 =	vadd.f32 v3, v0  }
0x23a: {  	v3 =	vld [tilespmem:s26+$0xACD0]  }
0x23b: {  	v0 =	vadd.f32 v1, v0  }
0x23c: {  	v1 =	vld [tilespmem:s26+$0xAD10]  }
0x23d: {  	v0 =	vadd.f32 v2, v0  }
0x23e: {  	v2 =	vld [tilespmem:s26+$0xAD50]  }
0x23f: {  	v0 =	vadd.f32 v3, v0  }
0x240: {  	v3 =	vld [tilespmem:s26+$0xAD90]  }
0x241: {  	v0 =	vadd.f32 v1, v0  }
0x242: {  	v1 =	vld [tilespmem:s26+$0xADD0]  }
0x243: {  	v0 =	vadd.f32 v2, v0  }
0x244: {  	v2 =	vld [tilespmem:s26+$0xAE10]  }
0x245: {  	v0 =	vadd.f32 v3, v0  }
0x246: {  	v3 =	vld [tilespmem:s26+$0xAE50]  }
0x247: {  	v0 =	vadd.f32 v1, v0  }
0x248: {  	v1 =	vld [tilespmem:s26+$0xAE90]  }
0x249: {  	v0 =	vadd.f32 v2, v0  }
0x24a: {  	v2 =	vld [tilespmem:s26+$0xAED0]  }
0x24b: {  	v0 =	vadd.f32 v3, v0  }
0x24c: {  	v3 =	vld [tilespmem:s26+$0xAF10]  }
0x24d: {  	v0 =	vadd.f32 v1, v0  }
0x24e: {  	v1 =	vld [tilespmem:s26+$0xAF50]  }
0x24f: {  	v0 =	vadd.f32 v2, v0;
	_ =	sdelay $0x1  }
0x250: {  	v0 =	vadd.f32 v3, v0;
	_ =	sdelay $0x1  }
0x251: {  	v0 =	vadd.f32 v1, v0;
	_ =	sdelay $0x1  }
0x252: {  	[tilespmem:s23+$0xFFFFFFE0] =	vst v0  }
0x253: {  	v0 =	vld [tilespmem:s26+$0xAAA0]  }
0x254: {  	v1 =	vld [tilespmem:s26+$0xAAE0];
	_ =	sdelay $0x1  }
0x255: {  	v2 =	vld [tilespmem:s26+$0xAB20];
	_ =	sdelay $0x1  }
0x256: {  	v3 =	vld [tilespmem:s26+$0xAB60]  }
0x257: {  	v0 =	vadd.f32 v1, v0  }
0x258: {  	v1 =	vld [tilespmem:s26+$0xABA0]  }
0x259: {  	v0 =	vadd.f32 v2, v0  }
0x25a: {  	v2 =	vld [tilespmem:s26+$0xABE0]  }
0x25b: {  	v0 =	vadd.f32 v3, v0  }
0x25c: {  	v3 =	vld [tilespmem:s26+$0xAC20]  }
0x25d: {  	v0 =	vadd.f32 v1, v0  }
0x25e: {  	v1 =	vld [tilespmem:s26+$0xAC60]  }
0x25f: {  	v0 =	vadd.f32 v2, v0  }
0x260: {  	v2 =	vld [tilespmem:s26+$0xACA0]  }
0x261: {  	v0 =	vadd.f32 v3, v0  }
0x262: {  	v3 =	vld [tilespmem:s26+$0xACE0]  }
0x263: {  	v0 =	vadd.f32 v1, v0  }
0x264: {  	v1 =	vld [tilespmem:s26+$0xAD20]  }
0x265: {  	v0 =	vadd.f32 v2, v0  }
0x266: {  	v2 =	vld [tilespmem:s26+$0xAD60]  }
0x267: {  	v0 =	vadd.f32 v3, v0  }
0x268: {  	v3 =	vld [tilespmem:s26+$0xADA0]  }
0x269: {  	v0 =	vadd.f32 v1, v0  }
0x26a: {  	v1 =	vld [tilespmem:s26+$0xADE0]  }
0x26b: {  	v0 =	vadd.f32 v2, v0  }
0x26c: {  	v2 =	vld [tilespmem:s26+$0xAE20]  }
0x26d: {  	v0 =	vadd.f32 v3, v0  }
0x26e: {  	v3 =	vld [tilespmem:s26+$0xAE60]  }
0x26f: {  	v0 =	vadd.f32 v1, v0  }
0x270: {  	v1 =	vld [tilespmem:s26+$0xAEA0]  }
0x271: {  	v0 =	vadd.f32 v2, v0  }
0x272: {  	v2 =	vld [tilespmem:s26+$0xAEE0]  }
0x273: {  	v0 =	vadd.f32 v3, v0  }
0x274: {  	v3 =	vld [tilespmem:s26+$0xAF20]  }
0x275: {  	v0 =	vadd.f32 v1, v0  }
0x276: {  	v1 =	vld [tilespmem:s26+$0xAF60]  }
0x277: {  	v0 =	vadd.f32 v2, v0;
	_ =	sdelay $0x1  }
0x278: {  	v0 =	vadd.f32 v3, v0;
	_ =	sdelay $0x1  }
0x279: {  	v0 =	vadd.f32 v1, v0;
	_ =	sdelay $0x1  }
0x27a: {  	[tilespmem:s23+$0xFFFFFFF0] =	vst v0  }
0x27b: {  	v0 =	vld [tilespmem:s26+$0xAAB0]  }
0x27c: {  	v1 =	vld [tilespmem:s26+$0xAAF0]  }
0x27d: {  	v2 =	vld [tilespmem:s26+$0xAB30]  }
0x27e: {  	v3 =	vld [tilespmem:s26+$0xAB70]  }
0x27f: {  	v4 =	vld [tilespmem:s26+$0xABB0]  }
0x280: {  	v5 =	vld [tilespmem:s26+$0xABF0]  }
0x281: {  	v0 =	vadd.f32 v1, v0;
	v1 =	vld [tilespmem:s26+$0xAC30]  }
0x282: {  	v6 =	vld [tilespmem:s26+$0xAC70]  }
0x283: {  	v0 =	vadd.f32 v2, v0;
	v2 =	vld [tilespmem:s26+$0xACB0]  }
0x284: {  	v7 =	vld [tilespmem:s26+$0xACF0]  }
0x285: {  	v0 =	vadd.f32 v3, v0;
	v3 =	vld [tilespmem:s26+$0xAD30]  }
0x286: {  	v8 =	vld [tilespmem:s26+$0xAD70]  }
0x287: {  	v0 =	vadd.f32 v4, v0;
	v4 =	vld [tilespmem:s26+$0xADB0]  }
0x288: {  	v9 =	vld [tilespmem:s26+$0xADF0]  }
0x289: {  	v0 =	vadd.f32 v5, v0;
	v5 =	vld [tilespmem:s26+$0xAE30]  }
0x28a: {  	v10 =	vld [tilespmem:s26+$0xAE70]  }
0x28b: {  	v0 =	vadd.f32 v1, v0;
	v11 =	vld [tilespmem:s26+$0xAEB0]  }
0x28c: {  	v12 =	vld [tilespmem:s26+$0xAEF0]  }
0x28d: {  	v6 =	vadd.f32 v6, v0;
	v0 =	vld [tilespmem:s26+$0xAF30]  }
0x28e: {  	v1 =	vld [tilespmem:s26+$0xAF70]  }
0x28f: {  	v2 =	vadd.f32 v2, v6;
	_ =	sdelay $0x1  }
0x290: {  	v2 =	vadd.f32 v7, v2;
	_ =	sdelay $0x1  }
0x291: {  	v2 =	vadd.f32 v3, v2;
	_ =	sdelay $0x1  }
0x292: {  	v2 =	vadd.f32 v8, v2;
	_ =	sdelay $0x1  }
0x293: {  	v2 =	vadd.f32 v4, v2;
	_ =	sdelay $0x1  }
0x294: {  	v2 =	vadd.f32 v9, v2;
	_ =	sdelay $0x1  }
0x295: {  	v2 =	vadd.f32 v5, v2;
	_ =	sdelay $0x1  }
.Ltmp1:
0x296: {  	v2 =	vadd.f32 v10, v2;
	(pc) =	sbr.rel @p0 .LBB2_4-.Ltmp1, $3  }
0x297: {  	_ = 	snop  }
0x298: {  	v2 =	vadd.f32 v11, v2;
	_ =	sdelay $0x1  }
0x299: {  	v2 =	vadd.f32 v12, v2  }
0x29a: {  	_ = 	snop  }
0x29b: {  	v0 =	vadd.f32 v0, v2;
	_ =	sdelay $0x1  }
0x29c: {  	v0 =	vadd.f32 v1, v0;
	_ =	sdelay $0x1  }
0x29d: {  	[tilespmem:s25+$0x0] =	vst v0  }
0x29e: {  	_ =	swait.ge [sflag:s15], $0xA000  }
0x29f: {  	[sflag:s15] =	ssyncset.done $0x0  }
0x2a0: {  	s23 =	simm.s32 $0xD00;
	[sflag:s15] =	ssyncadd.s32 $0xFFFF6000  }
0x2a1: {  	[tilespmem:s16], [sflag:$0x2] =	stream.indirect.gather [hbm4b:s3+s13], $0x40, s19, s13, $0xb8;
	[tilespmem:$0x18A80] =	vst v63  }
0x2a2: {  	v0 =	vld [tilespmem:s23+$0xFFFFFDC0]  }
0x2a3: {  	v1 =	vld [tilespmem:s23+$0xFFFFFD80];
	_ =	sdelay $0x1  }
0x2a4: {  	v2 =	vld [tilespmem:s23+$0xFFFFFE00];
	_ =	sdelay $0x1  }
0x2a5: {  	v3 =	vld [tilespmem:s23+$0xFFFFFE40]  }
0x2a6: {  	v0 =	vadd.f32 v0, v1  }
0x2a7: {  	v1 =	vld [tilespmem:s23+$0xFFFFFE80]  }
0x2a8: {  	v0 =	vadd.f32 v2, v0  }
0x2a9: {  	v2 =	vld [tilespmem:s23+$0xFFFFFEC0]  }
0x2aa: {  	v0 =	vadd.f32 v3, v0  }
0x2ab: {  	v3 =	vld [tilespmem:s23+$0xFFFFFF00]  }
0x2ac: {  	v0 =	vadd.f32 v1, v0  }
0x2ad: {  	v1 =	vld [tilespmem:s23+$0xFFFFFF40]  }
0x2ae: {  	v0 =	vadd.f32 v2, v0  }
0x2af: {  	v2 =	vld [tilespmem:s23+$0xFFFFFF80]  }
0x2b0: {  	v0 =	vadd.f32 v3, v0  }
0x2b1: {  	v3 =	vld [tilespmem:s23+$0xFFFFFFC0]  }
0x2b2: {  	v0 =	vadd.f32 v1, v0  }
0x2b3: {  	v1 =	vld [tilespmem:s23+$0x0]  }
0x2b4: {  	v0 =	vadd.f32 v2, v0  }
0x2b5: {  	v2 =	vld [tilespmem:s23+$0x40]  }
0x2b6: {  	v0 =	vadd.f32 v3, v0  }
0x2b7: {  	v3 =	vld [tilespmem:s23+$0x80]  }
0x2b8: {  	v0 =	vadd.f32 v1, v0  }
0x2b9: {  	v1 =	vld [tilespmem:s23+$0xC0]  }
0x2ba: {  	v0 =	vadd.f32 v2, v0  }
0x2bb: {  	v2 =	vld [tilespmem:s23+$0x100]  }
0x2bc: {  	v0 =	vadd.f32 v3, v0  }
0x2bd: {  	v3 =	vld [tilespmem:s23+$0x140]  }
0x2be: {  	v0 =	vadd.f32 v1, v0  }
0x2bf: {  	v1 =	vld [tilespmem:s23+$0x180]  }
0x2c0: {  	v0 =	vadd.f32 v2, v0  }
0x2c1: {  	v2 =	vld [tilespmem:s23+$0x1C0]  }
0x2c2: {  	v0 =	vadd.f32 v3, v0  }
0x2c3: {  	v3 =	vld [tilespmem:s23+$0x200]  }
0x2c4: {  	v0 =	vadd.f32 v1, v0  }
0x2c5: {  	v1 =	vld [tilespmem:s23+$0x240]  }
0x2c6: {  	v0 =	vadd.f32 v2, v0;
	_ =	sdelay $0x1  }
0x2c7: {  	v0 =	vadd.f32 v3, v0;
	_ =	sdelay $0x1  }
0x2c8: {  	v0 =	vadd.f32 v1, v0  }
0x2c9: {  	s24 =	simm.s32 $0x0  }
0x2ca: {  	[tilespmem:s24+$0x15A80] =	vst v0  }
0x2cb: {  	v0 =	vld [tilespmem:s23+$0xFFFFFD90]  }
0x2cc: {  	v1 =	vld [tilespmem:s23+$0xFFFFFDD0];
	_ =	sdelay $0x1  }
0x2cd: {  	v2 =	vld [tilespmem:s23+$0xFFFFFE10];
	_ =	sdelay $0x1  }
0x2ce: {  	v3 =	vld [tilespmem:s23+$0xFFFFFE50]  }
0x2cf: {  	v0 =	vadd.f32 v1, v0  }
0x2d0: {  	v1 =	vld [tilespmem:s23+$0xFFFFFE90]  }
0x2d1: {  	v0 =	vadd.f32 v2, v0  }
0x2d2: {  	v2 =	vld [tilespmem:s23+$0xFFFFFED0]  }
0x2d3: {  	v0 =	vadd.f32 v3, v0  }
0x2d4: {  	v3 =	vld [tilespmem:s23+$0xFFFFFF10]  }
0x2d5: {  	v0 =	vadd.f32 v1, v0  }
0x2d6: {  	v1 =	vld [tilespmem:s23+$0xFFFFFF50]  }
0x2d7: {  	v0 =	vadd.f32 v2, v0  }
0x2d8: {  	v2 =	vld [tilespmem:s23+$0xFFFFFF90]  }
0x2d9: {  	v0 =	vadd.f32 v3, v0  }
0x2da: {  	v3 =	vld [tilespmem:s23+$0xFFFFFFD0]  }
0x2db: {  	v0 =	vadd.f32 v1, v0  }
0x2dc: {  	v1 =	vld [tilespmem:s23+$0x10]  }
0x2dd: {  	v0 =	vadd.f32 v2, v0  }
0x2de: {  	v2 =	vld [tilespmem:s23+$0x50]  }
0x2df: {  	v0 =	vadd.f32 v3, v0  }
0x2e0: {  	v3 =	vld [tilespmem:s23+$0x90]  }
0x2e1: {  	v0 =	vadd.f32 v1, v0  }
0x2e2: {  	v1 =	vld [tilespmem:s23+$0xD0]  }
0x2e3: {  	v0 =	vadd.f32 v2, v0  }
0x2e4: {  	v2 =	vld [tilespmem:s23+$0x110]  }
0x2e5: {  	v0 =	vadd.f32 v3, v0  }
0x2e6: {  	v3 =	vld [tilespmem:s23+$0x150]  }
0x2e7: {  	v0 =	vadd.f32 v1, v0  }
0x2e8: {  	v1 =	vld [tilespmem:s23+$0x190]  }
0x2e9: {  	v0 =	vadd.f32 v2, v0  }
0x2ea: {  	v2 =	vld [tilespmem:s23+$0x1D0]  }
0x2eb: {  	v0 =	vadd.f32 v3, v0  }
0x2ec: {  	v3 =	vld [tilespmem:s23+$0x210]  }
0x2ed: {  	v0 =	vadd.f32 v1, v0  }
0x2ee: {  	v1 =	vld [tilespmem:s23+$0x250]  }
0x2ef: {  	v0 =	vadd.f32 v2, v0;
	_ =	sdelay $0x1  }
0x2f0: {  	v0 =	vadd.f32 v3, v0;
	_ =	sdelay $0x1  }
0x2f1: {  	v0 =	vadd.f32 v1, v0;
	_ =	sdelay $0x1  }
0x2f2: {  	[tilespmem:s24+$0x15A90] =	vst v0  }
0x2f3: {  	v0 =	vld [tilespmem:s23+$0xFFFFFDA0]  }
0x2f4: {  	v1 =	vld [tilespmem:s23+$0xFFFFFDE0];
	_ =	sdelay $0x1  }
0x2f5: {  	v2 =	vld [tilespmem:s23+$0xFFFFFE20];
	_ =	sdelay $0x1  }
0x2f6: {  	v3 =	vld [tilespmem:s23+$0xFFFFFE60]  }
0x2f7: {  	v0 =	vadd.f32 v1, v0  }
0x2f8: {  	v1 =	vld [tilespmem:s23+$0xFFFFFEA0]  }
0x2f9: {  	v0 =	vadd.f32 v2, v0  }
0x2fa: {  	v2 =	vld [tilespmem:s23+$0xFFFFFEE0]  }
0x2fb: {  	v0 =	vadd.f32 v3, v0  }
0x2fc: {  	v3 =	vld [tilespmem:s23+$0xFFFFFF20]  }
0x2fd: {  	v0 =	vadd.f32 v1, v0  }
0x2fe: {  	v1 =	vld [tilespmem:s23+$0xFFFFFF60]  }
0x2ff: {  	v0 =	vadd.f32 v2, v0  }
0x300: {  	v2 =	vld [tilespmem:s23+$0xFFFFFFA0]  }
0x301: {  	v0 =	vadd.f32 v3, v0  }
0x302: {  	v3 =	vld [tilespmem:s23+$0xFFFFFFE0]  }
0x303: {  	v0 =	vadd.f32 v1, v0  }
0x304: {  	v1 =	vld [tilespmem:s23+$0x20]  }
0x305: {  	v0 =	vadd.f32 v2, v0  }
0x306: {  	v2 =	vld [tilespmem:s23+$0x60]  }
0x307: {  	v0 =	vadd.f32 v3, v0  }
0x308: {  	v3 =	vld [tilespmem:s23+$0xA0]  }
0x309: {  	v0 =	vadd.f32 v1, v0  }
0x30a: {  	v1 =	vld [tilespmem:s23+$0xE0]  }
0x30b: {  	v0 =	vadd.f32 v2, v0  }
0x30c: {  	v2 =	vld [tilespmem:s23+$0x120]  }
0x30d: {  	v0 =	vadd.f32 v3, v0  }
0x30e: {  	v3 =	vld [tilespmem:s23+$0x160]  }
0x30f: {  	v0 =	vadd.f32 v1, v0  }
0x310: {  	v1 =	vld [tilespmem:s23+$0x1A0]  }
0x311: {  	v0 =	vadd.f32 v2, v0  }
0x312: {  	v2 =	vld [tilespmem:s23+$0x1E0]  }
0x313: {  	v0 =	vadd.f32 v3, v0  }
0x314: {  	v3 =	vld [tilespmem:s23+$0x220]  }
0x315: {  	v0 =	vadd.f32 v1, v0  }
0x316: {  	v1 =	vld [tilespmem:s23+$0x260]  }
0x317: {  	v0 =	vadd.f32 v2, v0;
	_ =	sdelay $0x1  }
0x318: {  	v0 =	vadd.f32 v3, v0;
	_ =	sdelay $0x1  }
0x319: {  	v0 =	vadd.f32 v1, v0;
	_ =	sdelay $0x1  }
0x31a: {  	[tilespmem:s24+$0x15AA0] =	vst v0  }
0x31b: {  	v0 =	vld [tilespmem:s23+$0xFFFFFDB0]  }
0x31c: {  	v1 =	vld [tilespmem:s23+$0xFFFFFDF0];
	_ =	sdelay $0x1  }
0x31d: {  	v2 =	vld [tilespmem:s23+$0xFFFFFE30];
	_ =	sdelay $0x1  }
0x31e: {  	v3 =	vld [tilespmem:s23+$0xFFFFFE70]  }
0x31f: {  	v0 =	vadd.f32 v1, v0  }
0x320: {  	v1 =	vld [tilespmem:s23+$0xFFFFFEB0]  }
0x321: {  	v0 =	vadd.f32 v2, v0  }
0x322: {  	v2 =	vld [tilespmem:s23+$0xFFFFFEF0]  }
0x323: {  	v0 =	vadd.f32 v3, v0  }
0x324: {  	v3 =	vld [tilespmem:s23+$0xFFFFFF30]  }
0x325: {  	v0 =	vadd.f32 v1, v0  }
0x326: {  	v1 =	vld [tilespmem:s23+$0xFFFFFF70]  }
0x327: {  	v0 =	vadd.f32 v2, v0  }
0x328: {  	v2 =	vld [tilespmem:s23+$0xFFFFFFB0]  }
0x329: {  	v0 =	vadd.f32 v3, v0  }
0x32a: {  	v3 =	vld [tilespmem:s23+$0xFFFFFFF0]  }
0x32b: {  	v0 =	vadd.f32 v1, v0  }
0x32c: {  	v1 =	vld [tilespmem:s23+$0x30]  }
0x32d: {  	v0 =	vadd.f32 v2, v0  }
0x32e: {  	v2 =	vld [tilespmem:s23+$0x70]  }
0x32f: {  	v0 =	vadd.f32 v3, v0  }
0x330: {  	v3 =	vld [tilespmem:s23+$0xB0]  }
0x331: {  	v0 =	vadd.f32 v1, v0  }
0x332: {  	v1 =	vld [tilespmem:s23+$0xF0]  }
0x333: {  	v0 =	vadd.f32 v2, v0  }
0x334: {  	v2 =	vld [tilespmem:s23+$0x130]  }
0x335: {  	v0 =	vadd.f32 v3, v0  }
0x336: {  	v3 =	vld [tilespmem:s23+$0x170]  }
0x337: {  	v0 =	vadd.f32 v1, v0  }
0x338: {  	v1 =	vld [tilespmem:s23+$0x1B0]  }
0x339: {  	v0 =	vadd.f32 v2, v0;
	_ =	sdelay $0x1  }
0x33a: {  	v2 =	vld [tilespmem:s23+$0x1F0];
	v0 =	vadd.f32 v3, v0;
	_ =	sdelay $0x1  }
0x33b: {  	v3 =	vadd.f32 v1, v0;
	v1 =	vld [tilespmem:s23+$0x230];
	_ =	sdelay $0x1  }
0x33c: {  	v0 =	vld [tilespmem:s23+$0x270]  }
0x33d: {  	s25 =	simm.s32 $0x100;
	v2 =	vadd.f32 v2, v3  }
.LBB2_6:
0x33e: {  	p0 =	sne.s32 s25, $0x1F00  }
0x33f: {  	s23 =	sadd.s32 $0x500, s23;
	s26 =	smov.u32 s25;
	s25 =	sadd.s32 $0x100, s25;
	v1 =	vadd.f32 v1, v2  }
0x340: {  	_ = 	snop  }
0x341: {  	v0 =	vadd.f32 v0, v1;
	_ =	sdelay $0x1  }
0x342: {  	[tilespmem:s24+$0x15AB0] =	vst v0  }
0x343: {  	v0 =	vld [tilespmem:s23+$0xFFFFFDC0]  }
0x344: {  	v1 =	vld [tilespmem:s23+$0xFFFFFD80];
	_ =	sdelay $0x1  }
0x345: {  	v2 =	vld [tilespmem:s23+$0xFFFFFE00];
	_ =	sdelay $0x1  }
0x346: {  	v3 =	vld [tilespmem:s23+$0xFFFFFE40]  }
0x347: {  	v0 =	vadd.f32 v0, v1  }
0x348: {  	v1 =	vld [tilespmem:s23+$0xFFFFFE80]  }
0x349: {  	v0 =	vadd.f32 v2, v0  }
0x34a: {  	v2 =	vld [tilespmem:s23+$0xFFFFFEC0]  }
0x34b: {  	v0 =	vadd.f32 v3, v0  }
0x34c: {  	v3 =	vld [tilespmem:s23+$0xFFFFFF00]  }
0x34d: {  	v0 =	vadd.f32 v1, v0  }
0x34e: {  	v1 =	vld [tilespmem:s23+$0xFFFFFF40]  }
0x34f: {  	v0 =	vadd.f32 v2, v0  }
0x350: {  	v2 =	vld [tilespmem:s23+$0xFFFFFF80]  }
0x351: {  	v0 =	vadd.f32 v3, v0  }
0x352: {  	v3 =	vld [tilespmem:s23+$0xFFFFFFC0]  }
0x353: {  	v0 =	vadd.f32 v1, v0  }
0x354: {  	v1 =	vld [tilespmem:s23+$0x0]  }
0x355: {  	v0 =	vadd.f32 v2, v0  }
0x356: {  	v2 =	vld [tilespmem:s23+$0x40]  }
0x357: {  	v0 =	vadd.f32 v3, v0  }
0x358: {  	v3 =	vld [tilespmem:s23+$0x80]  }
0x359: {  	v0 =	vadd.f32 v1, v0  }
0x35a: {  	v1 =	vld [tilespmem:s23+$0xC0]  }
0x35b: {  	v0 =	vadd.f32 v2, v0  }
0x35c: {  	v2 =	vld [tilespmem:s23+$0x100]  }
0x35d: {  	v0 =	vadd.f32 v3, v0  }
0x35e: {  	v3 =	vld [tilespmem:s23+$0x140]  }
0x35f: {  	v0 =	vadd.f32 v1, v0  }
0x360: {  	v1 =	vld [tilespmem:s23+$0x180]  }
0x361: {  	v0 =	vadd.f32 v2, v0  }
0x362: {  	v2 =	vld [tilespmem:s23+$0x1C0]  }
0x363: {  	v0 =	vadd.f32 v3, v0  }
0x364: {  	v3 =	vld [tilespmem:s23+$0x200]  }
0x365: {  	v0 =	vadd.f32 v1, v0  }
0x366: {  	v1 =	vld [tilespmem:s23+$0x240]  }
0x367: {  	v0 =	vadd.f32 v2, v0;
	_ =	sdelay $0x1  }
0x368: {  	v0 =	vadd.f32 v3, v0;
	_ =	sdelay $0x1  }
0x369: {  	v0 =	vadd.f32 v1, v0  }
0x36a: {  	s24 =	sshra.s32 s26, $0x2  }
0x36b: {  	[tilespmem:s24+$0x15A80] =	vst v0  }
0x36c: {  	v0 =	vld [tilespmem:s23+$0xFFFFFD90]  }
0x36d: {  	v1 =	vld [tilespmem:s23+$0xFFFFFDD0];
	_ =	sdelay $0x1  }
0x36e: {  	v2 =	vld [tilespmem:s23+$0xFFFFFE10];
	_ =	sdelay $0x1  }
0x36f: {  	v3 =	vld [tilespmem:s23+$0xFFFFFE50]  }
0x370: {  	v0 =	vadd.f32 v1, v0  }
0x371: {  	v1 =	vld [tilespmem:s23+$0xFFFFFE90]  }
0x372: {  	v0 =	vadd.f32 v2, v0  }
0x373: {  	v2 =	vld [tilespmem:s23+$0xFFFFFED0]  }
0x374: {  	v0 =	vadd.f32 v3, v0  }
0x375: {  	v3 =	vld [tilespmem:s23+$0xFFFFFF10]  }
0x376: {  	v0 =	vadd.f32 v1, v0  }
0x377: {  	v1 =	vld [tilespmem:s23+$0xFFFFFF50]  }
0x378: {  	v0 =	vadd.f32 v2, v0  }
0x379: {  	v2 =	vld [tilespmem:s23+$0xFFFFFF90]  }
0x37a: {  	v0 =	vadd.f32 v3, v0  }
0x37b: {  	v3 =	vld [tilespmem:s23+$0xFFFFFFD0]  }
0x37c: {  	v0 =	vadd.f32 v1, v0  }
0x37d: {  	v1 =	vld [tilespmem:s23+$0x10]  }
0x37e: {  	v0 =	vadd.f32 v2, v0  }
0x37f: {  	v2 =	vld [tilespmem:s23+$0x50]  }
0x380: {  	v0 =	vadd.f32 v3, v0  }
0x381: {  	v3 =	vld [tilespmem:s23+$0x90]  }
0x382: {  	v0 =	vadd.f32 v1, v0  }
0x383: {  	v1 =	vld [tilespmem:s23+$0xD0]  }
0x384: {  	v0 =	vadd.f32 v2, v0  }
0x385: {  	v2 =	vld [tilespmem:s23+$0x110]  }
0x386: {  	v0 =	vadd.f32 v3, v0  }
0x387: {  	v3 =	vld [tilespmem:s23+$0x150]  }
0x388: {  	v0 =	vadd.f32 v1, v0  }
0x389: {  	v1 =	vld [tilespmem:s23+$0x190]  }
0x38a: {  	v0 =	vadd.f32 v2, v0  }
0x38b: {  	v2 =	vld [tilespmem:s23+$0x1D0]  }
0x38c: {  	v0 =	vadd.f32 v3, v0  }
0x38d: {  	v3 =	vld [tilespmem:s23+$0x210]  }
0x38e: {  	v0 =	vadd.f32 v1, v0  }
0x38f: {  	v1 =	vld [tilespmem:s23+$0x250]  }
0x390: {  	v0 =	vadd.f32 v2, v0;
	_ =	sdelay $0x1  }
0x391: {  	v0 =	vadd.f32 v3, v0;
	_ =	sdelay $0x1  }
0x392: {  	v0 =	vadd.f32 v1, v0;
	_ =	sdelay $0x1  }
0x393: {  	[tilespmem:s24+$0x15A90] =	vst v0  }
0x394: {  	v0 =	vld [tilespmem:s23+$0xFFFFFDA0]  }
0x395: {  	v1 =	vld [tilespmem:s23+$0xFFFFFDE0];
	_ =	sdelay $0x1  }
0x396: {  	v2 =	vld [tilespmem:s23+$0xFFFFFE20];
	_ =	sdelay $0x1  }
0x397: {  	v3 =	vld [tilespmem:s23+$0xFFFFFE60]  }
0x398: {  	v0 =	vadd.f32 v1, v0  }
0x399: {  	v1 =	vld [tilespmem:s23+$0xFFFFFEA0]  }
0x39a: {  	v0 =	vadd.f32 v2, v0  }
0x39b: {  	v2 =	vld [tilespmem:s23+$0xFFFFFEE0]  }
0x39c: {  	v0 =	vadd.f32 v3, v0  }
0x39d: {  	v3 =	vld [tilespmem:s23+$0xFFFFFF20]  }
0x39e: {  	v0 =	vadd.f32 v1, v0  }
0x39f: {  	v1 =	vld [tilespmem:s23+$0xFFFFFF60]  }
0x3a0: {  	v0 =	vadd.f32 v2, v0  }
0x3a1: {  	v2 =	vld [tilespmem:s23+$0xFFFFFFA0]  }
0x3a2: {  	v0 =	vadd.f32 v3, v0  }
0x3a3: {  	v3 =	vld [tilespmem:s23+$0xFFFFFFE0]  }
0x3a4: {  	v0 =	vadd.f32 v1, v0  }
0x3a5: {  	v1 =	vld [tilespmem:s23+$0x20]  }
0x3a6: {  	v0 =	vadd.f32 v2, v0  }
0x3a7: {  	v2 =	vld [tilespmem:s23+$0x60]  }
0x3a8: {  	v0 =	vadd.f32 v3, v0  }
0x3a9: {  	v3 =	vld [tilespmem:s23+$0xA0]  }
0x3aa: {  	v0 =	vadd.f32 v1, v0  }
0x3ab: {  	v1 =	vld [tilespmem:s23+$0xE0]  }
0x3ac: {  	v0 =	vadd.f32 v2, v0  }
0x3ad: {  	v2 =	vld [tilespmem:s23+$0x120]  }
0x3ae: {  	v0 =	vadd.f32 v3, v0  }
0x3af: {  	v3 =	vld [tilespmem:s23+$0x160]  }
0x3b0: {  	v0 =	vadd.f32 v1, v0  }
0x3b1: {  	v1 =	vld [tilespmem:s23+$0x1A0]  }
0x3b2: {  	v0 =	vadd.f32 v2, v0  }
0x3b3: {  	v2 =	vld [tilespmem:s23+$0x1E0]  }
0x3b4: {  	v0 =	vadd.f32 v3, v0  }
0x3b5: {  	v3 =	vld [tilespmem:s23+$0x220]  }
0x3b6: {  	v0 =	vadd.f32 v1, v0  }
0x3b7: {  	v1 =	vld [tilespmem:s23+$0x260]  }
0x3b8: {  	v0 =	vadd.f32 v2, v0;
	_ =	sdelay $0x1  }
0x3b9: {  	v0 =	vadd.f32 v3, v0;
	_ =	sdelay $0x1  }
0x3ba: {  	v0 =	vadd.f32 v1, v0;
	_ =	sdelay $0x1  }
0x3bb: {  	[tilespmem:s24+$0x15AA0] =	vst v0  }
0x3bc: {  	v0 =	vld [tilespmem:s23+$0xFFFFFDB0]  }
0x3bd: {  	v1 =	vld [tilespmem:s23+$0xFFFFFDF0]  }
0x3be: {  	v2 =	vld [tilespmem:s23+$0xFFFFFE30]  }
0x3bf: {  	v3 =	vld [tilespmem:s23+$0xFFFFFE70]  }
0x3c0: {  	v4 =	vld [tilespmem:s23+$0xFFFFFEB0]  }
0x3c1: {  	v5 =	vld [tilespmem:s23+$0xFFFFFEF0]  }
0x3c2: {  	v0 =	vadd.f32 v1, v0;
	v1 =	vld [tilespmem:s23+$0xFFFFFF30]  }
0x3c3: {  	v6 =	vld [tilespmem:s23+$0xFFFFFF70]  }
0x3c4: {  	v0 =	vadd.f32 v2, v0;
	v2 =	vld [tilespmem:s23+$0xFFFFFFB0]  }
0x3c5: {  	v7 =	vld [tilespmem:s23+$0xFFFFFFF0]  }
0x3c6: {  	v0 =	vadd.f32 v3, v0;
	v3 =	vld [tilespmem:s23+$0x30]  }
0x3c7: {  	v8 =	vld [tilespmem:s23+$0x70]  }
0x3c8: {  	v0 =	vadd.f32 v4, v0;
	v4 =	vld [tilespmem:s23+$0xB0]  }
0x3c9: {  	v9 =	vld [tilespmem:s23+$0xF0]  }
0x3ca: {  	v0 =	vadd.f32 v5, v0;
	v5 =	vld [tilespmem:s23+$0x130]  }
0x3cb: {  	v10 =	vld [tilespmem:s23+$0x170]  }
0x3cc: {  	v0 =	vadd.f32 v1, v0;
	v11 =	vld [tilespmem:s23+$0x1B0]  }
0x3cd: {  	v12 =	vld [tilespmem:s23+$0x1F0]  }
0x3ce: {  	v6 =	vadd.f32 v6, v0;
	v1 =	vld [tilespmem:s23+$0x230]  }
0x3cf: {  	v0 =	vld [tilespmem:s23+$0x270]  }
0x3d0: {  	v2 =	vadd.f32 v2, v6;
	_ =	sdelay $0x1  }
0x3d1: {  	v2 =	vadd.f32 v7, v2;
	_ =	sdelay $0x1  }
0x3d2: {  	v2 =	vadd.f32 v3, v2;
	_ =	sdelay $0x1  }
0x3d3: {  	v2 =	vadd.f32 v8, v2;
	_ =	sdelay $0x1  }
0x3d4: {  	v2 =	vadd.f32 v4, v2;
	_ =	sdelay $0x1  }
0x3d5: {  	v2 =	vadd.f32 v9, v2;
	_ =	sdelay $0x1  }
0x3d6: {  	v2 =	vadd.f32 v5, v2;
	_ =	sdelay $0x1  }
.Ltmp2:
0x3d7: {  	v2 =	vadd.f32 v10, v2;
	(pc) =	sbr.rel @p0 .LBB2_6-.Ltmp2, $3  }
0x3d8: {  	_ = 	snop  }
0x3d9: {  	v2 =	vadd.f32 v11, v2;
	_ =	sdelay $0x1  }
0x3da: {  	v2 =	vadd.f32 v12, v2  }
0x3db: {  	_ = 	snop  }
0x3dc: {  	v1 =	vadd.f32 v1, v2;
	_ =	sdelay $0x1  }
0x3dd: {  	v0 =	vadd.f32 v0, v1;
	_ =	sdelay $0x1  }
0x3de: {  	[tilespmem:s24+$0x15AB0] =	vst v0  }
0x3df: {  	_ =	swait.ge [sflag:s17], $0xA000  }
0x3e0: {  	[sflag:s17] =	ssyncset.done $0x0  }
0x3e1: {  	s25 =	simm.s32 $0x0;
	[sflag:s17] =	ssyncadd.s32 $0xFFFF6000  }
0x3e2: {  	v0 =	vld [tilespmem:s25+$0xAA80]  }
0x3e3: {  	v1 =	vld [tilespmem:s25+$0xAAC0];
	_ =	sdelay $0x1  }
0x3e4: {  	v2 =	vld [tilespmem:s25+$0xAB00];
	_ =	sdelay $0x1  }
0x3e5: {  	v3 =	vld [tilespmem:s25+$0xAB40]  }
0x3e6: {  	v0 =	vadd.f32 v1, v0  }
0x3e7: {  	v1 =	vld [tilespmem:s25+$0xAB80]  }
0x3e8: {  	v0 =	vadd.f32 v2, v0  }
0x3e9: {  	v2 =	vld [tilespmem:s25+$0xABC0]  }
0x3ea: {  	v0 =	vadd.f32 v3, v0  }
0x3eb: {  	v3 =	vld [tilespmem:s25+$0xAC00]  }
0x3ec: {  	v0 =	vadd.f32 v1, v0  }
0x3ed: {  	v1 =	vld [tilespmem:s25+$0xAC40]  }
0x3ee: {  	v0 =	vadd.f32 v2, v0  }
0x3ef: {  	v2 =	vld [tilespmem:s25+$0xAC80]  }
0x3f0: {  	v0 =	vadd.f32 v3, v0  }
0x3f1: {  	v3 =	vld [tilespmem:s25+$0xACC0]  }
0x3f2: {  	v0 =	vadd.f32 v1, v0  }
0x3f3: {  	v1 =	vld [tilespmem:s25+$0xAD00]  }
0x3f4: {  	v0 =	vadd.f32 v2, v0  }
0x3f5: {  	v2 =	vld [tilespmem:s25+$0xAD40]  }
0x3f6: {  	v0 =	vadd.f32 v3, v0  }
0x3f7: {  	v3 =	vld [tilespmem:s25+$0xAD80]  }
0x3f8: {  	v0 =	vadd.f32 v1, v0  }
0x3f9: {  	v1 =	vld [tilespmem:s25+$0xADC0]  }
0x3fa: {  	v0 =	vadd.f32 v2, v0  }
0x3fb: {  	v2 =	vld [tilespmem:s25+$0xAE00]  }
0x3fc: {  	v0 =	vadd.f32 v3, v0  }
0x3fd: {  	v3 =	vld [tilespmem:s25+$0xAE40]  }
0x3fe: {  	v0 =	vadd.f32 v1, v0  }
0x3ff: {  	v1 =	vld [tilespmem:s25+$0xAE80]  }
0x400: {  	v0 =	vadd.f32 v2, v0  }
0x401: {  	v2 =	vld [tilespmem:s25+$0xAEC0]  }
0x402: {  	v0 =	vadd.f32 v3, v0  }
0x403: {  	v3 =	vld [tilespmem:s25+$0xAF00]  }
0x404: {  	v0 =	vadd.f32 v1, v0  }
0x405: {  	v1 =	vld [tilespmem:s25+$0xAF40]  }
0x406: {  	v0 =	vadd.f32 v2, v0;
	_ =	sdelay $0x1  }
0x407: {  	v0 =	vadd.f32 v3, v0;
	_ =	sdelay $0x1  }
0x408: {  	v0 =	vadd.f32 v1, v0  }
0x409: {  	s23 =	simm.s32 $0x162B0  }
0x40a: {  	[tilespmem:s23+$0xFFFFFFD0] =	vst v0  }
0x40b: {  	v0 =	vld [tilespmem:s25+$0xAA90]  }
0x40c: {  	v1 =	vld [tilespmem:s25+$0xAAD0];
	_ =	sdelay $0x1  }
0x40d: {  	v2 =	vld [tilespmem:s25+$0xAB10];
	_ =	sdelay $0x1  }
0x40e: {  	v3 =	vld [tilespmem:s25+$0xAB50]  }
0x40f: {  	v0 =	vadd.f32 v1, v0  }
0x410: {  	v1 =	vld [tilespmem:s25+$0xAB90]  }
0x411: {  	v0 =	vadd.f32 v2, v0  }
0x412: {  	v2 =	vld [tilespmem:s25+$0xABD0]  }
0x413: {  	v0 =	vadd.f32 v3, v0  }
0x414: {  	v3 =	vld [tilespmem:s25+$0xAC10]  }
0x415: {  	v0 =	vadd.f32 v1, v0  }
0x416: {  	v1 =	vld [tilespmem:s25+$0xAC50]  }
0x417: {  	v0 =	vadd.f32 v2, v0  }
0x418: {  	v2 =	vld [tilespmem:s25+$0xAC90]  }
0x419: {  	v0 =	vadd.f32 v3, v0  }
0x41a: {  	v3 =	vld [tilespmem:s25+$0xACD0]  }
0x41b: {  	v0 =	vadd.f32 v1, v0  }
0x41c: {  	v1 =	vld [tilespmem:s25+$0xAD10]  }
0x41d: {  	v0 =	vadd.f32 v2, v0  }
0x41e: {  	v2 =	vld [tilespmem:s25+$0xAD50]  }
0x41f: {  	v0 =	vadd.f32 v3, v0  }
0x420: {  	v3 =	vld [tilespmem:s25+$0xAD90]  }
0x421: {  	v0 =	vadd.f32 v1, v0  }
0x422: {  	v1 =	vld [tilespmem:s25+$0xADD0]  }
0x423: {  	v0 =	vadd.f32 v2, v0  }
0x424: {  	v2 =	vld [tilespmem:s25+$0xAE10]  }
0x425: {  	v0 =	vadd.f32 v3, v0  }
0x426: {  	v3 =	vld [tilespmem:s25+$0xAE50]  }
0x427: {  	v0 =	vadd.f32 v1, v0  }
0x428: {  	v1 =	vld [tilespmem:s25+$0xAE90]  }
0x429: {  	v0 =	vadd.f32 v2, v0  }
0x42a: {  	v2 =	vld [tilespmem:s25+$0xAED0]  }
0x42b: {  	v0 =	vadd.f32 v3, v0  }
0x42c: {  	v3 =	vld [tilespmem:s25+$0xAF10]  }
0x42d: {  	v0 =	vadd.f32 v1, v0  }
0x42e: {  	v1 =	vld [tilespmem:s25+$0xAF50]  }
0x42f: {  	v0 =	vadd.f32 v2, v0;
	_ =	sdelay $0x1  }
0x430: {  	v0 =	vadd.f32 v3, v0;
	_ =	sdelay $0x1  }
0x431: {  	v0 =	vadd.f32 v1, v0;
	_ =	sdelay $0x1  }
0x432: {  	[tilespmem:s23+$0xFFFFFFE0] =	vst v0  }
0x433: {  	v0 =	vld [tilespmem:s25+$0xAAA0]  }
0x434: {  	v1 =	vld [tilespmem:s25+$0xAAE0];
	_ =	sdelay $0x1  }
0x435: {  	v2 =	vld [tilespmem:s25+$0xAB20];
	_ =	sdelay $0x1  }
0x436: {  	v3 =	vld [tilespmem:s25+$0xAB60]  }
0x437: {  	v0 =	vadd.f32 v1, v0  }
0x438: {  	v1 =	vld [tilespmem:s25+$0xABA0]  }
0x439: {  	v0 =	vadd.f32 v2, v0  }
0x43a: {  	v2 =	vld [tilespmem:s25+$0xABE0]  }
0x43b: {  	v0 =	vadd.f32 v3, v0  }
0x43c: {  	v3 =	vld [tilespmem:s25+$0xAC20]  }
0x43d: {  	v0 =	vadd.f32 v1, v0  }
0x43e: {  	v1 =	vld [tilespmem:s25+$0xAC60]  }
0x43f: {  	v0 =	vadd.f32 v2, v0  }
0x440: {  	v2 =	vld [tilespmem:s25+$0xACA0]  }
0x441: {  	v0 =	vadd.f32 v3, v0  }
0x442: {  	v3 =	vld [tilespmem:s25+$0xACE0]  }
0x443: {  	v0 =	vadd.f32 v1, v0  }
0x444: {  	v1 =	vld [tilespmem:s25+$0xAD20]  }
0x445: {  	v0 =	vadd.f32 v2, v0  }
0x446: {  	v2 =	vld [tilespmem:s25+$0xAD60]  }
0x447: {  	v0 =	vadd.f32 v3, v0  }
0x448: {  	v3 =	vld [tilespmem:s25+$0xADA0]  }
0x449: {  	v0 =	vadd.f32 v1, v0  }
0x44a: {  	v1 =	vld [tilespmem:s25+$0xADE0]  }
0x44b: {  	v0 =	vadd.f32 v2, v0  }
0x44c: {  	v2 =	vld [tilespmem:s25+$0xAE20]  }
0x44d: {  	v0 =	vadd.f32 v3, v0  }
0x44e: {  	v3 =	vld [tilespmem:s25+$0xAE60]  }
0x44f: {  	v0 =	vadd.f32 v1, v0  }
0x450: {  	v1 =	vld [tilespmem:s25+$0xAEA0]  }
0x451: {  	v0 =	vadd.f32 v2, v0  }
0x452: {  	v2 =	vld [tilespmem:s25+$0xAEE0]  }
0x453: {  	v0 =	vadd.f32 v3, v0  }
0x454: {  	v3 =	vld [tilespmem:s25+$0xAF20]  }
0x455: {  	v0 =	vadd.f32 v1, v0  }
0x456: {  	v1 =	vld [tilespmem:s25+$0xAF60]  }
0x457: {  	v0 =	vadd.f32 v2, v0;
	_ =	sdelay $0x1  }
0x458: {  	v0 =	vadd.f32 v3, v0;
	_ =	sdelay $0x1  }
0x459: {  	v0 =	vadd.f32 v1, v0;
	_ =	sdelay $0x1  }
0x45a: {  	[tilespmem:s23+$0xFFFFFFF0] =	vst v0  }
0x45b: {  	v0 =	vld [tilespmem:s25+$0xAAB0]  }
0x45c: {  	v1 =	vld [tilespmem:s25+$0xAAF0];
	_ =	sdelay $0x1  }
0x45d: {  	v2 =	vld [tilespmem:s25+$0xAB30];
	_ =	sdelay $0x1  }
0x45e: {  	v3 =	vld [tilespmem:s25+$0xAB70]  }
0x45f: {  	v0 =	vadd.f32 v1, v0  }
0x460: {  	v1 =	vld [tilespmem:s25+$0xABB0]  }
0x461: {  	v0 =	vadd.f32 v2, v0  }
0x462: {  	v2 =	vld [tilespmem:s25+$0xABF0]  }
0x463: {  	v0 =	vadd.f32 v3, v0  }
0x464: {  	v3 =	vld [tilespmem:s25+$0xAC30]  }
0x465: {  	v0 =	vadd.f32 v1, v0  }
0x466: {  	v1 =	vld [tilespmem:s25+$0xAC70]  }
0x467: {  	v0 =	vadd.f32 v2, v0  }
0x468: {  	v2 =	vld [tilespmem:s25+$0xACB0]  }
0x469: {  	v0 =	vadd.f32 v3, v0  }
0x46a: {  	v3 =	vld [tilespmem:s25+$0xACF0]  }
0x46b: {  	v0 =	vadd.f32 v1, v0  }
0x46c: {  	v1 =	vld [tilespmem:s25+$0xAD30]  }
0x46d: {  	v0 =	vadd.f32 v2, v0  }
0x46e: {  	v2 =	vld [tilespmem:s25+$0xAD70]  }
0x46f: {  	v0 =	vadd.f32 v3, v0  }
0x470: {  	v3 =	vld [tilespmem:s25+$0xADB0]  }
0x471: {  	v0 =	vadd.f32 v1, v0  }
0x472: {  	v1 =	vld [tilespmem:s25+$0xADF0]  }
0x473: {  	v0 =	vadd.f32 v2, v0  }
0x474: {  	v2 =	vld [tilespmem:s25+$0xAE30]  }
0x475: {  	v0 =	vadd.f32 v3, v0  }
0x476: {  	v3 =	vld [tilespmem:s25+$0xAE70]  }
0x477: {  	v0 =	vadd.f32 v1, v0  }
0x478: {  	v1 =	vld [tilespmem:s25+$0xAEB0]  }
0x479: {  	v0 =	vadd.f32 v2, v0  }
0x47a: {  	v2 =	vld [tilespmem:s25+$0xAEF0]  }
0x47b: {  	v0 =	vadd.f32 v3, v0;
	_ =	sdelay $0x1  }
0x47c: {  	v3 =	vadd.f32 v1, v0;
	v0 =	vld [tilespmem:s25+$0xAF30];
	_ =	sdelay $0x1  }
0x47d: {  	s24 =	simm.s32 $0x1400;
	v1 =	vld [tilespmem:s25+$0xAF70];
	s25 =	simm.s32 $0x162B0;
	v2 =	vadd.f32 v2, v3  }
.LBB2_8:
0x47e: {  	p0 =	sne.s32 s24, $0x26C00  }
0x47f: {  	s23 =	sadd.s32 $0x40, s23;
	s26 =	smov.u32 s24;
	s24 =	sadd.s32 $0x1400, s24  }
0x480: {  	v0 =	vadd.f32 v0, v2;
	_ =	sdelay $0x1  }
0x481: {  	v0 =	vadd.f32 v1, v0  }
0x482: {  	s26 =	sshra.s32 s26, $0x2  }
0x483: {  	[tilespmem:s25+$0x0] =	vst v0;
	s25 =	smov.u32 s23  }
0x484: {  	v0 =	vld [tilespmem:s26+$0xAA80]  }
0x485: {  	v1 =	vld [tilespmem:s26+$0xAAC0];
	_ =	sdelay $0x1  }
0x486: {  	v2 =	vld [tilespmem:s26+$0xAB00];
	_ =	sdelay $0x1  }
0x487: {  	v3 =	vld [tilespmem:s26+$0xAB40]  }
0x488: {  	v0 =	vadd.f32 v1, v0  }
0x489: {  	v1 =	vld [tilespmem:s26+$0xAB80]  }
0x48a: {  	v0 =	vadd.f32 v2, v0  }
0x48b: {  	v2 =	vld [tilespmem:s26+$0xABC0]  }
0x48c: {  	v0 =	vadd.f32 v3, v0  }
0x48d: {  	v3 =	vld [tilespmem:s26+$0xAC00]  }
0x48e: {  	v0 =	vadd.f32 v1, v0  }
0x48f: {  	v1 =	vld [tilespmem:s26+$0xAC40]  }
0x490: {  	v0 =	vadd.f32 v2, v0  }
0x491: {  	v2 =	vld [tilespmem:s26+$0xAC80]  }
0x492: {  	v0 =	vadd.f32 v3, v0  }
0x493: {  	v3 =	vld [tilespmem:s26+$0xACC0]  }
0x494: {  	v0 =	vadd.f32 v1, v0  }
0x495: {  	v1 =	vld [tilespmem:s26+$0xAD00]  }
0x496: {  	v0 =	vadd.f32 v2, v0  }
0x497: {  	v2 =	vld [tilespmem:s26+$0xAD40]  }
0x498: {  	v0 =	vadd.f32 v3, v0  }
0x499: {  	v3 =	vld [tilespmem:s26+$0xAD80]  }
0x49a: {  	v0 =	vadd.f32 v1, v0  }
0x49b: {  	v1 =	vld [tilespmem:s26+$0xADC0]  }
0x49c: {  	v0 =	vadd.f32 v2, v0  }
0x49d: {  	v2 =	vld [tilespmem:s26+$0xAE00]  }
0x49e: {  	v0 =	vadd.f32 v3, v0  }
0x49f: {  	v3 =	vld [tilespmem:s26+$0xAE40]  }
0x4a0: {  	v0 =	vadd.f32 v1, v0  }
0x4a1: {  	v1 =	vld [tilespmem:s26+$0xAE80]  }
0x4a2: {  	v0 =	vadd.f32 v2, v0  }
0x4a3: {  	v2 =	vld [tilespmem:s26+$0xAEC0]  }
0x4a4: {  	v0 =	vadd.f32 v3, v0  }
0x4a5: {  	v3 =	vld [tilespmem:s26+$0xAF00]  }
0x4a6: {  	v0 =	vadd.f32 v1, v0  }
0x4a7: {  	v1 =	vld [tilespmem:s26+$0xAF40]  }
0x4a8: {  	v0 =	vadd.f32 v2, v0;
	_ =	sdelay $0x1  }
0x4a9: {  	v0 =	vadd.f32 v3, v0;
	_ =	sdelay $0x1  }
0x4aa: {  	v0 =	vadd.f32 v1, v0;
	_ =	sdelay $0x1  }
0x4ab: {  	[tilespmem:s23+$0xFFFFFFD0] =	vst v0  }
0x4ac: {  	v0 =	vld [tilespmem:s26+$0xAA90]  }
0x4ad: {  	v1 =	vld [tilespmem:s26+$0xAAD0];
	_ =	sdelay $0x1  }
0x4ae: {  	v2 =	vld [tilespmem:s26+$0xAB10];
	_ =	sdelay $0x1  }
0x4af: {  	v3 =	vld [tilespmem:s26+$0xAB50]  }
0x4b0: {  	v0 =	vadd.f32 v1, v0  }
0x4b1: {  	v1 =	vld [tilespmem:s26+$0xAB90]  }
0x4b2: {  	v0 =	vadd.f32 v2, v0  }
0x4b3: {  	v2 =	vld [tilespmem:s26+$0xABD0]  }
0x4b4: {  	v0 =	vadd.f32 v3, v0  }
0x4b5: {  	v3 =	vld [tilespmem:s26+$0xAC10]  }
0x4b6: {  	v0 =	vadd.f32 v1, v0  }
0x4b7: {  	v1 =	vld [tilespmem:s26+$0xAC50]  }
0x4b8: {  	v0 =	vadd.f32 v2, v0  }
0x4b9: {  	v2 =	vld [tilespmem:s26+$0xAC90]  }
0x4ba: {  	v0 =	vadd.f32 v3, v0  }
0x4bb: {  	v3 =	vld [tilespmem:s26+$0xACD0]  }
0x4bc: {  	v0 =	vadd.f32 v1, v0  }
0x4bd: {  	v1 =	vld [tilespmem:s26+$0xAD10]  }
0x4be: {  	v0 =	vadd.f32 v2, v0  }
0x4bf: {  	v2 =	vld [tilespmem:s26+$0xAD50]  }
0x4c0: {  	v0 =	vadd.f32 v3, v0  }
0x4c1: {  	v3 =	vld [tilespmem:s26+$0xAD90]  }
0x4c2: {  	v0 =	vadd.f32 v1, v0  }
0x4c3: {  	v1 =	vld [tilespmem:s26+$0xADD0]  }
0x4c4: {  	v0 =	vadd.f32 v2, v0  }
0x4c5: {  	v2 =	vld [tilespmem:s26+$0xAE10]  }
0x4c6: {  	v0 =	vadd.f32 v3, v0  }
0x4c7: {  	v3 =	vld [tilespmem:s26+$0xAE50]  }
0x4c8: {  	v0 =	vadd.f32 v1, v0  }
0x4c9: {  	v1 =	vld [tilespmem:s26+$0xAE90]  }
0x4ca: {  	v0 =	vadd.f32 v2, v0  }
0x4cb: {  	v2 =	vld [tilespmem:s26+$0xAED0]  }
0x4cc: {  	v0 =	vadd.f32 v3, v0  }
0x4cd: {  	v3 =	vld [tilespmem:s26+$0xAF10]  }
0x4ce: {  	v0 =	vadd.f32 v1, v0  }
0x4cf: {  	v1 =	vld [tilespmem:s26+$0xAF50]  }
0x4d0: {  	v0 =	vadd.f32 v2, v0;
	_ =	sdelay $0x1  }
0x4d1: {  	v0 =	vadd.f32 v3, v0;
	_ =	sdelay $0x1  }
0x4d2: {  	v0 =	vadd.f32 v1, v0;
	_ =	sdelay $0x1  }
0x4d3: {  	[tilespmem:s23+$0xFFFFFFE0] =	vst v0  }
0x4d4: {  	v0 =	vld [tilespmem:s26+$0xAAA0]  }
0x4d5: {  	v1 =	vld [tilespmem:s26+$0xAAE0];
	_ =	sdelay $0x1  }
0x4d6: {  	v2 =	vld [tilespmem:s26+$0xAB20];
	_ =	sdelay $0x1  }
0x4d7: {  	v3 =	vld [tilespmem:s26+$0xAB60]  }
0x4d8: {  	v0 =	vadd.f32 v1, v0  }
0x4d9: {  	v1 =	vld [tilespmem:s26+$0xABA0]  }
0x4da: {  	v0 =	vadd.f32 v2, v0  }
0x4db: {  	v2 =	vld [tilespmem:s26+$0xABE0]  }
0x4dc: {  	v0 =	vadd.f32 v3, v0  }
0x4dd: {  	v3 =	vld [tilespmem:s26+$0xAC20]  }
0x4de: {  	v0 =	vadd.f32 v1, v0  }
0x4df: {  	v1 =	vld [tilespmem:s26+$0xAC60]  }
0x4e0: {  	v0 =	vadd.f32 v2, v0  }
0x4e1: {  	v2 =	vld [tilespmem:s26+$0xACA0]  }
0x4e2: {  	v0 =	vadd.f32 v3, v0  }
0x4e3: {  	v3 =	vld [tilespmem:s26+$0xACE0]  }
0x4e4: {  	v0 =	vadd.f32 v1, v0  }
0x4e5: {  	v1 =	vld [tilespmem:s26+$0xAD20]  }
0x4e6: {  	v0 =	vadd.f32 v2, v0  }
0x4e7: {  	v2 =	vld [tilespmem:s26+$0xAD60]  }
0x4e8: {  	v0 =	vadd.f32 v3, v0  }
0x4e9: {  	v3 =	vld [tilespmem:s26+$0xADA0]  }
0x4ea: {  	v0 =	vadd.f32 v1, v0  }
0x4eb: {  	v1 =	vld [tilespmem:s26+$0xADE0]  }
0x4ec: {  	v0 =	vadd.f32 v2, v0  }
0x4ed: {  	v2 =	vld [tilespmem:s26+$0xAE20]  }
0x4ee: {  	v0 =	vadd.f32 v3, v0  }
0x4ef: {  	v3 =	vld [tilespmem:s26+$0xAE60]  }
0x4f0: {  	v0 =	vadd.f32 v1, v0  }
0x4f1: {  	v1 =	vld [tilespmem:s26+$0xAEA0]  }
0x4f2: {  	v0 =	vadd.f32 v2, v0  }
0x4f3: {  	v2 =	vld [tilespmem:s26+$0xAEE0]  }
0x4f4: {  	v0 =	vadd.f32 v3, v0  }
0x4f5: {  	v3 =	vld [tilespmem:s26+$0xAF20]  }
0x4f6: {  	v0 =	vadd.f32 v1, v0  }
0x4f7: {  	v1 =	vld [tilespmem:s26+$0xAF60]  }
0x4f8: {  	v0 =	vadd.f32 v2, v0;
	_ =	sdelay $0x1  }
0x4f9: {  	v0 =	vadd.f32 v3, v0;
	_ =	sdelay $0x1  }
0x4fa: {  	v0 =	vadd.f32 v1, v0;
	_ =	sdelay $0x1  }
0x4fb: {  	[tilespmem:s23+$0xFFFFFFF0] =	vst v0  }
0x4fc: {  	v0 =	vld [tilespmem:s26+$0xAAB0]  }
0x4fd: {  	v1 =	vld [tilespmem:s26+$0xAAF0]  }
0x4fe: {  	v2 =	vld [tilespmem:s26+$0xAB30]  }
0x4ff: {  	v3 =	vld [tilespmem:s26+$0xAB70]  }
0x500: {  	v4 =	vld [tilespmem:s26+$0xABB0]  }
0x501: {  	v5 =	vld [tilespmem:s26+$0xABF0]  }
0x502: {  	v0 =	vadd.f32 v1, v0;
	v1 =	vld [tilespmem:s26+$0xAC30]  }
0x503: {  	v6 =	vld [tilespmem:s26+$0xAC70]  }
0x504: {  	v0 =	vadd.f32 v2, v0;
	v2 =	vld [tilespmem:s26+$0xACB0]  }
0x505: {  	v7 =	vld [tilespmem:s26+$0xACF0]  }
0x506: {  	v0 =	vadd.f32 v3, v0;
	v3 =	vld [tilespmem:s26+$0xAD30]  }
0x507: {  	v8 =	vld [tilespmem:s26+$0xAD70]  }
0x508: {  	v0 =	vadd.f32 v4, v0;
	v4 =	vld [tilespmem:s26+$0xADB0]  }
0x509: {  	v9 =	vld [tilespmem:s26+$0xADF0]  }
0x50a: {  	v0 =	vadd.f32 v5, v0;
	v5 =	vld [tilespmem:s26+$0xAE30]  }
0x50b: {  	v10 =	vld [tilespmem:s26+$0xAE70]  }
0x50c: {  	v0 =	vadd.f32 v1, v0;
	v11 =	vld [tilespmem:s26+$0xAEB0]  }
0x50d: {  	v12 =	vld [tilespmem:s26+$0xAEF0]  }
0x50e: {  	v6 =	vadd.f32 v6, v0;
	v0 =	vld [tilespmem:s26+$0xAF30]  }
0x50f: {  	v1 =	vld [tilespmem:s26+$0xAF70]  }
0x510: {  	v2 =	vadd.f32 v2, v6;
	_ =	sdelay $0x1  }
0x511: {  	v2 =	vadd.f32 v7, v2;
	_ =	sdelay $0x1  }
0x512: {  	v2 =	vadd.f32 v3, v2;
	_ =	sdelay $0x1  }
0x513: {  	v2 =	vadd.f32 v8, v2;
	_ =	sdelay $0x1  }
0x514: {  	v2 =	vadd.f32 v4, v2;
	_ =	sdelay $0x1  }
0x515: {  	v2 =	vadd.f32 v9, v2;
	_ =	sdelay $0x1  }
0x516: {  	v2 =	vadd.f32 v5, v2;
	_ =	sdelay $0x1  }
.Ltmp3:
0x517: {  	v2 =	vadd.f32 v10, v2;
	(pc) =	sbr.rel @p0 .LBB2_8-.Ltmp3, $3  }
0x518: {  	_ = 	snop  }
0x519: {  	v2 =	vadd.f32 v11, v2;
	_ =	sdelay $0x1  }
0x51a: {  	v2 =	vadd.f32 v12, v2  }
0x51b: {  	_ = 	snop  }
0x51c: {  	v0 =	vadd.f32 v0, v2;
	_ =	sdelay $0x1  }
0x51d: {  	v0 =	vadd.f32 v1, v0;
	_ =	sdelay $0x1  }
0x51e: {  	[tilespmem:s25+$0x0] =	vst v0  }
0x51f: {  	[hbm4b:s6+s2] =	stream.linear.scatter [tilespmem:s20], [sflag:$0x4], $0x2000, $0x38;
	[tilespmem:$0x18A80] =	vst v63  }
0x520: {  	_ =	swait.ge [sflag:s9], $0x2000  }
0x521: {  	[sflag:s9] =	ssyncset.done $0x0  }
0x522: {  	[sflag:s9] =	ssyncadd.s32 $0xFFFFE000  }
0x523: {  	s22 =	sadd.s32 $0x1, s22;
	_ =	swait.ge [sflag:s21], $0x2000  }
0x524: {  	p0 =	sne.s32 s22, s8;
	[sflag:s21] =	ssyncset.done $0x0  }
.Ltmp4:
0x525: {  	[sflag:s21] =	ssyncadd.s32 $0xFFFFE000;
	(pc) =	sbr.rel @p0 .LBB2_1-.Ltmp4, $4  }
0x526: {  	[hbm4b:s7+s2] =	stream.linear.scatter [tilespmem:s12], [sflag:$0x4], $0x2000, $0x38;
	[tilespmem:$0x18A80] =	vst v63  }
0x527: {  	_ =	swait.ge [sflag:s9], $0x2000  }
0x528: {  	[sflag:s9] =	ssyncset.done $0x0  }
0x529: {  	[sflag:s9] =	ssyncadd.s32 $0xFFFFE000  }
0x52a: {  	_ =	sfence.sel $0x180000  }
0x52b: {  	[bflag:$0x0] =	sbarrier.arrive $0xFFFF  }
0x52c: {  	p0 =	sne.s32 s1, $0x0;
	_ =	strace $0x90000047  }
0x52d: {  	s0 =	sadd.s32 @!p0 $0x100000, s0;
	[bflag:$0x2] =	sbarrier.arrive $0xFFFF  }
0x52e: {  	[sflag:s0] =	ssyncadd.tile.s32 @!p0 $0x1;
	_ =	shalt  }
.Lfunc_end2:
_tile_overlayer_lowered:
.L_overlay_start_2:
0x52f: {  	(tag) =	ssettag $0x2  }
0x530: {  	s0 =	rddreg [dreg:$0x0];
	s2 =	stileid.u32  }
0x531: {  	s1 =	rddreg [dreg:$0x1];
	p0 =	sne.s32 s2, $0x0  }
0x532: {  	s3 =	rddreg [dreg:$0x2];
	[bflag:$0x3] =	sbarrier.arrive $0xFFFF;
	s2 =	simm.s32 @!p0 $0x1C04  }
0x533: {  	[timem:s3], [sflag:s2] =	dma.local @!p0 [hbm:s0], s1  }
0x534: {  	s0 =	simm.s32 @!p0 $0x4  }
0x535: {  	_ =	swait.ge @!p0 [sflag:s0], s1  }
0x536: {  	s1 =	ssub.s32 @!p0 $0x0, s1;
	[sflag:s0] =	ssyncset.done @!p0 $0x0  }
0x537: {  	[sflag:s0] =	ssyncadd.s32 @!p0 s1  }
0x538: {  	[bflag:$0x3] =	sbarrier.arrive $0xFFFF  }
0x539: {  	_ =	shalt  }

</sc_bundles>
